<compile_context>
chip_gen: v7x
topology: tpu7x:2x2x1
jax: 0.10.2.dev20260603
libtpu: 0.0.44.dev20260713+nightly
codegen_flags: <defaults>
</compile_context>

<pallas_src>
import jax
import jax.numpy as jnp
from jax import lax
from jax.experimental import pallas as pl
from jax.experimental.pallas import tpu as pltpu
from jax.experimental.pallas import tpu_sc as plsc

_N = 10000
_E = 160000
_ETOT = _E + _N
_HID = 128
_HEADS = 8
_HH = _HEADS * _HID
_L = 4
_ALPHA = 0.1

_NC = 2
_NS = 16
_CHUNK = 64
_CPT = 84
_EPT = _CHUNK * _CPT
_EPAD = _EPT * _NC * _NS
_NP = 10240
_RPT = _NP // _NS

_f32 = jnp.float32


def _elu(v):
    return jnp.where(v > 0.0, v, jnp.exp(jnp.minimum(v, 0.0)) - 1.0)


def _vgather16(v, idx):
    dn = lax.GatherDimensionNumbers(
        offset_dims=(), collapsed_slice_dims=(0,), start_index_map=(0,))
    return lax.gather(v, idx[:, None], dn, slice_sizes=(1,),
                      mode=lax.GatherScatterMode.PROMISE_IN_BOUNDS)


def _mesh():
    return plsc.VectorSubcoreMesh(core_axis_name="c", subcore_axis_name="s",
                                  num_cores=_NC, num_subcores=_NS)



def _tc_in_body(x_ref, w_ref, b_ref, o_ref):
    o_ref[...] = _elu(
        jnp.dot(x_ref[...], w_ref[...], preferred_element_type=_f32)
        + b_ref[...])


def _tc_in(x, W, b):
    return pl.pallas_call(
        _tc_in_body,
        out_shape=jax.ShapeDtypeStruct((_N, _HID), _f32),
    )(x, W, b.reshape(1, _HID))


def _tc_pre_body(h_ref, wlo_ref, whi_ref, wt_ref, lo_ref, hi_ref, t_ref):
    h = h_ref[...]
    lo_ref[...] = jnp.dot(h, wlo_ref[...], preferred_element_type=_f32)
    hi_ref[...] = jnp.dot(h, whi_ref[...], preferred_element_type=_f32)
    t_ref[...] = jnp.dot(h, wt_ref[...], preferred_element_type=_f32)


def _tc_pre(h, Wlo, Whi, Wt):
    br = 1000
    hh2 = _HH // 2
    return pl.pallas_call(
        _tc_pre_body,
        grid=(_N // br,),
        in_specs=[pl.BlockSpec((br, _HID), lambda i: (i, 0)),
                  pl.BlockSpec((_HID, hh2), lambda i: (0, 0)),
                  pl.BlockSpec((_HID, hh2), lambda i: (0, 0)),
                  pl.BlockSpec((_HID, 16), lambda i: (0, 0))],
        out_specs=[pl.BlockSpec((br, hh2), lambda i: (i, 0)),
                   pl.BlockSpec((br, hh2), lambda i: (i, 0)),
                   pl.BlockSpec((br, 16), lambda i: (i, 0))],
        out_shape=[jax.ShapeDtypeStruct((_N, hh2), _f32),
                   jax.ShapeDtypeStruct((_N, hh2), _f32),
                   jax.ShapeDtypeStruct((_N, 16), _f32)],
    )(h, Wlo, Whi, Wt)


def _tc_post_body(p0l_ref, p1l_ref, p0h_ref, p1h_ref, hprev_ref,
                  b_ref, ga_ref, be_ref, o_ref):
    hw = _HID // 2
    for j, (a_ref, b2_ref) in enumerate([(p0l_ref, p1l_ref),
                                         (p0h_ref, p1h_ref)]):
        sl = slice(j * hw, (j + 1) * hw)
        g = a_ref[0:_N, :] + b2_ref[0:_N, :] + b_ref[:, sl]
        mu = jnp.mean(g, axis=0, keepdims=True)
        xc = g - mu
        var = jnp.mean(xc * xc, axis=0, keepdims=True)
        gn = xc * lax.rsqrt(var + 1e-5) * ga_ref[:, sl] + be_ref[:, sl]
        o_ref[:, sl] = _elu((1.0 - _ALPHA) * gn
                            + _ALPHA * hprev_ref[:, sl])


def _tc_post(p0l, p1l, p0h, p1h, hprev, b, gamma, beta):
    return pl.pallas_call(
        _tc_post_body,
        out_shape=jax.ShapeDtypeStruct((_N, _HID), _f32),
    )(p0l, p1l, p0h, p1h, hprev, b.reshape(1, _HID),
      gamma.reshape(1, _HID), beta.reshape(1, _HID))


def _tc_head_body(h_ref, w1_ref, b1_ref, w2_ref, b2_ref, o_ref):
    z = _elu(jnp.dot(h_ref[...], w1_ref[...], preferred_element_type=_f32)
             + b1_ref[...])
    o_ref[...] = jnp.dot(z, w2_ref[...], preferred_element_type=_f32) \
        + b2_ref[...]


def _tc_head(h, W1, b1, W2p, b2p):
    return pl.pallas_call(
        _tc_head_body,
        out_shape=jax.ShapeDtypeStruct((_N, _HID), _f32),
    )(h, W1, b1.reshape(1, _HID // 2), W2p, b2p.reshape(1, _HID))



def _sc_a_body(t_hbm, src_hbm, dst_hbm, ex_hbm, den0_hbm, den1_hbm,
               sidx, didx, ts, td, exb, zbuf, den_sh, sem):
    c = lax.axis_index("c")
    s = lax.axis_index("s")
    wid = c * _NS + s

    def zrow(r, carry):
        zbuf[r, :] = jnp.zeros((16,), _f32)
        return carry
    lax.fori_loop(0, _RPT, zrow, 0)
    pltpu.sync_copy(zbuf, den_sh.at[pl.ds(s * _RPT, _RPT), :])
    plsc.subcore_barrier()

    def chunk_body(k, carry):
        base = wid * _EPT + k * _CHUNK
        pltpu.sync_copy(src_hbm.at[pl.ds(base, _CHUNK)], sidx)
        pltpu.sync_copy(dst_hbm.at[pl.ds(base, _CHUNK)], didx)
        pltpu.async_copy(t_hbm.at[sidx], ts, sem).wait()
        pltpu.async_copy(t_hbm.at[didx], td, sem).wait()

        def edge(e, c2):
            lane = lax.iota(jnp.int32, 16)
            shift8 = jnp.minimum(lane + 8, 15)
            srow = ts[e, :]
            drow = _vgather16(td[e, :], shift8)
            esum = srow + drow
            lr = jnp.where(esum >= 0.0, esum, 0.2 * esum)
            ex = jnp.exp(lr)
            bound = jnp.where(base + e < _ETOT, 8, 0)
            bv = jnp.full((16,), bound, jnp.int32)
            exb[e, :] = jnp.where(lane < bv, ex, 0.0)
            return c2
        lax.fori_loop(0, _CHUNK, edge, 0)
        pltpu.sync_copy(exb, ex_hbm.at[pl.ds(base, _CHUNK), :])
        pltpu.sync_copy(exb, den_sh.at[didx], add=True)
        return carry
    lax.fori_loop(0, _CPT, chunk_body, 0)
    plsc.subcore_barrier()

    @pl.when(c == 0)
    def _():
        pltpu.sync_copy(den_sh.at[pl.ds(s * _RPT, _RPT), :],
                        den0_hbm.at[pl.ds(s * _RPT, _RPT), :])

    @pl.when(c == 1)
    def _():
        pltpu.sync_copy(den_sh.at[pl.ds(s * _RPT, _RPT), :],
                        den1_hbm.at[pl.ds(s * _RPT, _RPT), :])


def _sc_pass_a(T, src, dst):
    return pl.kernel(
        _sc_a_body,
        out_type=[jax.ShapeDtypeStruct((_EPAD, 16), _f32),
                  jax.ShapeDtypeStruct((_NP, 16), _f32),
                  jax.ShapeDtypeStruct((_NP, 16), _f32)],
        mesh=_mesh(),
        compiler_params=pltpu.CompilerParams(use_tc_tiling_on_sc=False),
        scratch_types=[
            pltpu.VMEM((_CHUNK,), jnp.int32),
            pltpu.VMEM((_CHUNK,), jnp.int32),
            pltpu.VMEM((_CHUNK, 16), _f32),
            pltpu.VMEM((_CHUNK, 16), _f32),
            pltpu.VMEM((_CHUNK, 16), _f32),
            pltpu.VMEM((_RPT, 16), _f32),
            pltpu.VMEM_SHARED((_NP, 16), _f32),
            pltpu.SemaphoreType.DMA,
        ],
    )(T, src, dst)


def _sc_b_body(src_hbm, dst_hbm, ex_hbm, den0_hbm, den1_hbm,
               lo_hbm, hi_hbm,
               o0l_hbm, o1l_hbm, o0h_hbm, o1h_hbm,
               sidx, didx, exb, d0, d1, alb, rows, msg, zbuf, out_sh, sem):
    c = lax.axis_index("c")
    s = lax.axis_index("s")
    wid = c * _NS + s
    hw = _HID // 2

    for half, (hp_hbm, oa_hbm, ob_hbm) in enumerate(
            [(lo_hbm, o0l_hbm, o1l_hbm), (hi_hbm, o0h_hbm, o1h_hbm)]):
        def zrow(r, carry):
            for cs in range(hw // 16):
                zbuf[r, cs * 16:(cs + 1) * 16] = jnp.zeros((16,), _f32)
            return carry
        lax.fori_loop(0, 128, zrow, 0)
        for j in range(5):
            pltpu.sync_copy(zbuf,
                            out_sh.at[pl.ds(s * _RPT + j * 128, 128), :])
        plsc.subcore_barrier()

        def chunk_body(k, carry):
            base = wid * _EPT + k * _CHUNK
            pltpu.sync_copy(src_hbm.at[pl.ds(base, _CHUNK)], sidx)
            pltpu.sync_copy(dst_hbm.at[pl.ds(base, _CHUNK)], didx)
            pltpu.sync_copy(ex_hbm.at[pl.ds(base, _CHUNK), :], exb)
            pltpu.async_copy(hp_hbm.at[sidx], rows, sem).wait()
            pltpu.async_copy(den0_hbm.at[didx], d0, sem).wait()
            pltpu.async_copy(den1_hbm.at[didx], d1, sem).wait()

            def alpha(e, c2):
                alb[e, :] = (exb[e, :]
                             / (d0[e, :] + d1[e, :] + 1e-16) * 0.125)
                return c2
            lax.fori_loop(0, _CHUNK, alpha, 0)

            def message(e, c2):
                accs = [jnp.zeros((16,), _f32) for _ in range(hw // 16)]
                arow = alb[e, :]
                for h in range(_HEADS):
                    ah = _vgather16(arow, jnp.full((16,), h, jnp.int32))
                    for cs in range(hw // 16):
                        off = h * hw + cs * 16
                        accs[cs] = accs[cs] + ah * rows[e, off:off + 16]
                for cs in range(hw // 16):
                    msg[e, cs * 16:(cs + 1) * 16] = accs[cs]
                return c2
            lax.fori_loop(0, _CHUNK, message, 0)
            pltpu.sync_copy(msg, out_sh.at[didx], add=True)
            return carry
        lax.fori_loop(0, _CPT, chunk_body, 0)
        plsc.subcore_barrier()

        @pl.when(c == 0)
        def _():
            pltpu.sync_copy(out_sh.at[pl.ds(s * _RPT, _RPT), :],
                            oa_hbm.at[pl.ds(s * _RPT, _RPT), :])

        @pl.when(c == 1)
        def _():
            pltpu.sync_copy(out_sh.at[pl.ds(s * _RPT, _RPT), :],
                            ob_hbm.at[pl.ds(s * _RPT, _RPT), :])
        plsc.subcore_barrier()


def _sc_pass_b(src, dst, ex, den0, den1, hp_lo, hp_hi):
    hw = _HID // 2
    return pl.kernel(
        _sc_b_body,
        out_type=[jax.ShapeDtypeStruct((_NP, hw), _f32),
                  jax.ShapeDtypeStruct((_NP, hw), _f32),
                  jax.ShapeDtypeStruct((_NP, hw), _f32),
                  jax.ShapeDtypeStruct((_NP, hw), _f32)],
        mesh=_mesh(),
        compiler_params=pltpu.CompilerParams(use_tc_tiling_on_sc=False),
        scratch_types=[
            pltpu.VMEM((_CHUNK,), jnp.int32),
            pltpu.VMEM((_CHUNK,), jnp.int32),
            pltpu.VMEM((_CHUNK, 16), _f32),
            pltpu.VMEM((_CHUNK, 16), _f32),
            pltpu.VMEM((_CHUNK, 16), _f32),
            pltpu.VMEM((_CHUNK, 16), _f32),
            pltpu.VMEM((_CHUNK, _HH // 2), _f32),
            pltpu.VMEM((_CHUNK, _HID // 2), _f32),
            pltpu.VMEM((128, _HID // 2), _f32),
            pltpu.VMEM_SHARED((_NP, _HID // 2), _f32),
            pltpu.SemaphoreType.DMA,
        ],
    )(src, dst, ex, den0, den1, hp_lo, hp_hi)



@jax.jit
def kernel(x, edge_index, W_in, b_in, W_gat, att_src, att_dst, b_gat,
           bn_gamma, bn_beta, W1, b1, W2, b2):
    loops = jnp.arange(_N, dtype=jnp.int32)
    pad = jnp.zeros((_EPAD - _ETOT,), jnp.int32)
    srcp = jnp.concatenate([edge_index[0].astype(jnp.int32), loops, pad])
    dstp = jnp.concatenate([edge_index[1].astype(jnp.int32), loops, pad])

    eye = jnp.eye(_HEADS, dtype=_f32)
    A_s = (att_src[:, :, :, None] * eye[:, None, :]).reshape(_L, _HH, _HEADS)
    A_d = (att_dst[:, :, :, None] * eye[:, None, :]).reshape(_L, _HH, _HEADS)
    A = jnp.concatenate([A_s, A_d], axis=-1)
    Wt = jnp.einsum('lij,ljk->lik', W_gat, A)

    W4 = W_gat.reshape(_L, _HID, _HEADS, _HID)
    W_lo = W4[:, :, :, :_HID // 2].reshape(_L, _HID, _HH // 2)
    W_hi = W4[:, :, :, _HID // 2:].reshape(_L, _HID, _HH // 2)

    W2p = jnp.zeros((_HID // 2, _HID), _f32).at[:, :2].set(W2)
    b2p = jnp.zeros((_HID,), _f32).at[:2].set(b2)

    h0 = _tc_in(x, W_in, b_in)

    def step(h, xs):
        wlo, whi, wt, bg, ga, be = xs
        hp_lo, hp_hi, T = _tc_pre(h, wlo, whi, wt)
        ex, den0, den1 = _sc_pass_a(T, srcp, dstp)
        o0l, o1l, o0h, o1h = _sc_pass_b(srcp, dstp, ex, den0, den1,
                                        hp_lo, hp_hi)
        h2 = _tc_post(o0l, o1l, o0h, o1h, h, bg, ga, be)
        return h2, None

    h, _ = lax.scan(step, h0, (W_lo, W_hi, Wt, b_gat, bn_gamma, bn_beta))
    out = _tc_head(h, W1, b1, W2p, b2p)
    return out[:, :2]

# --- scband reference (transcript-rebuilt; emitter-appended) ---
"""Pipeline reference for scband-deep-gat-12017318494742 (READ-ONLY COPY).

The authoritative reference and input builder live on the scoring server;
editing this copy changes nothing except your own understanding.
"""

import jax, jax.numpy as jnp
import numpy as np

N = 10000
E = 160000
D_IN = 128
HID = 128
HEADS = 8
L = 4
ALPHA = 0.1
NUM_CLASSES = 2


def setup_inputs(seed: int = 0):
    key = jax.random.key(seed)
    ks = jax.random.split(key, 14)
    x = jax.random.normal(ks[0], (N, D_IN), dtype=jnp.float32)
    edge_index = jax.random.randint(ks[1], (2, E), 0, N, dtype=jnp.int32)
    W_in = jax.random.normal(ks[2], (D_IN, HID), dtype=jnp.float32) * 0.05
    b_in = jnp.zeros((HID,), jnp.float32)
    W_gat = jax.random.normal(ks[3], (L, HID, HEADS * HID), dtype=jnp.float32) * 0.05
    att_src = jax.random.normal(ks[4], (L, HEADS, HID), dtype=jnp.float32) * 0.05
    att_dst = jax.random.normal(ks[5], (L, HEADS, HID), dtype=jnp.float32) * 0.05
    b_gat = jnp.zeros((L, HID), jnp.float32)
    bn_gamma = jnp.ones((L, HID), jnp.float32)
    bn_beta = jnp.zeros((L, HID), jnp.float32)
    W1 = jax.random.normal(ks[6], (HID, HID // 2), dtype=jnp.float32) * 0.05
    b1 = jnp.zeros((HID // 2,), jnp.float32)
    W2 = jax.random.normal(ks[7], (HID // 2, NUM_CLASSES), dtype=jnp.float32) * 0.05
    b2 = jnp.zeros((NUM_CLASSES,), jnp.float32)
    return {"x": x, "edge_index": edge_index, "W_in": W_in, "b_in": b_in,
            "W_gat": W_gat, "att_src": att_src, "att_dst": att_dst, "b_gat": b_gat,
            "bn_gamma": bn_gamma, "bn_beta": bn_beta,
            "W1": W1, "b1": b1, "W2": W2, "b2": b2}


def _gat_conv(h, src, dst, W, a_s, a_d, b):
    # PyG GATConv with concat=False: mean over heads; self-loops added by caller.
    n = h.shape[0]
    hp = (h @ W).reshape(n, HEADS, HID)
    e_s = jnp.sum(hp * a_s[None, :, :], axis=-1)  # [N, H]
    e_d = jnp.sum(hp * a_d[None, :, :], axis=-1)  # [N, H]
    e = e_s[src] + e_d[dst]                        # [E, H]
    e = jax.nn.leaky_relu(e, 0.2)
    m = jax.ops.segment_max(e, dst, num_segments=n)
    ex = jnp.exp(e - m[dst])
    den = jax.ops.segment_sum(ex, dst, num_segments=n)
    alpha = ex / (den[dst] + 1e-16)
    msg = hp[src] * alpha[:, :, None]              # [E, H, C]
    out = jax.ops.segment_sum(msg, dst, num_segments=n)
    return jnp.mean(out, axis=1) + b


def reference(x, edge_index, W_in, b_in, W_gat, att_src, att_dst, b_gat, bn_gamma, bn_beta, W1, b1, W2, b2):
    n = x.shape[0]
    loops = jnp.arange(n, dtype=edge_index.dtype)
    ei = jnp.concatenate([edge_index, jnp.stack([loops, loops])], axis=1)
    src, dst = ei[0], ei[1]
    h = jax.nn.elu(x @ W_in + b_in)
    for i in range(L):
        prev = h
        g = _gat_conv(h, src, dst, W_gat[i], att_src[i], att_dst[i], b_gat[i])
        mu = jnp.mean(g, axis=0)
        var = jnp.var(g, axis=0)
        g = (g - mu) / jnp.sqrt(var + 1e-5) * bn_gamma[i] + bn_beta[i]
        h = (1.0 - ALPHA) * g + ALPHA * prev
        h = jax.nn.elu(h)
    h = jax.nn.elu(h @ W1 + b1)
    return h @ W2 + b2

if __name__ == "__main__":
    import jax
    _d = setup_inputs()
    print(jax.jit(kernel)(*tuple(_d.values())))

</pallas_src>

<mosaic_0001>
#map = affine_map<(d0, d1) -> (0, 0)>
#map1 = affine_map<(d0, d1) -> (0)>
module attributes {stable_mosaic.version = 14 : i64} {
  func.func @_sc_a_body(%arg0: i32, %arg1: i32, %arg2: memref<10000x16xf32, #tpu.memory_space<hbm>>, %arg3: memref<172032xi32, #tpu.memory_space<hbm>>, %arg4: memref<172032xi32, #tpu.memory_space<hbm>>, %arg5: memref<172032x16xf32, #tpu.memory_space<hbm>>, %arg6: memref<10240x16xf32, #tpu.memory_space<hbm>>, %arg7: memref<10240x16xf32, #tpu.memory_space<hbm>>, %arg8: memref<64xi32, #tpu.memory_space<vmem>>, %arg9: memref<64xi32, #tpu.memory_space<vmem>>, %arg10: memref<64x16xf32, #tpu.memory_space<vmem>>, %arg11: memref<64x16xf32, #tpu.memory_space<vmem>>, %arg12: memref<64x16xf32, #tpu.memory_space<vmem>>, %arg13: memref<640x16xf32, #tpu.memory_space<vmem>>, %arg14: memref<10240x16xf32, #tpu.memory_space<vmem_shared>>, %arg15: memref<!tpu.dma_semaphore, #tpu.memory_space<semaphore_mem>>) attributes {dimension_semantics = [#tpu.dimension_semantics<core_parallel>, #tpu.dimension_semantics<subcore_parallel>], iteration_bounds = array<i64: 2, 16>, scalar_prefetch = 0 : i64, scratch_operands = 8 : i64, tpu.core_type = #tpu.core_type<sc_vector_subcore>, window_params = [{transform_indices = #map}, {transform_indices = #map1}, {transform_indices = #map1}, {transform_indices = #map}, {transform_indices = #map}, {transform_indices = #map}]} {
    %mul3A = arith.constant 16 : i32
    %mul3A_0 = arith.muli %arg0, %mul3A : i32
    %add3A = arith.addi %mul3A_0, %arg1 : i32
    %scan3A = arith.constant 0 : i32
    %scan3A_1 = arith.constant 0 : i32
    %scan3A_2 = arith.constant 640 : i32
    %scan3A_3 = arith.addi %scan3A_1, %scan3A_2 : i32
    %scan3A_4 = arith.constant 1 : i32
    scf.for %scan3A_22 = %scan3A_1 to %scan3A_3 step %scan3A_4  : i32 {
      %broadcast_in_dim3A = arith.constant 0.000000e+00 : f32
      %broadcast_in_dim3A_23 = vector.broadcast %broadcast_in_dim3A : f32 to vector<16xf32>
      %swap3A = arith.index_cast %scan3A_22 : i32 to index
      %swap3A_24 = arith.constant 0 : index
      %swap3A_25 = tpu.vector_load %arg13[%swap3A, %swap3A_24] {strides = array<i32>} : memref<640x16xf32, #tpu.memory_space<vmem>>, vector<1x16xf32>,
      %swap3A_26 = vector.shape_cast %swap3A_25 : vector<1x16xf32> to vector<16xf32>
      %swap3A_27 = vector.shape_cast %broadcast_in_dim3A_23 : vector<16xf32> to vector<1x16xf32>
      tpu.vector_store %arg13[%swap3A, %swap3A_24], %swap3A_27 {strides = array<i32>} : memref<640x16xf32, #tpu.memory_space<vmem>>, vector<1x16xf32>,
    }
    %scan3A_5 = arith.constant 640 : i32
    %mul3A_6 = arith.constant 640 : i32
    %mul3A_7 = arith.muli %arg1, %mul3A_6 : i32
    "tpu.region"() ({
      %run_scoped3A = tpu.sem_alloc : memref<!tpu.dma_semaphore, #tpu.memory_space<semaphore_mem>>
      %dma_start3A = arith.constant 0 : i32
      %dma_start3A_22 = tpu.memref_slice %arg14[%mul3A_7, %dma_start3A] : memref<10240x16xf32, #tpu.memory_space<vmem_shared>> -> memref<640x16xf32, #tpu.memory_space<vmem_shared>>
      %dma_start3A_23 = arith.constant 0 : i32
      %dma_start3A_24 = tpu.memref_slice %arg14[%mul3A_7, %dma_start3A_23] : memref<10240x16xf32, #tpu.memory_space<vmem_shared>> -> memref<640x16xf32, #tpu.memory_space<vmem_shared>>
      tpu.enqueue_dma source(%arg13 : memref<640x16xf32, #tpu.memory_space<vmem>>) target(%dma_start3A_24 : memref<640x16xf32, #tpu.memory_space<vmem_shared>>) target_semaphore(%run_scoped3A : memref<!tpu.dma_semaphore, #tpu.memory_space<semaphore_mem>>)
      %dma_wait3A = arith.constant 0 : i32
      %dma_wait3A_25 = tpu.memref_slice %arg14[%mul3A_7, %dma_wait3A] : memref<10240x16xf32, #tpu.memory_space<vmem_shared>> -> memref<640x16xf32, #tpu.memory_space<vmem_shared>>
      %dma_wait3A_26 = arith.constant 0 : i32
      %dma_wait3A_27 = tpu.memref_slice %arg14[%mul3A_7, %dma_wait3A_26] : memref<10240x16xf32, #tpu.memory_space<vmem_shared>> -> memref<640x16xf32, #tpu.memory_space<vmem_shared>>
      tpu.wait_dma2 semaphore(%run_scoped3A : memref<!tpu.dma_semaphore, #tpu.memory_space<semaphore_mem>>) src(%arg13 : memref<640x16xf32, #tpu.memory_space<vmem>>) dst(%dma_wait3A_27 : memref<640x16xf32, #tpu.memory_space<vmem_shared>>)
      tpu.yield
    }) : () -> ()
    %barrier3A = arith.constant 0 : index
    tpu.barrier barrier_id(%barrier3A)
    %scan3A_8 = arith.constant 0 : i32
    %scan3A_9 = arith.constant 0 : i32
    %scan3A_10 = arith.constant 84 : i32
    %scan3A_11 = arith.addi %scan3A_9, %scan3A_10 : i32
    %scan3A_12 = arith.constant 1 : i32
    scf.for %scan3A_22 = %scan3A_9 to %scan3A_11 step %scan3A_12  : i32 {
      %mul3A_23 = arith.constant 5376 : i32
      %mul3A_24 = arith.muli %add3A, %mul3A_23 : i32
      %mul3A_25 = arith.constant 64 : i32
      %mul3A_26 = arith.muli %scan3A_22, %mul3A_25 : i32
      %add3A_27 = arith.addi %mul3A_24, %mul3A_26 : i32
      "tpu.region"() ({
        %run_scoped3A = tpu.sem_alloc : memref<!tpu.dma_semaphore, #tpu.memory_space<semaphore_mem>>
        %dma_start3A_44 = tpu.memref_slice %arg3[%add3A_27] : memref<172032xi32, #tpu.memory_space<hbm>> -> memref<64xi32, #tpu.memory_space<hbm>>
        %dma_start3A_45 = tpu.memref_slice %arg3[%add3A_27] : memref<172032xi32, #tpu.memory_space<hbm>> -> memref<64xi32, #tpu.memory_space<hbm>>
        tpu.enqueue_dma source(%dma_start3A_45 : memref<64xi32, #tpu.memory_space<hbm>>) target(%arg8 : memref<64xi32, #tpu.memory_space<vmem>>) target_semaphore(%run_scoped3A : memref<!tpu.dma_semaphore, #tpu.memory_space<semaphore_mem>>)
        %dma_wait3A_46 = tpu.memref_slice %arg3[%add3A_27] : memref<172032xi32, #tpu.memory_space<hbm>> -> memref<64xi32, #tpu.memory_space<hbm>>
        %dma_wait3A_47 = tpu.memref_slice %arg3[%add3A_27] : memref<172032xi32, #tpu.memory_space<hbm>> -> memref<64xi32, #tpu.memory_space<hbm>>
        tpu.wait_dma2 semaphore(%run_scoped3A : memref<!tpu.dma_semaphore, #tpu.memory_space<semaphore_mem>>) src(%dma_wait3A_47 : memref<64xi32, #tpu.memory_space<hbm>>) dst(%arg8 : memref<64xi32, #tpu.memory_space<vmem>>)
        tpu.yield
      }) : () -> ()
      "tpu.region"() ({
        %run_scoped3A = tpu.sem_alloc : memref<!tpu.dma_semaphore, #tpu.memory_space<semaphore_mem>>
        %dma_start3A_44 = tpu.memref_slice %arg4[%add3A_27] : memref<172032xi32, #tpu.memory_space<hbm>> -> memref<64xi32, #tpu.memory_space<hbm>>
        %dma_start3A_45 = tpu.memref_slice %arg4[%add3A_27] : memref<172032xi32, #tpu.memory_space<hbm>> -> memref<64xi32, #tpu.memory_space<hbm>>
        tpu.enqueue_dma source(%dma_start3A_45 : memref<64xi32, #tpu.memory_space<hbm>>) target(%arg9 : memref<64xi32, #tpu.memory_space<vmem>>) target_semaphore(%run_scoped3A : memref<!tpu.dma_semaphore, #tpu.memory_space<semaphore_mem>>)
        %dma_wait3A_46 = tpu.memref_slice %arg4[%add3A_27] : memref<172032xi32, #tpu.memory_space<hbm>> -> memref<64xi32, #tpu.memory_space<hbm>>
        %dma_wait3A_47 = tpu.memref_slice %arg4[%add3A_27] : memref<172032xi32, #tpu.memory_space<hbm>> -> memref<64xi32, #tpu.memory_space<hbm>>
        tpu.wait_dma2 semaphore(%run_scoped3A : memref<!tpu.dma_semaphore, #tpu.memory_space<semaphore_mem>>) src(%dma_wait3A_47 : memref<64xi32, #tpu.memory_space<hbm>>) dst(%arg9 : memref<64xi32, #tpu.memory_space<vmem>>)
        tpu.yield
      }) : () -> ()
      %dma_start3A = arith.constant 0 : i32
      %dma_start3A_28 = arith.constant 0 : i32
      %dma_start3A_29 = tpu.memref_slice %arg2[%dma_start3A, %dma_start3A_28] : memref<10000x16xf32, #tpu.memory_space<hbm>> -> memref<10000x16xf32, #tpu.memory_space<hbm>>
      tpu.enqueue_indirect_dma source(%dma_start3A_29 : memref<10000x16xf32, #tpu.memory_space<hbm>>) target(%arg10 : memref<64x16xf32, #tpu.memory_space<vmem>>) offsets(%arg8 : memref<64xi32, #tpu.memory_space<vmem>>) semaphore(%arg15 : memref<!tpu.dma_semaphore, #tpu.memory_space<semaphore_mem>>)
      %dma_wait3A = arith.constant 0 : i32
      %dma_wait3A_30 = arith.constant 0 : i32
      %dma_wait3A_31 = tpu.memref_slice %arg2[%dma_wait3A, %dma_wait3A_30] : memref<10000x16xf32, #tpu.memory_space<hbm>> -> memref<10000x16xf32, #tpu.memory_space<hbm>>
      tpu.wait_indirect_dma semaphore(%arg15 : memref<!tpu.dma_semaphore, #tpu.memory_space<semaphore_mem>>) src(%dma_wait3A_31 : memref<10000x16xf32, #tpu.memory_space<hbm>>) dst(%arg10 : memref<64x16xf32, #tpu.memory_space<vmem>>)
      %dma_start3A_32 = arith.constant 0 : i32
      %dma_start3A_33 = arith.constant 0 : i32
      %dma_start3A_34 = tpu.memref_slice %arg2[%dma_start3A_32, %dma_start3A_33] : memref<10000x16xf32, #tpu.memory_space<hbm>> -> memref<10000x16xf32, #tpu.memory_space<hbm>>
      tpu.enqueue_indirect_dma source(%dma_start3A_34 : memref<10000x16xf32, #tpu.memory_space<hbm>>) target(%arg11 : memref<64x16xf32, #tpu.memory_space<vmem>>) offsets(%arg9 : memref<64xi32, #tpu.memory_space<vmem>>) semaphore(%arg15 : memref<!tpu.dma_semaphore, #tpu.memory_space<semaphore_mem>>)
      %dma_wait3A_35 = arith.constant 0 : i32
      %dma_wait3A_36 = arith.constant 0 : i32
      %dma_wait3A_37 = tpu.memref_slice %arg2[%dma_wait3A_35, %dma_wait3A_36] : memref<10000x16xf32, #tpu.memory_space<hbm>> -> memref<10000x16xf32, #tpu.memory_space<hbm>>
      tpu.wait_indirect_dma semaphore(%arg15 : memref<!tpu.dma_semaphore, #tpu.memory_space<semaphore_mem>>) src(%dma_wait3A_37 : memref<10000x16xf32, #tpu.memory_space<hbm>>) dst(%arg11 : memref<64x16xf32, #tpu.memory_space<vmem>>)
      %scan3A_38 = arith.constant 0 : i32
      %scan3A_39 = arith.constant 0 : i32
      %scan3A_40 = arith.constant 64 : i32
      %scan3A_41 = arith.addi %scan3A_39, %scan3A_40 : i32
      %scan3A_42 = arith.constant 1 : i32
      scf.for %scan3A_44 = %scan3A_39 to %scan3A_41 step %scan3A_42  : i32 {
        %iota3A = tpu.iota {dimensions = array<i32: 0>} : vector<16xi32>
        %add3A_45 = arith.constant 8 : i32
        %add3A_46 = vector.broadcast %add3A_45 : i32 to vector<16xi32>
        %add3A_47 = arith.addi %iota3A, %add3A_46 : vector<16xi32>
        %min3A = arith.constant 15 : i32
        %min3A_48 = vector.broadcast %min3A : i32 to vector<16xi32>
        %min3A_49 = arith.minsi %add3A_47, %min3A_48 : vector<16xi32>
        %get3A = arith.index_cast %scan3A_44 : i32 to index
        %get3A_50 = arith.constant 0 : index
        %get3A_51 = tpu.vector_load %arg10[%get3A, %get3A_50] {strides = array<i32>} : memref<64x16xf32, #tpu.memory_space<vmem>>, vector<1x16xf32>,
        %get3A_52 = vector.shape_cast %get3A_51 : vector<1x16xf32> to vector<16xf32>
        %get3A_53 = arith.index_cast %scan3A_44 : i32 to index
        %get3A_54 = arith.constant 0 : index
        %get3A_55 = tpu.vector_load %arg11[%get3A_53, %get3A_54] {strides = array<i32>} : memref<64x16xf32, #tpu.memory_space<vmem>>, vector<1x16xf32>,
        %get3A_56 = vector.shape_cast %get3A_55 : vector<1x16xf32> to vector<16xf32>
        %broadcast_in_dim3A = vector.shape_cast %min3A_49 : vector<16xi32> to vector<16x1xi32>
        %gather3A = vector.shape_cast %broadcast_in_dim3A : vector<16x1xi32> to vector<16xi32>
        %gather3A_57 = tpu.dynamic_gather %get3A_56[%gather3A] in [0] : vector<16xf32>, vector<16xi32> -> vector<16xf32>
        %add3A_58 = arith.addf %get3A_52, %gather3A_57 : vector<16xf32>
        %ge3A = arith.constant 0.000000e+00 : f32
        %ge3A_59 = vector.broadcast %ge3A : f32 to vector<16xf32>
        %ge3A_60 = arith.cmpf oge, %add3A_58, %ge3A_59 : vector<16xf32>
        %mul3A_61 = arith.constant 2.000000e-01 : f32
        %mul3A_62 = vector.broadcast %mul3A_61 : f32 to vector<16xf32>
        %mul3A_63 = arith.mulf %mul3A_62, %add3A_58 : vector<16xf32>
        %select_n3A = arith.select %ge3A_60, %add3A_58, %mul3A_63 : vector<16xi1>, vector<16xf32>
        %exp3A = math.exp %select_n3A : vector<16xf32>
        %add3A_64 = arith.addi %add3A_27, %scan3A_44 : i32
        %lt3A = arith.constant 170000 : i32
        %lt3A_65 = arith.cmpi slt, %add3A_64, %lt3A : i32
        %jit3A = arith.constant 8 : i32
        %jit3A_66 = arith.constant 0 : i32
        %select_n3A_67 = arith.select %lt3A_65, %jit3A, %jit3A_66 : i32
        %broadcast_in_dim3A_68 = vector.broadcast %select_n3A_67 : i32 to vector<16xi32>
        %lt3A_69 = arith.cmpi slt, %iota3A, %broadcast_in_dim3A_68 : vector<16xi32>
        %jit3A_70 = arith.constant 0.000000e+00 : f32
        %broadcast_in_dim3A_71 = vector.broadcast %jit3A_70 : f32 to vector<16xf32>
        %select_n3A_72 = arith.select %lt3A_69, %exp3A, %broadcast_in_dim3A_71 : vector<16xi1>, vector<16xf32>
        %swap3A = arith.index_cast %scan3A_44 : i32 to index
        %swap3A_73 = arith.constant 0 : index
        %swap3A_74 = tpu.vector_load %arg12[%swap3A, %swap3A_73] {strides = array<i32>} : memref<64x16xf32, #tpu.memory_space<vmem>>, vector<1x16xf32>,
        %swap3A_75 = vector.shape_cast %swap3A_74 : vector<1x16xf32> to vector<16xf32>
        %swap3A_76 = vector.shape_cast %select_n3A_72 : vector<16xf32> to vector<1x16xf32>
        tpu.vector_store %arg12[%swap3A, %swap3A_73], %swap3A_76 {strides = array<i32>} : memref<64x16xf32, #tpu.memory_space<vmem>>, vector<1x16xf32>,
      }
      %scan3A_43 = arith.constant 64 : i32
      "tpu.region"() ({
        %run_scoped3A = tpu.sem_alloc : memref<!tpu.dma_semaphore, #tpu.memory_space<semaphore_mem>>
        %dma_start3A_44 = arith.constant 0 : i32
        %dma_start3A_45 = tpu.memref_slice %arg5[%add3A_27, %dma_start3A_44] : memref<172032x16xf32, #tpu.memory_space<hbm>> -> memref<64x16xf32, #tpu.memory_space<hbm>>
        %dma_start3A_46 = arith.constant 0 : i32
        %dma_start3A_47 = tpu.memref_slice %arg5[%add3A_27, %dma_start3A_46] : memref<172032x16xf32, #tpu.memory_space<hbm>> -> memref<64x16xf32, #tpu.memory_space<hbm>>
        tpu.enqueue_dma source(%arg12 : memref<64x16xf32, #tpu.memory_space<vmem>>) target(%dma_start3A_47 : memref<64x16xf32, #tpu.memory_space<hbm>>) target_semaphore(%run_scoped3A : memref<!tpu.dma_semaphore, #tpu.memory_space<semaphore_mem>>)
        %dma_wait3A_48 = arith.constant 0 : i32
        %dma_wait3A_49 = tpu.memref_slice %arg5[%add3A_27, %dma_wait3A_48] : memref<172032x16xf32, #tpu.memory_space<hbm>> -> memref<64x16xf32, #tpu.memory_space<hbm>>
        %dma_wait3A_50 = arith.constant 0 : i32
        %dma_wait3A_51 = tpu.memref_slice %arg5[%add3A_27, %dma_wait3A_50] : memref<172032x16xf32, #tpu.memory_space<hbm>> -> memref<64x16xf32, #tpu.memory_space<hbm>>
        tpu.wait_dma2 semaphore(%run_scoped3A : memref<!tpu.dma_semaphore, #tpu.memory_space<semaphore_mem>>) src(%arg12 : memref<64x16xf32, #tpu.memory_space<vmem>>) dst(%dma_wait3A_51 : memref<64x16xf32, #tpu.memory_space<hbm>>)
        tpu.yield
      }) : () -> ()
      "tpu.region"() ({
        %run_scoped3A = tpu.sem_alloc : memref<!tpu.dma_semaphore, #tpu.memory_space<semaphore_mem>>
        %dma_start3A_44 = arith.constant 0 : i32
        %dma_start3A_45 = arith.constant 0 : i32
        %dma_start3A_46 = tpu.memref_slice %arg14[%dma_start3A_44, %dma_start3A_45] : memref<10240x16xf32, #tpu.memory_space<vmem_shared>> -> memref<10240x16xf32, #tpu.memory_space<vmem_shared>>
        tpu.enqueue_indirect_dma source(%arg12 : memref<64x16xf32, #tpu.memory_space<vmem>>) target(%dma_start3A_46 : memref<10240x16xf32, #tpu.memory_space<vmem_shared>>) offsets(%arg9 : memref<64xi32, #tpu.memory_space<vmem>>) semaphore(%run_scoped3A : memref<!tpu.dma_semaphore, #tpu.memory_space<semaphore_mem>>) {add = true}
        %dma_wait3A_47 = arith.constant 0 : i32
        %dma_wait3A_48 = arith.constant 0 : i32
        %dma_wait3A_49 = tpu.memref_slice %arg14[%dma_wait3A_47, %dma_wait3A_48] : memref<10240x16xf32, #tpu.memory_space<vmem_shared>> -> memref<10240x16xf32, #tpu.memory_space<vmem_shared>>
        tpu.wait_indirect_dma semaphore(%run_scoped3A : memref<!tpu.dma_semaphore, #tpu.memory_space<semaphore_mem>>) src(%arg12 : memref<64x16xf32, #tpu.memory_space<vmem>>) dst(%dma_wait3A_49 : memref<10240x16xf32, #tpu.memory_space<vmem_shared>>)
        tpu.yield
      }) : () -> ()
    }
    %scan3A_13 = arith.constant 84 : i32
    %barrier3A_14 = arith.constant 0 : index
    tpu.barrier barrier_id(%barrier3A_14)
    %eq3A = arith.constant 0 : i32
    %eq3A_15 = arith.cmpi eq, %arg0, %eq3A : i32
    %convert_element_type3A = arith.extui %eq3A_15 : i1 to i32
    %cond3A = arith.constant 0 : i32
    %cond3A_16 = arith.cmpi ne, %convert_element_type3A, %cond3A : i32
    scf.if %cond3A_16 {
      %mul3A_22 = arith.constant 640 : i32
      %mul3A_23 = arith.muli %arg1, %mul3A_22 : i32
      %mul3A_24 = arith.constant 640 : i32
      %mul3A_25 = arith.muli %arg1, %mul3A_24 : i32
      "tpu.region"() ({
        %run_scoped3A = tpu.sem_alloc : memref<!tpu.dma_semaphore, #tpu.memory_space<semaphore_mem>>
        %dma_start3A = arith.constant 0 : i32
        %dma_start3A_26 = tpu.memref_slice %arg6[%mul3A_25, %dma_start3A] : memref<10240x16xf32, #tpu.memory_space<hbm>> -> memref<640x16xf32, #tpu.memory_space<hbm>>
        %dma_start3A_27 = arith.constant 0 : i32
        %dma_start3A_28 = tpu.memref_slice %arg14[%mul3A_23, %dma_start3A_27] : memref<10240x16xf32, #tpu.memory_space<vmem_shared>> -> memref<640x16xf32, #tpu.memory_space<vmem_shared>>
        tpu.enqueue_dma source(%dma_start3A_28 : memref<640x16xf32, #tpu.memory_space<vmem_shared>>) target(%dma_start3A_26 : memref<640x16xf32, #tpu.memory_space<hbm>>) target_semaphore(%run_scoped3A : memref<!tpu.dma_semaphore, #tpu.memory_space<semaphore_mem>>)
        %dma_wait3A = arith.constant 0 : i32
        %dma_wait3A_29 = tpu.memref_slice %arg6[%mul3A_25, %dma_wait3A] : memref<10240x16xf32, #tpu.memory_space<hbm>> -> memref<640x16xf32, #tpu.memory_space<hbm>>
        %dma_wait3A_30 = arith.constant 0 : i32
        %dma_wait3A_31 = tpu.memref_slice %arg14[%mul3A_23, %dma_wait3A_30] : memref<10240x16xf32, #tpu.memory_space<vmem_shared>> -> memref<640x16xf32, #tpu.memory_space<vmem_shared>>
        tpu.wait_dma2 semaphore(%run_scoped3A : memref<!tpu.dma_semaphore, #tpu.memory_space<semaphore_mem>>) src(%dma_wait3A_31 : memref<640x16xf32, #tpu.memory_space<vmem_shared>>) dst(%dma_wait3A_29 : memref<640x16xf32, #tpu.memory_space<hbm>>)
        tpu.yield
      }) : () -> ()
    } else {
    }
    %eq3A_17 = arith.constant 1 : i32
    %eq3A_18 = arith.cmpi eq, %arg0, %eq3A_17 : i32
    %convert_element_type3A_19 = arith.extui %eq3A_18 : i1 to i32
    %cond3A_20 = arith.constant 0 : i32
    %cond3A_21 = arith.cmpi ne, %convert_element_type3A_19, %cond3A_20 : i32
    scf.if %cond3A_21 {
      %mul3A_22 = arith.constant 640 : i32
      %mul3A_23 = arith.muli %arg1, %mul3A_22 : i32
      %mul3A_24 = arith.constant 640 : i32
      %mul3A_25 = arith.muli %arg1, %mul3A_24 : i32
      "tpu.region"() ({
        %run_scoped3A = tpu.sem_alloc : memref<!tpu.dma_semaphore, #tpu.memory_space<semaphore_mem>>
        %dma_start3A = arith.constant 0 : i32
        %dma_start3A_26 = tpu.memref_slice %arg7[%mul3A_25, %dma_start3A] : memref<10240x16xf32, #tpu.memory_space<hbm>> -> memref<640x16xf32, #tpu.memory_space<hbm>>
        %dma_start3A_27 = arith.constant 0 : i32
        %dma_start3A_28 = tpu.memref_slice %arg14[%mul3A_23, %dma_start3A_27] : memref<10240x16xf32, #tpu.memory_space<vmem_shared>> -> memref<640x16xf32, #tpu.memory_space<vmem_shared>>
        tpu.enqueue_dma source(%dma_start3A_28 : memref<640x16xf32, #tpu.memory_space<vmem_shared>>) target(%dma_start3A_26 : memref<640x16xf32, #tpu.memory_space<hbm>>) target_semaphore(%run_scoped3A : memref<!tpu.dma_semaphore, #tpu.memory_space<semaphore_mem>>)
        %dma_wait3A = arith.constant 0 : i32
        %dma_wait3A_29 = tpu.memref_slice %arg7[%mul3A_25, %dma_wait3A] : memref<10240x16xf32, #tpu.memory_space<hbm>> -> memref<640x16xf32, #tpu.memory_space<hbm>>
        %dma_wait3A_30 = arith.constant 0 : i32
        %dma_wait3A_31 = tpu.memref_slice %arg14[%mul3A_23, %dma_wait3A_30] : memref<10240x16xf32, #tpu.memory_space<vmem_shared>> -> memref<640x16xf32, #tpu.memory_space<vmem_shared>>
        tpu.wait_dma2 semaphore(%run_scoped3A : memref<!tpu.dma_semaphore, #tpu.memory_space<semaphore_mem>>) src(%dma_wait3A_31 : memref<640x16xf32, #tpu.memory_space<vmem_shared>>) dst(%dma_wait3A_29 : memref<640x16xf32, #tpu.memory_space<hbm>>)
        tpu.yield
      }) : () -> ()
    } else {
    }
    return
  }
}

#map = affine_map<(d0, d1) -> (0)>
#map1 = affine_map<(d0, d1) -> (0, 0)>
module attributes {stable_mosaic.version = 14 : i64} {
  func.func @_sc_b_body(%arg0: i32, %arg1: i32, %arg2: memref<172032xi32, #tpu.memory_space<hbm>>, %arg3: memref<172032xi32, #tpu.memory_space<hbm>>, %arg4: memref<172032x16xf32, #tpu.memory_space<hbm>>, %arg5: memref<10240x16xf32, #tpu.memory_space<hbm>>, %arg6: memref<10240x16xf32, #tpu.memory_space<hbm>>, %arg7: memref<10000x512xf32, #tpu.memory_space<hbm>>, %arg8: memref<10000x512xf32, #tpu.memory_space<hbm>>, %arg9: memref<10240x64xf32, #tpu.memory_space<hbm>>, %arg10: memref<10240x64xf32, #tpu.memory_space<hbm>>, %arg11: memref<10240x64xf32, #tpu.memory_space<hbm>>, %arg12: memref<10240x64xf32, #tpu.memory_space<hbm>>, %arg13: memref<64xi32, #tpu.memory_space<vmem>>, %arg14: memref<64xi32, #tpu.memory_space<vmem>>, %arg15: memref<64x16xf32, #tpu.memory_space<vmem>>, %arg16: memref<64x16xf32, #tpu.memory_space<vmem>>, %arg17: memref<64x16xf32, #tpu.memory_space<vmem>>, %arg18: memref<64x16xf32, #tpu.memory_space<vmem>>, %arg19: memref<64x512xf32, #tpu.memory_space<vmem>>, %arg20: memref<64x64xf32, #tpu.memory_space<vmem>>, %arg21: memref<128x64xf32, #tpu.memory_space<vmem>>, %arg22: memref<10240x64xf32, #tpu.memory_space<vmem_shared>>, %arg23: memref<!tpu.dma_semaphore, #tpu.memory_space<semaphore_mem>>) attributes {dimension_semantics = [#tpu.dimension_semantics<core_parallel>, #tpu.dimension_semantics<subcore_parallel>], iteration_bounds = array<i64: 2, 16>, scalar_prefetch = 0 : i64, scratch_operands = 11 : i64, tpu.core_type = #tpu.core_type<sc_vector_subcore>, window_params = [{transform_indices = #map}, {transform_indices = #map}, {transform_indices = #map1}, {transform_indices = #map1}, {transform_indices = #map1}, {transform_indices = #map1}, {transform_indices = #map1}, {transform_indices = #map1}, {transform_indices = #map1}, {transform_indices = #map1}, {transform_indices = #map1}]} {
    %mul3A = arith.constant 16 : i32
    %mul3A_0 = arith.muli %arg0, %mul3A : i32
    %add3A = arith.addi %mul3A_0, %arg1 : i32
    %scan3A = arith.constant 0 : i32
    %scan3A_1 = arith.constant 0 : i32
    %scan3A_2 = arith.constant 128 : i32
    %scan3A_3 = arith.addi %scan3A_1, %scan3A_2 : i32
    %scan3A_4 = arith.constant 1 : i32
    scf.for %scan3A_86 = %scan3A_1 to %scan3A_3 step %scan3A_4  : i32 {
      %broadcast_in_dim3A = arith.constant 0.000000e+00 : f32
      %broadcast_in_dim3A_87 = vector.broadcast %broadcast_in_dim3A : f32 to vector<16xf32>
      %swap3A = arith.index_cast %scan3A_86 : i32 to index
      %swap3A_88 = arith.constant 0 : index
      %swap3A_89 = tpu.vector_load %arg21[%swap3A, %swap3A_88] {strides = array<i32>} : memref<128x64xf32, #tpu.memory_space<vmem>>, vector<1x16xf32>,
      %swap3A_90 = vector.shape_cast %swap3A_89 : vector<1x16xf32> to vector<16xf32>
      %swap3A_91 = vector.shape_cast %broadcast_in_dim3A_87 : vector<16xf32> to vector<1x16xf32>
      tpu.vector_store %arg21[%swap3A, %swap3A_88], %swap3A_91 {strides = array<i32>} : memref<128x64xf32, #tpu.memory_space<vmem>>, vector<1x16xf32>,
      %broadcast_in_dim3A_92 = arith.constant 0.000000e+00 : f32
      %broadcast_in_dim3A_93 = vector.broadcast %broadcast_in_dim3A_92 : f32 to vector<16xf32>
      %swap3A_94 = arith.index_cast %scan3A_86 : i32 to index
      %swap3A_95 = arith.constant 16 : index
      %swap3A_96 = tpu.vector_load %arg21[%swap3A_94, %swap3A_95] {strides = array<i32>} : memref<128x64xf32, #tpu.memory_space<vmem>>, vector<1x16xf32>,
      %swap3A_97 = vector.shape_cast %swap3A_96 : vector<1x16xf32> to vector<16xf32>
      %swap3A_98 = vector.shape_cast %broadcast_in_dim3A_93 : vector<16xf32> to vector<1x16xf32>
      tpu.vector_store %arg21[%swap3A_94, %swap3A_95], %swap3A_98 {strides = array<i32>} : memref<128x64xf32, #tpu.memory_space<vmem>>, vector<1x16xf32>,
      %broadcast_in_dim3A_99 = arith.constant 0.000000e+00 : f32
      %broadcast_in_dim3A_100 = vector.broadcast %broadcast_in_dim3A_99 : f32 to vector<16xf32>
      %swap3A_101 = arith.index_cast %scan3A_86 : i32 to index
      %swap3A_102 = arith.constant 32 : index
      %swap3A_103 = tpu.vector_load %arg21[%swap3A_101, %swap3A_102] {strides = array<i32>} : memref<128x64xf32, #tpu.memory_space<vmem>>, vector<1x16xf32>,
      %swap3A_104 = vector.shape_cast %swap3A_103 : vector<1x16xf32> to vector<16xf32>
      %swap3A_105 = vector.shape_cast %broadcast_in_dim3A_100 : vector<16xf32> to vector<1x16xf32>
      tpu.vector_store %arg21[%swap3A_101, %swap3A_102], %swap3A_105 {strides = array<i32>} : memref<128x64xf32, #tpu.memory_space<vmem>>, vector<1x16xf32>,
      %broadcast_in_dim3A_106 = arith.constant 0.000000e+00 : f32
      %broadcast_in_dim3A_107 = vector.broadcast %broadcast_in_dim3A_106 : f32 to vector<16xf32>
      %swap3A_108 = arith.index_cast %scan3A_86 : i32 to index
      %swap3A_109 = arith.constant 48 : index
      %swap3A_110 = tpu.vector_load %arg21[%swap3A_108, %swap3A_109] {strides = array<i32>} : memref<128x64xf32, #tpu.memory_space<vmem>>, vector<1x16xf32>,
      %swap3A_111 = vector.shape_cast %swap3A_110 : vector<1x16xf32> to vector<16xf32>
      %swap3A_112 = vector.shape_cast %broadcast_in_dim3A_107 : vector<16xf32> to vector<1x16xf32>
      tpu.vector_store %arg21[%swap3A_108, %swap3A_109], %swap3A_112 {strides = array<i32>} : memref<128x64xf32, #tpu.memory_space<vmem>>, vector<1x16xf32>,
    }
    %scan3A_5 = arith.constant 128 : i32
    %mul3A_6 = arith.constant 640 : i32
    %mul3A_7 = arith.muli %arg1, %mul3A_6 : i32
    %add3A_8 = arith.constant 0 : i32
    %add3A_9 = arith.addi %mul3A_7, %add3A_8 : i32
    "tpu.region"() ({
      %run_scoped3A = tpu.sem_alloc : memref<!tpu.dma_semaphore, #tpu.memory_space<semaphore_mem>>
      %dma_start3A = arith.constant 0 : i32
      %dma_start3A_86 = tpu.memref_slice %arg22[%add3A_9, %dma_start3A] : memref<10240x64xf32, #tpu.memory_space<vmem_shared>> -> memref<128x64xf32, #tpu.memory_space<vmem_shared>>
      %dma_start3A_87 = arith.constant 0 : i32
      %dma_start3A_88 = tpu.memref_slice %arg22[%add3A_9, %dma_start3A_87] : memref<10240x64xf32, #tpu.memory_space<vmem_shared>> -> memref<128x64xf32, #tpu.memory_space<vmem_shared>>
      tpu.enqueue_dma source(%arg21 : memref<128x64xf32, #tpu.memory_space<vmem>>) target(%dma_start3A_88 : memref<128x64xf32, #tpu.memory_space<vmem_shared>>) target_semaphore(%run_scoped3A : memref<!tpu.dma_semaphore, #tpu.memory_space<semaphore_mem>>)
      %dma_wait3A = arith.constant 0 : i32
      %dma_wait3A_89 = tpu.memref_slice %arg22[%add3A_9, %dma_wait3A] : memref<10240x64xf32, #tpu.memory_space<vmem_shared>> -> memref<128x64xf32, #tpu.memory_space<vmem_shared>>
      %dma_wait3A_90 = arith.constant 0 : i32
      %dma_wait3A_91 = tpu.memref_slice %arg22[%add3A_9, %dma_wait3A_90] : memref<10240x64xf32, #tpu.memory_space<vmem_shared>> -> memref<128x64xf32, #tpu.memory_space<vmem_shared>>
      tpu.wait_dma2 semaphore(%run_scoped3A : memref<!tpu.dma_semaphore, #tpu.memory_space<semaphore_mem>>) src(%arg21 : memref<128x64xf32, #tpu.memory_space<vmem>>) dst(%dma_wait3A_91 : memref<128x64xf32, #tpu.memory_space<vmem_shared>>)
      tpu.yield
    }) : () -> ()
    %mul3A_10 = arith.constant 640 : i32
    %mul3A_11 = arith.muli %arg1, %mul3A_10 : i32
    %add3A_12 = arith.constant 128 : i32
    %add3A_13 = arith.addi %mul3A_11, %add3A_12 : i32
    "tpu.region"() ({
      %run_scoped3A = tpu.sem_alloc : memref<!tpu.dma_semaphore, #tpu.memory_space<semaphore_mem>>
      %dma_start3A = arith.constant 0 : i32
      %dma_start3A_86 = tpu.memref_slice %arg22[%add3A_13, %dma_start3A] : memref<10240x64xf32, #tpu.memory_space<vmem_shared>> -> memref<128x64xf32, #tpu.memory_space<vmem_shared>>
      %dma_start3A_87 = arith.constant 0 : i32
      %dma_start3A_88 = tpu.memref_slice %arg22[%add3A_13, %dma_start3A_87] : memref<10240x64xf32, #tpu.memory_space<vmem_shared>> -> memref<128x64xf32, #tpu.memory_space<vmem_shared>>
      tpu.enqueue_dma source(%arg21 : memref<128x64xf32, #tpu.memory_space<vmem>>) target(%dma_start3A_88 : memref<128x64xf32, #tpu.memory_space<vmem_shared>>) target_semaphore(%run_scoped3A : memref<!tpu.dma_semaphore, #tpu.memory_space<semaphore_mem>>)
      %dma_wait3A = arith.constant 0 : i32
      %dma_wait3A_89 = tpu.memref_slice %arg22[%add3A_13, %dma_wait3A] : memref<10240x64xf32, #tpu.memory_space<vmem_shared>> -> memref<128x64xf32, #tpu.memory_space<vmem_shared>>
      %dma_wait3A_90 = arith.constant 0 : i32
      %dma_wait3A_91 = tpu.memref_slice %arg22[%add3A_13, %dma_wait3A_90] : memref<10240x64xf32, #tpu.memory_space<vmem_shared>> -> memref<128x64xf32, #tpu.memory_space<vmem_shared>>
      tpu.wait_dma2 semaphore(%run_scoped3A : memref<!tpu.dma_semaphore, #tpu.memory_space<semaphore_mem>>) src(%arg21 : memref<128x64xf32, #tpu.memory_space<vmem>>) dst(%dma_wait3A_91 : memref<128x64xf32, #tpu.memory_space<vmem_shared>>)
      tpu.yield
    }) : () -> ()
    %mul3A_14 = arith.constant 640 : i32
    %mul3A_15 = arith.muli %arg1, %mul3A_14 : i32
    %add3A_16 = arith.constant 256 : i32
    %add3A_17 = arith.addi %mul3A_15, %add3A_16 : i32
    "tpu.region"() ({
      %run_scoped3A = tpu.sem_alloc : memref<!tpu.dma_semaphore, #tpu.memory_space<semaphore_mem>>
      %dma_start3A = arith.constant 0 : i32
      %dma_start3A_86 = tpu.memref_slice %arg22[%add3A_17, %dma_start3A] : memref<10240x64xf32, #tpu.memory_space<vmem_shared>> -> memref<128x64xf32, #tpu.memory_space<vmem_shared>>
      %dma_start3A_87 = arith.constant 0 : i32
      %dma_start3A_88 = tpu.memref_slice %arg22[%add3A_17, %dma_start3A_87] : memref<10240x64xf32, #tpu.memory_space<vmem_shared>> -> memref<128x64xf32, #tpu.memory_space<vmem_shared>>
      tpu.enqueue_dma source(%arg21 : memref<128x64xf32, #tpu.memory_space<vmem>>) target(%dma_start3A_88 : memref<128x64xf32, #tpu.memory_space<vmem_shared>>) target_semaphore(%run_scoped3A : memref<!tpu.dma_semaphore, #tpu.memory_space<semaphore_mem>>)
      %dma_wait3A = arith.constant 0 : i32
      %dma_wait3A_89 = tpu.memref_slice %arg22[%add3A_17, %dma_wait3A] : memref<10240x64xf32, #tpu.memory_space<vmem_shared>> -> memref<128x64xf32, #tpu.memory_space<vmem_shared>>
      %dma_wait3A_90 = arith.constant 0 : i32
      %dma_wait3A_91 = tpu.memref_slice %arg22[%add3A_17, %dma_wait3A_90] : memref<10240x64xf32, #tpu.memory_space<vmem_shared>> -> memref<128x64xf32, #tpu.memory_space<vmem_shared>>
      tpu.wait_dma2 semaphore(%run_scoped3A : memref<!tpu.dma_semaphore, #tpu.memory_space<semaphore_mem>>) src(%arg21 : memref<128x64xf32, #tpu.memory_space<vmem>>) dst(%dma_wait3A_91 : memref<128x64xf32, #tpu.memory_space<vmem_shared>>)
      tpu.yield
    }) : () -> ()
    %mul3A_18 = arith.constant 640 : i32
    %mul3A_19 = arith.muli %arg1, %mul3A_18 : i32
    %add3A_20 = arith.constant 384 : i32
    %add3A_21 = arith.addi %mul3A_19, %add3A_20 : i32
    "tpu.region"() ({
      %run_scoped3A = tpu.sem_alloc : memref<!tpu.dma_semaphore, #tpu.memory_space<semaphore_mem>>
      %dma_start3A = arith.constant 0 : i32
      %dma_start3A_86 = tpu.memref_slice %arg22[%add3A_21, %dma_start3A] : memref<10240x64xf32, #tpu.memory_space<vmem_shared>> -> memref<128x64xf32, #tpu.memory_space<vmem_shared>>
      %dma_start3A_87 = arith.constant 0 : i32
      %dma_start3A_88 = tpu.memref_slice %arg22[%add3A_21, %dma_start3A_87] : memref<10240x64xf32, #tpu.memory_space<vmem_shared>> -> memref<128x64xf32, #tpu.memory_space<vmem_shared>>
      tpu.enqueue_dma source(%arg21 : memref<128x64xf32, #tpu.memory_space<vmem>>) target(%dma_start3A_88 : memref<128x64xf32, #tpu.memory_space<vmem_shared>>) target_semaphore(%run_scoped3A : memref<!tpu.dma_semaphore, #tpu.memory_space<semaphore_mem>>)
      %dma_wait3A = arith.constant 0 : i32
      %dma_wait3A_89 = tpu.memref_slice %arg22[%add3A_21, %dma_wait3A] : memref<10240x64xf32, #tpu.memory_space<vmem_shared>> -> memref<128x64xf32, #tpu.memory_space<vmem_shared>>
      %dma_wait3A_90 = arith.constant 0 : i32
      %dma_wait3A_91 = tpu.memref_slice %arg22[%add3A_21, %dma_wait3A_90] : memref<10240x64xf32, #tpu.memory_space<vmem_shared>> -> memref<128x64xf32, #tpu.memory_space<vmem_shared>>
      tpu.wait_dma2 semaphore(%run_scoped3A : memref<!tpu.dma_semaphore, #tpu.memory_space<semaphore_mem>>) src(%arg21 : memref<128x64xf32, #tpu.memory_space<vmem>>) dst(%dma_wait3A_91 : memref<128x64xf32, #tpu.memory_space<vmem_shared>>)
      tpu.yield
    }) : () -> ()
    %mul3A_22 = arith.constant 640 : i32
    %mul3A_23 = arith.muli %arg1, %mul3A_22 : i32
    %add3A_24 = arith.constant 512 : i32
    %add3A_25 = arith.addi %mul3A_23, %add3A_24 : i32
    "tpu.region"() ({
      %run_scoped3A = tpu.sem_alloc : memref<!tpu.dma_semaphore, #tpu.memory_space<semaphore_mem>>
      %dma_start3A = arith.constant 0 : i32
      %dma_start3A_86 = tpu.memref_slice %arg22[%add3A_25, %dma_start3A] : memref<10240x64xf32, #tpu.memory_space<vmem_shared>> -> memref<128x64xf32, #tpu.memory_space<vmem_shared>>
      %dma_start3A_87 = arith.constant 0 : i32
      %dma_start3A_88 = tpu.memref_slice %arg22[%add3A_25, %dma_start3A_87] : memref<10240x64xf32, #tpu.memory_space<vmem_shared>> -> memref<128x64xf32, #tpu.memory_space<vmem_shared>>
      tpu.enqueue_dma source(%arg21 : memref<128x64xf32, #tpu.memory_space<vmem>>) target(%dma_start3A_88 : memref<128x64xf32, #tpu.memory_space<vmem_shared>>) target_semaphore(%run_scoped3A : memref<!tpu.dma_semaphore, #tpu.memory_space<semaphore_mem>>)
      %dma_wait3A = arith.constant 0 : i32
      %dma_wait3A_89 = tpu.memref_slice %arg22[%add3A_25, %dma_wait3A] : memref<10240x64xf32, #tpu.memory_space<vmem_shared>> -> memref<128x64xf32, #tpu.memory_space<vmem_shared>>
      %dma_wait3A_90 = arith.constant 0 : i32
      %dma_wait3A_91 = tpu.memref_slice %arg22[%add3A_25, %dma_wait3A_90] : memref<10240x64xf32, #tpu.memory_space<vmem_shared>> -> memref<128x64xf32, #tpu.memory_space<vmem_shared>>
      tpu.wait_dma2 semaphore(%run_scoped3A : memref<!tpu.dma_semaphore, #tpu.memory_space<semaphore_mem>>) src(%arg21 : memref<128x64xf32, #tpu.memory_space<vmem>>) dst(%dma_wait3A_91 : memref<128x64xf32, #tpu.memory_space<vmem_shared>>)
      tpu.yield
    }) : () -> ()
    %barrier3A = arith.constant 0 : index
    tpu.barrier barrier_id(%barrier3A)
    %scan3A_26 = arith.constant 0 : i32
    %scan3A_27 = arith.constant 0 : i32
    %scan3A_28 = arith.constant 84 : i32
    %scan3A_29 = arith.addi %scan3A_27, %scan3A_28 : i32
    %scan3A_30 = arith.constant 1 : i32
    scf.for %scan3A_86 = %scan3A_27 to %scan3A_29 step %scan3A_30  : i32 {
      %mul3A_87 = arith.constant 5376 : i32
      %mul3A_88 = arith.muli %add3A, %mul3A_87 : i32
      %mul3A_89 = arith.constant 64 : i32
      %mul3A_90 = arith.muli %scan3A_86, %mul3A_89 : i32
      %add3A_91 = arith.addi %mul3A_88, %mul3A_90 : i32
      "tpu.region"() ({
        %run_scoped3A = tpu.sem_alloc : memref<!tpu.dma_semaphore, #tpu.memory_space<semaphore_mem>>
        %dma_start3A_120 = tpu.memref_slice %arg2[%add3A_91] : memref<172032xi32, #tpu.memory_space<hbm>> -> memref<64xi32, #tpu.memory_space<hbm>>
        %dma_start3A_121 = tpu.memref_slice %arg2[%add3A_91] : memref<172032xi32, #tpu.memory_space<hbm>> -> memref<64xi32, #tpu.memory_space<hbm>>
        tpu.enqueue_dma source(%dma_start3A_121 : memref<64xi32, #tpu.memory_space<hbm>>) target(%arg13 : memref<64xi32, #tpu.memory_space<vmem>>) target_semaphore(%run_scoped3A : memref<!tpu.dma_semaphore, #tpu.memory_space<semaphore_mem>>)
        %dma_wait3A_122 = tpu.memref_slice %arg2[%add3A_91] : memref<172032xi32, #tpu.memory_space<hbm>> -> memref<64xi32, #tpu.memory_space<hbm>>
        %dma_wait3A_123 = tpu.memref_slice %arg2[%add3A_91] : memref<172032xi32, #tpu.memory_space<hbm>> -> memref<64xi32, #tpu.memory_space<hbm>>
        tpu.wait_dma2 semaphore(%run_scoped3A : memref<!tpu.dma_semaphore, #tpu.memory_space<semaphore_mem>>) src(%dma_wait3A_123 : memref<64xi32, #tpu.memory_space<hbm>>) dst(%arg13 : memref<64xi32, #tpu.memory_space<vmem>>)
        tpu.yield
      }) : () -> ()
      "tpu.region"() ({
        %run_scoped3A = tpu.sem_alloc : memref<!tpu.dma_semaphore, #tpu.memory_space<semaphore_mem>>
        %dma_start3A_120 = tpu.memref_slice %arg3[%add3A_91] : memref<172032xi32, #tpu.memory_space<hbm>> -> memref<64xi32, #tpu.memory_space<hbm>>
        %dma_start3A_121 = tpu.memref_slice %arg3[%add3A_91] : memref<172032xi32, #tpu.memory_space<hbm>> -> memref<64xi32, #tpu.memory_space<hbm>>
        tpu.enqueue_dma source(%dma_start3A_121 : memref<64xi32, #tpu.memory_space<hbm>>) target(%arg14 : memref<64xi32, #tpu.memory_space<vmem>>) target_semaphore(%run_scoped3A : memref<!tpu.dma_semaphore, #tpu.memory_space<semaphore_mem>>)
        %dma_wait3A_122 = tpu.memref_slice %arg3[%add3A_91] : memref<172032xi32, #tpu.memory_space<hbm>> -> memref<64xi32, #tpu.memory_space<hbm>>
        %dma_wait3A_123 = tpu.memref_slice %arg3[%add3A_91] : memref<172032xi32, #tpu.memory_space<hbm>> -> memref<64xi32, #tpu.memory_space<hbm>>
        tpu.wait_dma2 semaphore(%run_scoped3A : memref<!tpu.dma_semaphore, #tpu.memory_space<semaphore_mem>>) src(%dma_wait3A_123 : memref<64xi32, #tpu.memory_space<hbm>>) dst(%arg14 : memref<64xi32, #tpu.memory_space<vmem>>)
        tpu.yield
      }) : () -> ()
      "tpu.region"() ({
        %run_scoped3A = tpu.sem_alloc : memref<!tpu.dma_semaphore, #tpu.memory_space<semaphore_mem>>
        %dma_start3A_120 = arith.constant 0 : i32
        %dma_start3A_121 = tpu.memref_slice %arg4[%add3A_91, %dma_start3A_120] : memref<172032x16xf32, #tpu.memory_space<hbm>> -> memref<64x16xf32, #tpu.memory_space<hbm>>
        %dma_start3A_122 = arith.constant 0 : i32
        %dma_start3A_123 = tpu.memref_slice %arg4[%add3A_91, %dma_start3A_122] : memref<172032x16xf32, #tpu.memory_space<hbm>> -> memref<64x16xf32, #tpu.memory_space<hbm>>
        tpu.enqueue_dma source(%dma_start3A_123 : memref<64x16xf32, #tpu.memory_space<hbm>>) target(%arg15 : memref<64x16xf32, #tpu.memory_space<vmem>>) target_semaphore(%run_scoped3A : memref<!tpu.dma_semaphore, #tpu.memory_space<semaphore_mem>>)
        %dma_wait3A_124 = arith.constant 0 : i32
        %dma_wait3A_125 = tpu.memref_slice %arg4[%add3A_91, %dma_wait3A_124] : memref<172032x16xf32, #tpu.memory_space<hbm>> -> memref<64x16xf32, #tpu.memory_space<hbm>>
        %dma_wait3A_126 = arith.constant 0 : i32
        %dma_wait3A_127 = tpu.memref_slice %arg4[%add3A_91, %dma_wait3A_126] : memref<172032x16xf32, #tpu.memory_space<hbm>> -> memref<64x16xf32, #tpu.memory_space<hbm>>
        tpu.wait_dma2 semaphore(%run_scoped3A : memref<!tpu.dma_semaphore, #tpu.memory_space<semaphore_mem>>) src(%dma_wait3A_127 : memref<64x16xf32, #tpu.memory_space<hbm>>) dst(%arg15 : memref<64x16xf32, #tpu.memory_space<vmem>>)
        tpu.yield
      }) : () -> ()
      %dma_start3A = arith.constant 0 : i32
      %dma_start3A_92 = arith.constant 0 : i32
      %dma_start3A_93 = tpu.memref_slice %arg7[%dma_start3A, %dma_start3A_92] : memref<10000x512xf32, #tpu.memory_space<hbm>> -> memref<10000x512xf32, #tpu.memory_space<hbm>>
      tpu.enqueue_indirect_dma source(%dma_start3A_93 : memref<10000x512xf32, #tpu.memory_space<hbm>>) target(%arg19 : memref<64x512xf32, #tpu.memory_space<vmem>>) offsets(%arg13 : memref<64xi32, #tpu.memory_space<vmem>>) semaphore(%arg23 : memref<!tpu.dma_semaphore, #tpu.memory_space<semaphore_mem>>)
      %dma_wait3A = arith.constant 0 : i32
      %dma_wait3A_94 = arith.constant 0 : i32
      %dma_wait3A_95 = tpu.memref_slice %arg7[%dma_wait3A, %dma_wait3A_94] : memref<10000x512xf32, #tpu.memory_space<hbm>> -> memref<10000x512xf32, #tpu.memory_space<hbm>>
      tpu.wait_indirect_dma semaphore(%arg23 : memref<!tpu.dma_semaphore, #tpu.memory_space<semaphore_mem>>) src(%dma_wait3A_95 : memref<10000x512xf32, #tpu.memory_space<hbm>>) dst(%arg19 : memref<64x512xf32, #tpu.memory_space<vmem>>)
      %dma_start3A_96 = arith.constant 0 : i32
      %dma_start3A_97 = arith.constant 0 : i32
      %dma_start3A_98 = tpu.memref_slice %arg5[%dma_start3A_96, %dma_start3A_97] : memref<10240x16xf32, #tpu.memory_space<hbm>> -> memref<10240x16xf32, #tpu.memory_space<hbm>>
      tpu.enqueue_indirect_dma source(%dma_start3A_98 : memref<10240x16xf32, #tpu.memory_space<hbm>>) target(%arg16 : memref<64x16xf32, #tpu.memory_space<vmem>>) offsets(%arg14 : memref<64xi32, #tpu.memory_space<vmem>>) semaphore(%arg23 : memref<!tpu.dma_semaphore, #tpu.memory_space<semaphore_mem>>)
      %dma_wait3A_99 = arith.constant 0 : i32
      %dma_wait3A_100 = arith.constant 0 : i32
      %dma_wait3A_101 = tpu.memref_slice %arg5[%dma_wait3A_99, %dma_wait3A_100] : memref<10240x16xf32, #tpu.memory_space<hbm>> -> memref<10240x16xf32, #tpu.memory_space<hbm>>
      tpu.wait_indirect_dma semaphore(%arg23 : memref<!tpu.dma_semaphore, #tpu.memory_space<semaphore_mem>>) src(%dma_wait3A_101 : memref<10240x16xf32, #tpu.memory_space<hbm>>) dst(%arg16 : memref<64x16xf32, #tpu.memory_space<vmem>>)
      %dma_start3A_102 = arith.constant 0 : i32
      %dma_start3A_103 = arith.constant 0 : i32
      %dma_start3A_104 = tpu.memref_slice %arg6[%dma_start3A_102, %dma_start3A_103] : memref<10240x16xf32, #tpu.memory_space<hbm>> -> memref<10240x16xf32, #tpu.memory_space<hbm>>
      tpu.enqueue_indirect_dma source(%dma_start3A_104 : memref<10240x16xf32, #tpu.memory_space<hbm>>) target(%arg17 : memref<64x16xf32, #tpu.memory_space<vmem>>) offsets(%arg14 : memref<64xi32, #tpu.memory_space<vmem>>) semaphore(%arg23 : memref<!tpu.dma_semaphore, #tpu.memory_space<semaphore_mem>>)
      %dma_wait3A_105 = arith.constant 0 : i32
      %dma_wait3A_106 = arith.constant 0 : i32
      %dma_wait3A_107 = tpu.memref_slice %arg6[%dma_wait3A_105, %dma_wait3A_106] : memref<10240x16xf32, #tpu.memory_space<hbm>> -> memref<10240x16xf32, #tpu.memory_space<hbm>>
      tpu.wait_indirect_dma semaphore(%arg23 : memref<!tpu.dma_semaphore, #tpu.memory_space<semaphore_mem>>) src(%dma_wait3A_107 : memref<10240x16xf32, #tpu.memory_space<hbm>>) dst(%arg17 : memref<64x16xf32, #tpu.memory_space<vmem>>)
      %scan3A_108 = arith.constant 0 : i32
      %scan3A_109 = arith.constant 0 : i32
      %scan3A_110 = arith.constant 64 : i32
      %scan3A_111 = arith.addi %scan3A_109, %scan3A_110 : i32
      %scan3A_112 = arith.constant 1 : i32
      scf.for %scan3A_120 = %scan3A_109 to %scan3A_111 step %scan3A_112  : i32 {
        %get3A = arith.index_cast %scan3A_120 : i32 to index
        %get3A_121 = arith.constant 0 : index
        %get3A_122 = tpu.vector_load %arg15[%get3A, %get3A_121] {strides = array<i32>} : memref<64x16xf32, #tpu.memory_space<vmem>>, vector<1x16xf32>,
        %get3A_123 = vector.shape_cast %get3A_122 : vector<1x16xf32> to vector<16xf32>
        %get3A_124 = arith.index_cast %scan3A_120 : i32 to index
        %get3A_125 = arith.constant 0 : index
        %get3A_126 = tpu.vector_load %arg16[%get3A_124, %get3A_125] {strides = array<i32>} : memref<64x16xf32, #tpu.memory_space<vmem>>, vector<1x16xf32>,
        %get3A_127 = vector.shape_cast %get3A_126 : vector<1x16xf32> to vector<16xf32>
        %get3A_128 = arith.index_cast %scan3A_120 : i32 to index
        %get3A_129 = arith.constant 0 : index
        %get3A_130 = tpu.vector_load %arg17[%get3A_128, %get3A_129] {strides = array<i32>} : memref<64x16xf32, #tpu.memory_space<vmem>>, vector<1x16xf32>,
        %get3A_131 = vector.shape_cast %get3A_130 : vector<1x16xf32> to vector<16xf32>
        %add3A_132 = arith.addf %get3A_127, %get3A_131 : vector<16xf32>
        %add3A_133 = arith.constant 1.000000e-16 : f32
        %add3A_134 = vector.broadcast %add3A_133 : f32 to vector<16xf32>
        %add3A_135 = arith.addf %add3A_132, %add3A_134 : vector<16xf32>
        %div3A = arith.divf %get3A_123, %add3A_135 : vector<16xf32>
        %mul3A_136 = arith.constant 1.250000e-01 : f32
        %mul3A_137 = vector.broadcast %mul3A_136 : f32 to vector<16xf32>
        %mul3A_138 = arith.mulf %div3A, %mul3A_137 : vector<16xf32>
        %swap3A = arith.index_cast %scan3A_120 : i32 to index
        %swap3A_139 = arith.constant 0 : index
        %swap3A_140 = tpu.vector_load %arg18[%swap3A, %swap3A_139] {strides = array<i32>} : memref<64x16xf32, #tpu.memory_space<vmem>>, vector<1x16xf32>,
        %swap3A_141 = vector.shape_cast %swap3A_140 : vector<1x16xf32> to vector<16xf32>
        %swap3A_142 = vector.shape_cast %mul3A_138 : vector<16xf32> to vector<1x16xf32>
        tpu.vector_store %arg18[%swap3A, %swap3A_139], %swap3A_142 {strides = array<i32>} : memref<64x16xf32, #tpu.memory_space<vmem>>, vector<1x16xf32>,
      }
      %scan3A_113 = arith.constant 64 : i32
      %scan3A_114 = arith.constant 0 : i32
      %scan3A_115 = arith.constant 0 : i32
      %scan3A_116 = arith.constant 64 : i32
      %scan3A_117 = arith.addi %scan3A_115, %scan3A_116 : i32
      %scan3A_118 = arith.constant 1 : i32
      scf.for %scan3A_120 = %scan3A_115 to %scan3A_117 step %scan3A_118  : i32 {
        %broadcast_in_dim3A = arith.constant 0.000000e+00 : f32
        %broadcast_in_dim3A_121 = vector.broadcast %broadcast_in_dim3A : f32 to vector<16xf32>
        %broadcast_in_dim3A_122 = arith.constant 0.000000e+00 : f32
        %broadcast_in_dim3A_123 = vector.broadcast %broadcast_in_dim3A_122 : f32 to vector<16xf32>
        %broadcast_in_dim3A_124 = arith.constant 0.000000e+00 : f32
        %broadcast_in_dim3A_125 = vector.broadcast %broadcast_in_dim3A_124 : f32 to vector<16xf32>
        %broadcast_in_dim3A_126 = arith.constant 0.000000e+00 : f32
        %broadcast_in_dim3A_127 = vector.broadcast %broadcast_in_dim3A_126 : f32 to vector<16xf32>
        %get3A = arith.index_cast %scan3A_120 : i32 to index
        %get3A_128 = arith.constant 0 : index
        %get3A_129 = tpu.vector_load %arg18[%get3A, %get3A_128] {strides = array<i32>} : memref<64x16xf32, #tpu.memory_space<vmem>>, vector<1x16xf32>,
        %get3A_130 = vector.shape_cast %get3A_129 : vector<1x16xf32> to vector<16xf32>
        %broadcast_in_dim3A_131 = arith.constant 0 : i32
        %broadcast_in_dim3A_132 = vector.broadcast %broadcast_in_dim3A_131 : i32 to vector<16xi32>
        %broadcast_in_dim3A_133 = vector.shape_cast %broadcast_in_dim3A_132 : vector<16xi32> to vector<16x1xi32>
        %gather3A = vector.shape_cast %broadcast_in_dim3A_133 : vector<16x1xi32> to vector<16xi32>
        %gather3A_134 = tpu.dynamic_gather %get3A_130[%gather3A] in [0] : vector<16xf32>, vector<16xi32> -> vector<16xf32>
        %get3A_135 = arith.index_cast %scan3A_120 : i32 to index
        %get3A_136 = arith.constant 0 : index
        %get3A_137 = tpu.vector_load %arg19[%get3A_135, %get3A_136] {strides = array<i32>} : memref<64x512xf32, #tpu.memory_space<vmem>>, vector<1x16xf32>,
        %get3A_138 = vector.shape_cast %get3A_137 : vector<1x16xf32> to vector<16xf32>
        %mul3A_139 = arith.mulf %gather3A_134, %get3A_138 : vector<16xf32>
        %add3A_140 = arith.addf %broadcast_in_dim3A_121, %mul3A_139 : vector<16xf32>
        %get3A_141 = arith.index_cast %scan3A_120 : i32 to index
        %get3A_142 = arith.constant 16 : index
        %get3A_143 = tpu.vector_load %arg19[%get3A_141, %get3A_142] {strides = array<i32>} : memref<64x512xf32, #tpu.memory_space<vmem>>, vector<1x16xf32>,
        %get3A_144 = vector.shape_cast %get3A_143 : vector<1x16xf32> to vector<16xf32>
        %mul3A_145 = arith.mulf %gather3A_134, %get3A_144 : vector<16xf32>
        %add3A_146 = arith.addf %broadcast_in_dim3A_123, %mul3A_145 : vector<16xf32>
        %get3A_147 = arith.index_cast %scan3A_120 : i32 to index
        %get3A_148 = arith.constant 32 : index
        %get3A_149 = tpu.vector_load %arg19[%get3A_147, %get3A_148] {strides = array<i32>} : memref<64x512xf32, #tpu.memory_space<vmem>>, vector<1x16xf32>,
        %get3A_150 = vector.shape_cast %get3A_149 : vector<1x16xf32> to vector<16xf32>
        %mul3A_151 = arith.mulf %gather3A_134, %get3A_150 : vector<16xf32>
        %add3A_152 = arith.addf %broadcast_in_dim3A_125, %mul3A_151 : vector<16xf32>
        %get3A_153 = arith.index_cast %scan3A_120 : i32 to index
        %get3A_154 = arith.constant 48 : index
        %get3A_155 = tpu.vector_load %arg19[%get3A_153, %get3A_154] {strides = array<i32>} : memref<64x512xf32, #tpu.memory_space<vmem>>, vector<1x16xf32>,
        %get3A_156 = vector.shape_cast %get3A_155 : vector<1x16xf32> to vector<16xf32>
        %mul3A_157 = arith.mulf %gather3A_134, %get3A_156 : vector<16xf32>
        %add3A_158 = arith.addf %broadcast_in_dim3A_127, %mul3A_157 : vector<16xf32>
        %broadcast_in_dim3A_159 = arith.constant 1 : i32
        %broadcast_in_dim3A_160 = vector.broadcast %broadcast_in_dim3A_159 : i32 to vector<16xi32>
        %broadcast_in_dim3A_161 = vector.shape_cast %broadcast_in_dim3A_160 : vector<16xi32> to vector<16x1xi32>
        %gather3A_162 = vector.shape_cast %broadcast_in_dim3A_161 : vector<16x1xi32> to vector<16xi32>
        %gather3A_163 = tpu.dynamic_gather %get3A_130[%gather3A_162] in [0] : vector<16xf32>, vector<16xi32> -> vector<16xf32>
        %get3A_164 = arith.index_cast %scan3A_120 : i32 to index
        %get3A_165 = arith.constant 64 : index
        %get3A_166 = tpu.vector_load %arg19[%get3A_164, %get3A_165] {strides = array<i32>} : memref<64x512xf32, #tpu.memory_space<vmem>>, vector<1x16xf32>,
        %get3A_167 = vector.shape_cast %get3A_166 : vector<1x16xf32> to vector<16xf32>
        %mul3A_168 = arith.mulf %gather3A_163, %get3A_167 : vector<16xf32>
        %add3A_169 = arith.addf %add3A_140, %mul3A_168 : vector<16xf32>
        %get3A_170 = arith.index_cast %scan3A_120 : i32 to index
        %get3A_171 = arith.constant 80 : index
        %get3A_172 = tpu.vector_load %arg19[%get3A_170, %get3A_171] {strides = array<i32>} : memref<64x512xf32, #tpu.memory_space<vmem>>, vector<1x16xf32>,
        %get3A_173 = vector.shape_cast %get3A_172 : vector<1x16xf32> to vector<16xf32>
        %mul3A_174 = arith.mulf %gather3A_163, %get3A_173 : vector<16xf32>
        %add3A_175 = arith.addf %add3A_146, %mul3A_174 : vector<16xf32>
        %get3A_176 = arith.index_cast %scan3A_120 : i32 to index
        %get3A_177 = arith.constant 96 : index
        %get3A_178 = tpu.vector_load %arg19[%get3A_176, %get3A_177] {strides = array<i32>} : memref<64x512xf32, #tpu.memory_space<vmem>>, vector<1x16xf32>,
        %get3A_179 = vector.shape_cast %get3A_178 : vector<1x16xf32> to vector<16xf32>
        %mul3A_180 = arith.mulf %gather3A_163, %get3A_179 : vector<16xf32>
        %add3A_181 = arith.addf %add3A_152, %mul3A_180 : vector<16xf32>
        %get3A_182 = arith.index_cast %scan3A_120 : i32 to index
        %get3A_183 = arith.constant 112 : index
        %get3A_184 = tpu.vector_load %arg19[%get3A_182, %get3A_183] {strides = array<i32>} : memref<64x512xf32, #tpu.memory_space<vmem>>, vector<1x16xf32>,
        %get3A_185 = vector.shape_cast %get3A_184 : vector<1x16xf32> to vector<16xf32>
        %mul3A_186 = arith.mulf %gather3A_163, %get3A_185 : vector<16xf32>
        %add3A_187 = arith.addf %add3A_158, %mul3A_186 : vector<16xf32>
        %broadcast_in_dim3A_188 = arith.constant 2 : i32
        %broadcast_in_dim3A_189 = vector.broadcast %broadcast_in_dim3A_188 : i32 to vector<16xi32>
        %broadcast_in_dim3A_190 = vector.shape_cast %broadcast_in_dim3A_189 : vector<16xi32> to vector<16x1xi32>
        %gather3A_191 = vector.shape_cast %broadcast_in_dim3A_190 : vector<16x1xi32> to vector<16xi32>
        %gather3A_192 = tpu.dynamic_gather %get3A_130[%gather3A_191] in [0] : vector<16xf32>, vector<16xi32> -> vector<16xf32>
        %get3A_193 = arith.index_cast %scan3A_120 : i32 to index
        %get3A_194 = arith.constant 128 : index
        %get3A_195 = tpu.vector_load %arg19[%get3A_193, %get3A_194] {strides = array<i32>} : memref<64x512xf32, #tpu.memory_space<vmem>>, vector<1x16xf32>,
        %get3A_196 = vector.shape_cast %get3A_195 : vector<1x16xf32> to vector<16xf32>
        %mul3A_197 = arith.mulf %gather3A_192, %get3A_196 : vector<16xf32>
        %add3A_198 = arith.addf %add3A_169, %mul3A_197 : vector<16xf32>
        %get3A_199 = arith.index_cast %scan3A_120 : i32 to index
        %get3A_200 = arith.constant 144 : index
        %get3A_201 = tpu.vector_load %arg19[%get3A_199, %get3A_200] {strides = array<i32>} : memref<64x512xf32, #tpu.memory_space<vmem>>, vector<1x16xf32>,
        %get3A_202 = vector.shape_cast %get3A_201 : vector<1x16xf32> to vector<16xf32>
        %mul3A_203 = arith.mulf %gather3A_192, %get3A_202 : vector<16xf32>
        %add3A_204 = arith.addf %add3A_175, %mul3A_203 : vector<16xf32>
        %get3A_205 = arith.index_cast %scan3A_120 : i32 to index
        %get3A_206 = arith.constant 160 : index
        %get3A_207 = tpu.vector_load %arg19[%get3A_205, %get3A_206] {strides = array<i32>} : memref<64x512xf32, #tpu.memory_space<vmem>>, vector<1x16xf32>,
        %get3A_208 = vector.shape_cast %get3A_207 : vector<1x16xf32> to vector<16xf32>
        %mul3A_209 = arith.mulf %gather3A_192, %get3A_208 : vector<16xf32>
        %add3A_210 = arith.addf %add3A_181, %mul3A_209 : vector<16xf32>
        %get3A_211 = arith.index_cast %scan3A_120 : i32 to index
        %get3A_212 = arith.constant 176 : index
        %get3A_213 = tpu.vector_load %arg19[%get3A_211, %get3A_212] {strides = array<i32>} : memref<64x512xf32, #tpu.memory_space<vmem>>, vector<1x16xf32>,
        %get3A_214 = vector.shape_cast %get3A_213 : vector<1x16xf32> to vector<16xf32>
        %mul3A_215 = arith.mulf %gather3A_192, %get3A_214 : vector<16xf32>
        %add3A_216 = arith.addf %add3A_187, %mul3A_215 : vector<16xf32>
        %broadcast_in_dim3A_217 = arith.constant 3 : i32
        %broadcast_in_dim3A_218 = vector.broadcast %broadcast_in_dim3A_217 : i32 to vector<16xi32>
        %broadcast_in_dim3A_219 = vector.shape_cast %broadcast_in_dim3A_218 : vector<16xi32> to vector<16x1xi32>
        %gather3A_220 = vector.shape_cast %broadcast_in_dim3A_219 : vector<16x1xi32> to vector<16xi32>
        %gather3A_221 = tpu.dynamic_gather %get3A_130[%gather3A_220] in [0] : vector<16xf32>, vector<16xi32> -> vector<16xf32>
        %get3A_222 = arith.index_cast %scan3A_120 : i32 to index
        %get3A_223 = arith.constant 192 : index
        %get3A_224 = tpu.vector_load %arg19[%get3A_222, %get3A_223] {strides = array<i32>} : memref<64x512xf32, #tpu.memory_space<vmem>>, vector<1x16xf32>,
        %get3A_225 = vector.shape_cast %get3A_224 : vector<1x16xf32> to vector<16xf32>
        %mul3A_226 = arith.mulf %gather3A_221, %get3A_225 : vector<16xf32>
        %add3A_227 = arith.addf %add3A_198, %mul3A_226 : vector<16xf32>
        %get3A_228 = arith.index_cast %scan3A_120 : i32 to index
        %get3A_229 = arith.constant 208 : index
        %get3A_230 = tpu.vector_load %arg19[%get3A_228, %get3A_229] {strides = array<i32>} : memref<64x512xf32, #tpu.memory_space<vmem>>, vector<1x16xf32>,
        %get3A_231 = vector.shape_cast %get3A_230 : vector<1x16xf32> to vector<16xf32>
        %mul3A_232 = arith.mulf %gather3A_221, %get3A_231 : vector<16xf32>
        %add3A_233 = arith.addf %add3A_204, %mul3A_232 : vector<16xf32>
        %get3A_234 = arith.index_cast %scan3A_120 : i32 to index
        %get3A_235 = arith.constant 224 : index
        %get3A_236 = tpu.vector_load %arg19[%get3A_234, %get3A_235] {strides = array<i32>} : memref<64x512xf32, #tpu.memory_space<vmem>>, vector<1x16xf32>,
        %get3A_237 = vector.shape_cast %get3A_236 : vector<1x16xf32> to vector<16xf32>
        %mul3A_238 = arith.mulf %gather3A_221, %get3A_237 : vector<16xf32>
        %add3A_239 = arith.addf %add3A_210, %mul3A_238 : vector<16xf32>
        %get3A_240 = arith.index_cast %scan3A_120 : i32 to index
        %get3A_241 = arith.constant 240 : index
        %get3A_242 = tpu.vector_load %arg19[%get3A_240, %get3A_241] {strides = array<i32>} : memref<64x512xf32, #tpu.memory_space<vmem>>, vector<1x16xf32>,
        %get3A_243 = vector.shape_cast %get3A_242 : vector<1x16xf32> to vector<16xf32>
        %mul3A_244 = arith.mulf %gather3A_221, %get3A_243 : vector<16xf32>
        %add3A_245 = arith.addf %add3A_216, %mul3A_244 : vector<16xf32>
        %broadcast_in_dim3A_246 = arith.constant 4 : i32
        %broadcast_in_dim3A_247 = vector.broadcast %broadcast_in_dim3A_246 : i32 to vector<16xi32>
        %broadcast_in_dim3A_248 = vector.shape_cast %broadcast_in_dim3A_247 : vector<16xi32> to vector<16x1xi32>
        %gather3A_249 = vector.shape_cast %broadcast_in_dim3A_248 : vector<16x1xi32> to vector<16xi32>
        %gather3A_250 = tpu.dynamic_gather %get3A_130[%gather3A_249] in [0] : vector<16xf32>, vector<16xi32> -> vector<16xf32>
        %get3A_251 = arith.index_cast %scan3A_120 : i32 to index
        %get3A_252 = arith.constant 256 : index
        %get3A_253 = tpu.vector_load %arg19[%get3A_251, %get3A_252] {strides = array<i32>} : memref<64x512xf32, #tpu.memory_space<vmem>>, vector<1x16xf32>,
        %get3A_254 = vector.shape_cast %get3A_253 : vector<1x16xf32> to vector<16xf32>
        %mul3A_255 = arith.mulf %gather3A_250, %get3A_254 : vector<16xf32>
        %add3A_256 = arith.addf %add3A_227, %mul3A_255 : vector<16xf32>
        %get3A_257 = arith.index_cast %scan3A_120 : i32 to index
        %get3A_258 = arith.constant 272 : index
        %get3A_259 = tpu.vector_load %arg19[%get3A_257, %get3A_258] {strides = array<i32>} : memref<64x512xf32, #tpu.memory_space<vmem>>, vector<1x16xf32>,
        %get3A_260 = vector.shape_cast %get3A_259 : vector<1x16xf32> to vector<16xf32>
        %mul3A_261 = arith.mulf %gather3A_250, %get3A_260 : vector<16xf32>
        %add3A_262 = arith.addf %add3A_233, %mul3A_261 : vector<16xf32>
        %get3A_263 = arith.index_cast %scan3A_120 : i32 to index
        %get3A_264 = arith.constant 288 : index
        %get3A_265 = tpu.vector_load %arg19[%get3A_263, %get3A_264] {strides = array<i32>} : memref<64x512xf32, #tpu.memory_space<vmem>>, vector<1x16xf32>,
        %get3A_266 = vector.shape_cast %get3A_265 : vector<1x16xf32> to vector<16xf32>
        %mul3A_267 = arith.mulf %gather3A_250, %get3A_266 : vector<16xf32>
        %add3A_268 = arith.addf %add3A_239, %mul3A_267 : vector<16xf32>
        %get3A_269 = arith.index_cast %scan3A_120 : i32 to index
        %get3A_270 = arith.constant 304 : index
        %get3A_271 = tpu.vector_load %arg19[%get3A_269, %get3A_270] {strides = array<i32>} : memref<64x512xf32, #tpu.memory_space<vmem>>, vector<1x16xf32>,
        %get3A_272 = vector.shape_cast %get3A_271 : vector<1x16xf32> to vector<16xf32>
        %mul3A_273 = arith.mulf %gather3A_250, %get3A_272 : vector<16xf32>
        %add3A_274 = arith.addf %add3A_245, %mul3A_273 : vector<16xf32>
        %broadcast_in_dim3A_275 = arith.constant 5 : i32
        %broadcast_in_dim3A_276 = vector.broadcast %broadcast_in_dim3A_275 : i32 to vector<16xi32>
        %broadcast_in_dim3A_277 = vector.shape_cast %broadcast_in_dim3A_276 : vector<16xi32> to vector<16x1xi32>
        %gather3A_278 = vector.shape_cast %broadcast_in_dim3A_277 : vector<16x1xi32> to vector<16xi32>
        %gather3A_279 = tpu.dynamic_gather %get3A_130[%gather3A_278] in [0] : vector<16xf32>, vector<16xi32> -> vector<16xf32>
        %get3A_280 = arith.index_cast %scan3A_120 : i32 to index
        %get3A_281 = arith.constant 320 : index
        %get3A_282 = tpu.vector_load %arg19[%get3A_280, %get3A_281] {strides = array<i32>} : memref<64x512xf32, #tpu.memory_space<vmem>>, vector<1x16xf32>,
        %get3A_283 = vector.shape_cast %get3A_282 : vector<1x16xf32> to vector<16xf32>
        %mul3A_284 = arith.mulf %gather3A_279, %get3A_283 : vector<16xf32>
        %add3A_285 = arith.addf %add3A_256, %mul3A_284 : vector<16xf32>
        %get3A_286 = arith.index_cast %scan3A_120 : i32 to index
        %get3A_287 = arith.constant 336 : index
        %get3A_288 = tpu.vector_load %arg19[%get3A_286, %get3A_287] {strides = array<i32>} : memref<64x512xf32, #tpu.memory_space<vmem>>, vector<1x16xf32>,
        %get3A_289 = vector.shape_cast %get3A_288 : vector<1x16xf32> to vector<16xf32>
        %mul3A_290 = arith.mulf %gather3A_279, %get3A_289 : vector<16xf32>
        %add3A_291 = arith.addf %add3A_262, %mul3A_290 : vector<16xf32>
        %get3A_292 = arith.index_cast %scan3A_120 : i32 to index
        %get3A_293 = arith.constant 352 : index
        %get3A_294 = tpu.vector_load %arg19[%get3A_292, %get3A_293] {strides = array<i32>} : memref<64x512xf32, #tpu.memory_space<vmem>>, vector<1x16xf32>,
        %get3A_295 = vector.shape_cast %get3A_294 : vector<1x16xf32> to vector<16xf32>
        %mul3A_296 = arith.mulf %gather3A_279, %get3A_295 : vector<16xf32>
        %add3A_297 = arith.addf %add3A_268, %mul3A_296 : vector<16xf32>
        %get3A_298 = arith.index_cast %scan3A_120 : i32 to index
        %get3A_299 = arith.constant 368 : index
        %get3A_300 = tpu.vector_load %arg19[%get3A_298, %get3A_299] {strides = array<i32>} : memref<64x512xf32, #tpu.memory_space<vmem>>, vector<1x16xf32>,
        %get3A_301 = vector.shape_cast %get3A_300 : vector<1x16xf32> to vector<16xf32>
        %mul3A_302 = arith.mulf %gather3A_279, %get3A_301 : vector<16xf32>
        %add3A_303 = arith.addf %add3A_274, %mul3A_302 : vector<16xf32>
        %broadcast_in_dim3A_304 = arith.constant 6 : i32
        %broadcast_in_dim3A_305 = vector.broadcast %broadcast_in_dim3A_304 : i32 to vector<16xi32>
        %broadcast_in_dim3A_306 = vector.shape_cast %broadcast_in_dim3A_305 : vector<16xi32> to vector<16x1xi32>
        %gather3A_307 = vector.shape_cast %broadcast_in_dim3A_306 : vector<16x1xi32> to vector<16xi32>
        %gather3A_308 = tpu.dynamic_gather %get3A_130[%gather3A_307] in [0] : vector<16xf32>, vector<16xi32> -> vector<16xf32>
        %get3A_309 = arith.index_cast %scan3A_120 : i32 to index
        %get3A_310 = arith.constant 384 : index
        %get3A_311 = tpu.vector_load %arg19[%get3A_309, %get3A_310] {strides = array<i32>} : memref<64x512xf32, #tpu.memory_space<vmem>>, vector<1x16xf32>,
        %get3A_312 = vector.shape_cast %get3A_311 : vector<1x16xf32> to vector<16xf32>
        %mul3A_313 = arith.mulf %gather3A_308, %get3A_312 : vector<16xf32>
        %add3A_314 = arith.addf %add3A_285, %mul3A_313 : vector<16xf32>
        %get3A_315 = arith.index_cast %scan3A_120 : i32 to index
        %get3A_316 = arith.constant 400 : index
        %get3A_317 = tpu.vector_load %arg19[%get3A_315, %get3A_316] {strides = array<i32>} : memref<64x512xf32, #tpu.memory_space<vmem>>, vector<1x16xf32>,
        %get3A_318 = vector.shape_cast %get3A_317 : vector<1x16xf32> to vector<16xf32>
        %mul3A_319 = arith.mulf %gather3A_308, %get3A_318 : vector<16xf32>
        %add3A_320 = arith.addf %add3A_291, %mul3A_319 : vector<16xf32>
        %get3A_321 = arith.index_cast %scan3A_120 : i32 to index
        %get3A_322 = arith.constant 416 : index
        %get3A_323 = tpu.vector_load %arg19[%get3A_321, %get3A_322] {strides = array<i32>} : memref<64x512xf32, #tpu.memory_space<vmem>>, vector<1x16xf32>,
        %get3A_324 = vector.shape_cast %get3A_323 : vector<1x16xf32> to vector<16xf32>
        %mul3A_325 = arith.mulf %gather3A_308, %get3A_324 : vector<16xf32>
        %add3A_326 = arith.addf %add3A_297, %mul3A_325 : vector<16xf32>
        %get3A_327 = arith.index_cast %scan3A_120 : i32 to index
        %get3A_328 = arith.constant 432 : index
        %get3A_329 = tpu.vector_load %arg19[%get3A_327, %get3A_328] {strides = array<i32>} : memref<64x512xf32, #tpu.memory_space<vmem>>, vector<1x16xf32>,
        %get3A_330 = vector.shape_cast %get3A_329 : vector<1x16xf32> to vector<16xf32>
        %mul3A_331 = arith.mulf %gather3A_308, %get3A_330 : vector<16xf32>
        %add3A_332 = arith.addf %add3A_303, %mul3A_331 : vector<16xf32>
        %broadcast_in_dim3A_333 = arith.constant 7 : i32
        %broadcast_in_dim3A_334 = vector.broadcast %broadcast_in_dim3A_333 : i32 to vector<16xi32>
        %broadcast_in_dim3A_335 = vector.shape_cast %broadcast_in_dim3A_334 : vector<16xi32> to vector<16x1xi32>
        %gather3A_336 = vector.shape_cast %broadcast_in_dim3A_335 : vector<16x1xi32> to vector<16xi32>
        %gather3A_337 = tpu.dynamic_gather %get3A_130[%gather3A_336] in [0] : vector<16xf32>, vector<16xi32> -> vector<16xf32>
        %get3A_338 = arith.index_cast %scan3A_120 : i32 to index
        %get3A_339 = arith.constant 448 : index
        %get3A_340 = tpu.vector_load %arg19[%get3A_338, %get3A_339] {strides = array<i32>} : memref<64x512xf32, #tpu.memory_space<vmem>>, vector<1x16xf32>,
        %get3A_341 = vector.shape_cast %get3A_340 : vector<1x16xf32> to vector<16xf32>
        %mul3A_342 = arith.mulf %gather3A_337, %get3A_341 : vector<16xf32>
        %add3A_343 = arith.addf %add3A_314, %mul3A_342 : vector<16xf32>
        %get3A_344 = arith.index_cast %scan3A_120 : i32 to index
        %get3A_345 = arith.constant 464 : index
        %get3A_346 = tpu.vector_load %arg19[%get3A_344, %get3A_345] {strides = array<i32>} : memref<64x512xf32, #tpu.memory_space<vmem>>, vector<1x16xf32>,
        %get3A_347 = vector.shape_cast %get3A_346 : vector<1x16xf32> to vector<16xf32>
        %mul3A_348 = arith.mulf %gather3A_337, %get3A_347 : vector<16xf32>
        %add3A_349 = arith.addf %add3A_320, %mul3A_348 : vector<16xf32>
        %get3A_350 = arith.index_cast %scan3A_120 : i32 to index
        %get3A_351 = arith.constant 480 : index
        %get3A_352 = tpu.vector_load %arg19[%get3A_350, %get3A_351] {strides = array<i32>} : memref<64x512xf32, #tpu.memory_space<vmem>>, vector<1x16xf32>,
        %get3A_353 = vector.shape_cast %get3A_352 : vector<1x16xf32> to vector<16xf32>
        %mul3A_354 = arith.mulf %gather3A_337, %get3A_353 : vector<16xf32>
        %add3A_355 = arith.addf %add3A_326, %mul3A_354 : vector<16xf32>
        %get3A_356 = arith.index_cast %scan3A_120 : i32 to index
        %get3A_357 = arith.constant 496 : index
        %get3A_358 = tpu.vector_load %arg19[%get3A_356, %get3A_357] {strides = array<i32>} : memref<64x512xf32, #tpu.memory_space<vmem>>, vector<1x16xf32>,
        %get3A_359 = vector.shape_cast %get3A_358 : vector<1x16xf32> to vector<16xf32>
        %mul3A_360 = arith.mulf %gather3A_337, %get3A_359 : vector<16xf32>
        %add3A_361 = arith.addf %add3A_332, %mul3A_360 : vector<16xf32>
        %swap3A = arith.index_cast %scan3A_120 : i32 to index
        %swap3A_362 = arith.constant 0 : index
        %swap3A_363 = tpu.vector_load %arg20[%swap3A, %swap3A_362] {strides = array<i32>} : memref<64x64xf32, #tpu.memory_space<vmem>>, vector<1x16xf32>,
        %swap3A_364 = vector.shape_cast %swap3A_363 : vector<1x16xf32> to vector<16xf32>
        %swap3A_365 = vector.shape_cast %add3A_343 : vector<16xf32> to vector<1x16xf32>
        tpu.vector_store %arg20[%swap3A, %swap3A_362], %swap3A_365 {strides = array<i32>} : memref<64x64xf32, #tpu.memory_space<vmem>>, vector<1x16xf32>,
        %swap3A_366 = arith.index_cast %scan3A_120 : i32 to index
        %swap3A_367 = arith.constant 16 : index
        %swap3A_368 = tpu.vector_load %arg20[%swap3A_366, %swap3A_367] {strides = array<i32>} : memref<64x64xf32, #tpu.memory_space<vmem>>, vector<1x16xf32>,
        %swap3A_369 = vector.shape_cast %swap3A_368 : vector<1x16xf32> to vector<16xf32>
        %swap3A_370 = vector.shape_cast %add3A_349 : vector<16xf32> to vector<1x16xf32>
        tpu.vector_store %arg20[%swap3A_366, %swap3A_367], %swap3A_370 {strides = array<i32>} : memref<64x64xf32, #tpu.memory_space<vmem>>, vector<1x16xf32>,
        %swap3A_371 = arith.index_cast %scan3A_120 : i32 to index
        %swap3A_372 = arith.constant 32 : index
        %swap3A_373 = tpu.vector_load %arg20[%swap3A_371, %swap3A_372] {strides = array<i32>} : memref<64x64xf32, #tpu.memory_space<vmem>>, vector<1x16xf32>,
        %swap3A_374 = vector.shape_cast %swap3A_373 : vector<1x16xf32> to vector<16xf32>
        %swap3A_375 = vector.shape_cast %add3A_355 : vector<16xf32> to vector<1x16xf32>
        tpu.vector_store %arg20[%swap3A_371, %swap3A_372], %swap3A_375 {strides = array<i32>} : memref<64x64xf32, #tpu.memory_space<vmem>>, vector<1x16xf32>,
        %swap3A_376 = arith.index_cast %scan3A_120 : i32 to index
        %swap3A_377 = arith.constant 48 : index
        %swap3A_378 = tpu.vector_load %arg20[%swap3A_376, %swap3A_377] {strides = array<i32>} : memref<64x64xf32, #tpu.memory_space<vmem>>, vector<1x16xf32>,
        %swap3A_379 = vector.shape_cast %swap3A_378 : vector<1x16xf32> to vector<16xf32>
        %swap3A_380 = vector.shape_cast %add3A_361 : vector<16xf32> to vector<1x16xf32>
        tpu.vector_store %arg20[%swap3A_376, %swap3A_377], %swap3A_380 {strides = array<i32>} : memref<64x64xf32, #tpu.memory_space<vmem>>, vector<1x16xf32>,
      }
      %scan3A_119 = arith.constant 64 : i32
      "tpu.region"() ({
        %run_scoped3A = tpu.sem_alloc : memref<!tpu.dma_semaphore, #tpu.memory_space<semaphore_mem>>
        %dma_start3A_120 = arith.constant 0 : i32
        %dma_start3A_121 = arith.constant 0 : i32
        %dma_start3A_122 = tpu.memref_slice %arg22[%dma_start3A_120, %dma_start3A_121] : memref<10240x64xf32, #tpu.memory_space<vmem_shared>> -> memref<10240x64xf32, #tpu.memory_space<vmem_shared>>
        tpu.enqueue_indirect_dma source(%arg20 : memref<64x64xf32, #tpu.memory_space<vmem>>) target(%dma_start3A_122 : memref<10240x64xf32, #tpu.memory_space<vmem_shared>>) offsets(%arg14 : memref<64xi32, #tpu.memory_space<vmem>>) semaphore(%run_scoped3A : memref<!tpu.dma_semaphore, #tpu.memory_space<semaphore_mem>>) {add = true}
        %dma_wait3A_123 = arith.constant 0 : i32
        %dma_wait3A_124 = arith.constant 0 : i32
        %dma_wait3A_125 = tpu.memref_slice %arg22[%dma_wait3A_123, %dma_wait3A_124] : memref<10240x64xf32, #tpu.memory_space<vmem_shared>> -> memref<10240x64xf32, #tpu.memory_space<vmem_shared>>
        tpu.wait_indirect_dma semaphore(%run_scoped3A : memref<!tpu.dma_semaphore, #tpu.memory_space<semaphore_mem>>) src(%arg20 : memref<64x64xf32, #tpu.memory_space<vmem>>) dst(%dma_wait3A_125 : memref<10240x64xf32, #tpu.memory_space<vmem_shared>>)
        tpu.yield
      }) : () -> ()
    }
    %scan3A_31 = arith.constant 84 : i32
    %barrier3A_32 = arith.constant 0 : index
    tpu.barrier barrier_id(%barrier3A_32)
    %eq3A = arith.constant 0 : i32
    %eq3A_33 = arith.cmpi eq, %arg0, %eq3A : i32
    %convert_element_type3A = arith.extui %eq3A_33 : i1 to i32
    %cond3A = arith.constant 0 : i32
    %cond3A_34 = arith.cmpi ne, %convert_element_type3A, %cond3A : i32
    scf.if %cond3A_34 {
      %mul3A_86 = arith.constant 640 : i32
      %mul3A_87 = arith.muli %arg1, %mul3A_86 : i32
      %mul3A_88 = arith.constant 640 : i32
      %mul3A_89 = arith.muli %arg1, %mul3A_88 : i32
      "tpu.region"() ({
        %run_scoped3A = tpu.sem_alloc : memref<!tpu.dma_semaphore, #tpu.memory_space<semaphore_mem>>
        %dma_start3A = arith.constant 0 : i32
        %dma_start3A_90 = tpu.memref_slice %arg9[%mul3A_89, %dma_start3A] : memref<10240x64xf32, #tpu.memory_space<hbm>> -> memref<640x64xf32, #tpu.memory_space<hbm>>
        %dma_start3A_91 = arith.constant 0 : i32
        %dma_start3A_92 = tpu.memref_slice %arg22[%mul3A_87, %dma_start3A_91] : memref<10240x64xf32, #tpu.memory_space<vmem_shared>> -> memref<640x64xf32, #tpu.memory_space<vmem_shared>>
        tpu.enqueue_dma source(%dma_start3A_92 : memref<640x64xf32, #tpu.memory_space<vmem_shared>>) target(%dma_start3A_90 : memref<640x64xf32, #tpu.memory_space<hbm>>) target_semaphore(%run_scoped3A : memref<!tpu.dma_semaphore, #tpu.memory_space<semaphore_mem>>)
        %dma_wait3A = arith.constant 0 : i32
        %dma_wait3A_93 = tpu.memref_slice %arg9[%mul3A_89, %dma_wait3A] : memref<10240x64xf32, #tpu.memory_space<hbm>> -> memref<640x64xf32, #tpu.memory_space<hbm>>
        %dma_wait3A_94 = arith.constant 0 : i32
        %dma_wait3A_95 = tpu.memref_slice %arg22[%mul3A_87, %dma_wait3A_94] : memref<10240x64xf32, #tpu.memory_space<vmem_shared>> -> memref<640x64xf32, #tpu.memory_space<vmem_shared>>
        tpu.wait_dma2 semaphore(%run_scoped3A : memref<!tpu.dma_semaphore, #tpu.memory_space<semaphore_mem>>) src(%dma_wait3A_95 : memref<640x64xf32, #tpu.memory_space<vmem_shared>>) dst(%dma_wait3A_93 : memref<640x64xf32, #tpu.memory_space<hbm>>)
        tpu.yield
      }) : () -> ()
    } else {
    }
    %eq3A_35 = arith.constant 1 : i32
    %eq3A_36 = arith.cmpi eq, %arg0, %eq3A_35 : i32
    %convert_element_type3A_37 = arith.extui %eq3A_36 : i1 to i32
    %cond3A_38 = arith.constant 0 : i32
    %cond3A_39 = arith.cmpi ne, %convert_element_type3A_37, %cond3A_38 : i32
    scf.if %cond3A_39 {
      %mul3A_86 = arith.constant 640 : i32
      %mul3A_87 = arith.muli %arg1, %mul3A_86 : i32
      %mul3A_88 = arith.constant 640 : i32
      %mul3A_89 = arith.muli %arg1, %mul3A_88 : i32
      "tpu.region"() ({
        %run_scoped3A = tpu.sem_alloc : memref<!tpu.dma_semaphore, #tpu.memory_space<semaphore_mem>>
        %dma_start3A = arith.constant 0 : i32
        %dma_start3A_90 = tpu.memref_slice %arg10[%mul3A_89, %dma_start3A] : memref<10240x64xf32, #tpu.memory_space<hbm>> -> memref<640x64xf32, #tpu.memory_space<hbm>>
        %dma_start3A_91 = arith.constant 0 : i32
        %dma_start3A_92 = tpu.memref_slice %arg22[%mul3A_87, %dma_start3A_91] : memref<10240x64xf32, #tpu.memory_space<vmem_shared>> -> memref<640x64xf32, #tpu.memory_space<vmem_shared>>
        tpu.enqueue_dma source(%dma_start3A_92 : memref<640x64xf32, #tpu.memory_space<vmem_shared>>) target(%dma_start3A_90 : memref<640x64xf32, #tpu.memory_space<hbm>>) target_semaphore(%run_scoped3A : memref<!tpu.dma_semaphore, #tpu.memory_space<semaphore_mem>>)
        %dma_wait3A = arith.constant 0 : i32
        %dma_wait3A_93 = tpu.memref_slice %arg10[%mul3A_89, %dma_wait3A] : memref<10240x64xf32, #tpu.memory_space<hbm>> -> memref<640x64xf32, #tpu.memory_space<hbm>>
        %dma_wait3A_94 = arith.constant 0 : i32
        %dma_wait3A_95 = tpu.memref_slice %arg22[%mul3A_87, %dma_wait3A_94] : memref<10240x64xf32, #tpu.memory_space<vmem_shared>> -> memref<640x64xf32, #tpu.memory_space<vmem_shared>>
        tpu.wait_dma2 semaphore(%run_scoped3A : memref<!tpu.dma_semaphore, #tpu.memory_space<semaphore_mem>>) src(%dma_wait3A_95 : memref<640x64xf32, #tpu.memory_space<vmem_shared>>) dst(%dma_wait3A_93 : memref<640x64xf32, #tpu.memory_space<hbm>>)
        tpu.yield
      }) : () -> ()
    } else {
    }
    %barrier3A_40 = arith.constant 0 : index
    tpu.barrier barrier_id(%barrier3A_40)
    %scan3A_41 = arith.constant 0 : i32
    %scan3A_42 = arith.constant 0 : i32
    %scan3A_43 = arith.constant 128 : i32
    %scan3A_44 = arith.addi %scan3A_42, %scan3A_43 : i32
    %scan3A_45 = arith.constant 1 : i32
    scf.for %scan3A_86 = %scan3A_42 to %scan3A_44 step %scan3A_45  : i32 {
      %broadcast_in_dim3A = arith.constant 0.000000e+00 : f32
      %broadcast_in_dim3A_87 = vector.broadcast %broadcast_in_dim3A : f32 to vector<16xf32>
      %swap3A = arith.index_cast %scan3A_86 : i32 to index
      %swap3A_88 = arith.constant 0 : index
      %swap3A_89 = tpu.vector_load %arg21[%swap3A, %swap3A_88] {strides = array<i32>} : memref<128x64xf32, #tpu.memory_space<vmem>>, vector<1x16xf32>,
      %swap3A_90 = vector.shape_cast %swap3A_89 : vector<1x16xf32> to vector<16xf32>
      %swap3A_91 = vector.shape_cast %broadcast_in_dim3A_87 : vector<16xf32> to vector<1x16xf32>
      tpu.vector_store %arg21[%swap3A, %swap3A_88], %swap3A_91 {strides = array<i32>} : memref<128x64xf32, #tpu.memory_space<vmem>>, vector<1x16xf32>,
      %broadcast_in_dim3A_92 = arith.constant 0.000000e+00 : f32
      %broadcast_in_dim3A_93 = vector.broadcast %broadcast_in_dim3A_92 : f32 to vector<16xf32>
      %swap3A_94 = arith.index_cast %scan3A_86 : i32 to index
      %swap3A_95 = arith.constant 16 : index
      %swap3A_96 = tpu.vector_load %arg21[%swap3A_94, %swap3A_95] {strides = array<i32>} : memref<128x64xf32, #tpu.memory_space<vmem>>, vector<1x16xf32>,
      %swap3A_97 = vector.shape_cast %swap3A_96 : vector<1x16xf32> to vector<16xf32>
      %swap3A_98 = vector.shape_cast %broadcast_in_dim3A_93 : vector<16xf32> to vector<1x16xf32>
      tpu.vector_store %arg21[%swap3A_94, %swap3A_95], %swap3A_98 {strides = array<i32>} : memref<128x64xf32, #tpu.memory_space<vmem>>, vector<1x16xf32>,
      %broadcast_in_dim3A_99 = arith.constant 0.000000e+00 : f32
      %broadcast_in_dim3A_100 = vector.broadcast %broadcast_in_dim3A_99 : f32 to vector<16xf32>
      %swap3A_101 = arith.index_cast %scan3A_86 : i32 to index
      %swap3A_102 = arith.constant 32 : index
      %swap3A_103 = tpu.vector_load %arg21[%swap3A_101, %swap3A_102] {strides = array<i32>} : memref<128x64xf32, #tpu.memory_space<vmem>>, vector<1x16xf32>,
      %swap3A_104 = vector.shape_cast %swap3A_103 : vector<1x16xf32> to vector<16xf32>
      %swap3A_105 = vector.shape_cast %broadcast_in_dim3A_100 : vector<16xf32> to vector<1x16xf32>
      tpu.vector_store %arg21[%swap3A_101, %swap3A_102], %swap3A_105 {strides = array<i32>} : memref<128x64xf32, #tpu.memory_space<vmem>>, vector<1x16xf32>,
      %broadcast_in_dim3A_106 = arith.constant 0.000000e+00 : f32
      %broadcast_in_dim3A_107 = vector.broadcast %broadcast_in_dim3A_106 : f32 to vector<16xf32>
      %swap3A_108 = arith.index_cast %scan3A_86 : i32 to index
      %swap3A_109 = arith.constant 48 : index
      %swap3A_110 = tpu.vector_load %arg21[%swap3A_108, %swap3A_109] {strides = array<i32>} : memref<128x64xf32, #tpu.memory_space<vmem>>, vector<1x16xf32>,
      %swap3A_111 = vector.shape_cast %swap3A_110 : vector<1x16xf32> to vector<16xf32>
      %swap3A_112 = vector.shape_cast %broadcast_in_dim3A_107 : vector<16xf32> to vector<1x16xf32>
      tpu.vector_store %arg21[%swap3A_108, %swap3A_109], %swap3A_112 {strides = array<i32>} : memref<128x64xf32, #tpu.memory_space<vmem>>, vector<1x16xf32>,
    }
    %scan3A_46 = arith.constant 128 : i32
    %mul3A_47 = arith.constant 640 : i32
    %mul3A_48 = arith.muli %arg1, %mul3A_47 : i32
    %add3A_49 = arith.constant 0 : i32
    %add3A_50 = arith.addi %mul3A_48, %add3A_49 : i32
    "tpu.region"() ({
      %run_scoped3A = tpu.sem_alloc : memref<!tpu.dma_semaphore, #tpu.memory_space<semaphore_mem>>
      %dma_start3A = arith.constant 0 : i32
      %dma_start3A_86 = tpu.memref_slice %arg22[%add3A_50, %dma_start3A] : memref<10240x64xf32, #tpu.memory_space<vmem_shared>> -> memref<128x64xf32, #tpu.memory_space<vmem_shared>>
      %dma_start3A_87 = arith.constant 0 : i32
      %dma_start3A_88 = tpu.memref_slice %arg22[%add3A_50, %dma_start3A_87] : memref<10240x64xf32, #tpu.memory_space<vmem_shared>> -> memref<128x64xf32, #tpu.memory_space<vmem_shared>>
      tpu.enqueue_dma source(%arg21 : memref<128x64xf32, #tpu.memory_space<vmem>>) target(%dma_start3A_88 : memref<128x64xf32, #tpu.memory_space<vmem_shared>>) target_semaphore(%run_scoped3A : memref<!tpu.dma_semaphore, #tpu.memory_space<semaphore_mem>>)
      %dma_wait3A = arith.constant 0 : i32
      %dma_wait3A_89 = tpu.memref_slice %arg22[%add3A_50, %dma_wait3A] : memref<10240x64xf32, #tpu.memory_space<vmem_shared>> -> memref<128x64xf32, #tpu.memory_space<vmem_shared>>
      %dma_wait3A_90 = arith.constant 0 : i32
      %dma_wait3A_91 = tpu.memref_slice %arg22[%add3A_50, %dma_wait3A_90] : memref<10240x64xf32, #tpu.memory_space<vmem_shared>> -> memref<128x64xf32, #tpu.memory_space<vmem_shared>>
      tpu.wait_dma2 semaphore(%run_scoped3A : memref<!tpu.dma_semaphore, #tpu.memory_space<semaphore_mem>>) src(%arg21 : memref<128x64xf32, #tpu.memory_space<vmem>>) dst(%dma_wait3A_91 : memref<128x64xf32, #tpu.memory_space<vmem_shared>>)
      tpu.yield
    }) : () -> ()
    %mul3A_51 = arith.constant 640 : i32
    %mul3A_52 = arith.muli %arg1, %mul3A_51 : i32
    %add3A_53 = arith.constant 128 : i32
    %add3A_54 = arith.addi %mul3A_52, %add3A_53 : i32
    "tpu.region"() ({
      %run_scoped3A = tpu.sem_alloc : memref<!tpu.dma_semaphore, #tpu.memory_space<semaphore_mem>>
      %dma_start3A = arith.constant 0 : i32
      %dma_start3A_86 = tpu.memref_slice %arg22[%add3A_54, %dma_start3A] : memref<10240x64xf32, #tpu.memory_space<vmem_shared>> -> memref<128x64xf32, #tpu.memory_space<vmem_shared>>
      %dma_start3A_87 = arith.constant 0 : i32
      %dma_start3A_88 = tpu.memref_slice %arg22[%add3A_54, %dma_start3A_87] : memref<10240x64xf32, #tpu.memory_space<vmem_shared>> -> memref<128x64xf32, #tpu.memory_space<vmem_shared>>
      tpu.enqueue_dma source(%arg21 : memref<128x64xf32, #tpu.memory_space<vmem>>) target(%dma_start3A_88 : memref<128x64xf32, #tpu.memory_space<vmem_shared>>) target_semaphore(%run_scoped3A : memref<!tpu.dma_semaphore, #tpu.memory_space<semaphore_mem>>)
      %dma_wait3A = arith.constant 0 : i32
      %dma_wait3A_89 = tpu.memref_slice %arg22[%add3A_54, %dma_wait3A] : memref<10240x64xf32, #tpu.memory_space<vmem_shared>> -> memref<128x64xf32, #tpu.memory_space<vmem_shared>>
      %dma_wait3A_90 = arith.constant 0 : i32
      %dma_wait3A_91 = tpu.memref_slice %arg22[%add3A_54, %dma_wait3A_90] : memref<10240x64xf32, #tpu.memory_space<vmem_shared>> -> memref<128x64xf32, #tpu.memory_space<vmem_shared>>
      tpu.wait_dma2 semaphore(%run_scoped3A : memref<!tpu.dma_semaphore, #tpu.memory_space<semaphore_mem>>) src(%arg21 : memref<128x64xf32, #tpu.memory_space<vmem>>) dst(%dma_wait3A_91 : memref<128x64xf32, #tpu.memory_space<vmem_shared>>)
      tpu.yield
    }) : () -> ()
    %mul3A_55 = arith.constant 640 : i32
    %mul3A_56 = arith.muli %arg1, %mul3A_55 : i32
    %add3A_57 = arith.constant 256 : i32
    %add3A_58 = arith.addi %mul3A_56, %add3A_57 : i32
    "tpu.region"() ({
      %run_scoped3A = tpu.sem_alloc : memref<!tpu.dma_semaphore, #tpu.memory_space<semaphore_mem>>
      %dma_start3A = arith.constant 0 : i32
      %dma_start3A_86 = tpu.memref_slice %arg22[%add3A_58, %dma_start3A] : memref<10240x64xf32, #tpu.memory_space<vmem_shared>> -> memref<128x64xf32, #tpu.memory_space<vmem_shared>>
      %dma_start3A_87 = arith.constant 0 : i32
      %dma_start3A_88 = tpu.memref_slice %arg22[%add3A_58, %dma_start3A_87] : memref<10240x64xf32, #tpu.memory_space<vmem_shared>> -> memref<128x64xf32, #tpu.memory_space<vmem_shared>>
      tpu.enqueue_dma source(%arg21 : memref<128x64xf32, #tpu.memory_space<vmem>>) target(%dma_start3A_88 : memref<128x64xf32, #tpu.memory_space<vmem_shared>>) target_semaphore(%run_scoped3A : memref<!tpu.dma_semaphore, #tpu.memory_space<semaphore_mem>>)
      %dma_wait3A = arith.constant 0 : i32
      %dma_wait3A_89 = tpu.memref_slice %arg22[%add3A_58, %dma_wait3A] : memref<10240x64xf32, #tpu.memory_space<vmem_shared>> -> memref<128x64xf32, #tpu.memory_space<vmem_shared>>
      %dma_wait3A_90 = arith.constant 0 : i32
      %dma_wait3A_91 = tpu.memref_slice %arg22[%add3A_58, %dma_wait3A_90] : memref<10240x64xf32, #tpu.memory_space<vmem_shared>> -> memref<128x64xf32, #tpu.memory_space<vmem_shared>>
      tpu.wait_dma2 semaphore(%run_scoped3A : memref<!tpu.dma_semaphore, #tpu.memory_space<semaphore_mem>>) src(%arg21 : memref<128x64xf32, #tpu.memory_space<vmem>>) dst(%dma_wait3A_91 : memref<128x64xf32, #tpu.memory_space<vmem_shared>>)
      tpu.yield
    }) : () -> ()
    %mul3A_59 = arith.constant 640 : i32
    %mul3A_60 = arith.muli %arg1, %mul3A_59 : i32
    %add3A_61 = arith.constant 384 : i32
    %add3A_62 = arith.addi %mul3A_60, %add3A_61 : i32
    "tpu.region"() ({
      %run_scoped3A = tpu.sem_alloc : memref<!tpu.dma_semaphore, #tpu.memory_space<semaphore_mem>>
      %dma_start3A = arith.constant 0 : i32
      %dma_start3A_86 = tpu.memref_slice %arg22[%add3A_62, %dma_start3A] : memref<10240x64xf32, #tpu.memory_space<vmem_shared>> -> memref<128x64xf32, #tpu.memory_space<vmem_shared>>
      %dma_start3A_87 = arith.constant 0 : i32
      %dma_start3A_88 = tpu.memref_slice %arg22[%add3A_62, %dma_start3A_87] : memref<10240x64xf32, #tpu.memory_space<vmem_shared>> -> memref<128x64xf32, #tpu.memory_space<vmem_shared>>
      tpu.enqueue_dma source(%arg21 : memref<128x64xf32, #tpu.memory_space<vmem>>) target(%dma_start3A_88 : memref<128x64xf32, #tpu.memory_space<vmem_shared>>) target_semaphore(%run_scoped3A : memref<!tpu.dma_semaphore, #tpu.memory_space<semaphore_mem>>)
      %dma_wait3A = arith.constant 0 : i32
      %dma_wait3A_89 = tpu.memref_slice %arg22[%add3A_62, %dma_wait3A] : memref<10240x64xf32, #tpu.memory_space<vmem_shared>> -> memref<128x64xf32, #tpu.memory_space<vmem_shared>>
      %dma_wait3A_90 = arith.constant 0 : i32
      %dma_wait3A_91 = tpu.memref_slice %arg22[%add3A_62, %dma_wait3A_90] : memref<10240x64xf32, #tpu.memory_space<vmem_shared>> -> memref<128x64xf32, #tpu.memory_space<vmem_shared>>
      tpu.wait_dma2 semaphore(%run_scoped3A : memref<!tpu.dma_semaphore, #tpu.memory_space<semaphore_mem>>) src(%arg21 : memref<128x64xf32, #tpu.memory_space<vmem>>) dst(%dma_wait3A_91 : memref<128x64xf32, #tpu.memory_space<vmem_shared>>)
      tpu.yield
    }) : () -> ()
    %mul3A_63 = arith.constant 640 : i32
    %mul3A_64 = arith.muli %arg1, %mul3A_63 : i32
    %add3A_65 = arith.constant 512 : i32
    %add3A_66 = arith.addi %mul3A_64, %add3A_65 : i32
    "tpu.region"() ({
      %run_scoped3A = tpu.sem_alloc : memref<!tpu.dma_semaphore, #tpu.memory_space<semaphore_mem>>
      %dma_start3A = arith.constant 0 : i32
      %dma_start3A_86 = tpu.memref_slice %arg22[%add3A_66, %dma_start3A] : memref<10240x64xf32, #tpu.memory_space<vmem_shared>> -> memref<128x64xf32, #tpu.memory_space<vmem_shared>>
      %dma_start3A_87 = arith.constant 0 : i32
      %dma_start3A_88 = tpu.memref_slice %arg22[%add3A_66, %dma_start3A_87] : memref<10240x64xf32, #tpu.memory_space<vmem_shared>> -> memref<128x64xf32, #tpu.memory_space<vmem_shared>>
      tpu.enqueue_dma source(%arg21 : memref<128x64xf32, #tpu.memory_space<vmem>>) target(%dma_start3A_88 : memref<128x64xf32, #tpu.memory_space<vmem_shared>>) target_semaphore(%run_scoped3A : memref<!tpu.dma_semaphore, #tpu.memory_space<semaphore_mem>>)
      %dma_wait3A = arith.constant 0 : i32
      %dma_wait3A_89 = tpu.memref_slice %arg22[%add3A_66, %dma_wait3A] : memref<10240x64xf32, #tpu.memory_space<vmem_shared>> -> memref<128x64xf32, #tpu.memory_space<vmem_shared>>
      %dma_wait3A_90 = arith.constant 0 : i32
      %dma_wait3A_91 = tpu.memref_slice %arg22[%add3A_66, %dma_wait3A_90] : memref<10240x64xf32, #tpu.memory_space<vmem_shared>> -> memref<128x64xf32, #tpu.memory_space<vmem_shared>>
      tpu.wait_dma2 semaphore(%run_scoped3A : memref<!tpu.dma_semaphore, #tpu.memory_space<semaphore_mem>>) src(%arg21 : memref<128x64xf32, #tpu.memory_space<vmem>>) dst(%dma_wait3A_91 : memref<128x64xf32, #tpu.memory_space<vmem_shared>>)
      tpu.yield
    }) : () -> ()
    %barrier3A_67 = arith.constant 0 : index
    tpu.barrier barrier_id(%barrier3A_67)
    %scan3A_68 = arith.constant 0 : i32
    %scan3A_69 = arith.constant 0 : i32
    %scan3A_70 = arith.constant 84 : i32
    %scan3A_71 = arith.addi %scan3A_69, %scan3A_70 : i32
    %scan3A_72 = arith.constant 1 : i32
    scf.for %scan3A_86 = %scan3A_69 to %scan3A_71 step %scan3A_72  : i32 {
      %mul3A_87 = arith.constant 5376 : i32
      %mul3A_88 = arith.muli %add3A, %mul3A_87 : i32
      %mul3A_89 = arith.constant 64 : i32
      %mul3A_90 = arith.muli %scan3A_86, %mul3A_89 : i32
      %add3A_91 = arith.addi %mul3A_88, %mul3A_90 : i32
      "tpu.region"() ({
        %run_scoped3A = tpu.sem_alloc : memref<!tpu.dma_semaphore, #tpu.memory_space<semaphore_mem>>
        %dma_start3A_120 = tpu.memref_slice %arg2[%add3A_91] : memref<172032xi32, #tpu.memory_space<hbm>> -> memref<64xi32, #tpu.memory_space<hbm>>
        %dma_start3A_121 = tpu.memref_slice %arg2[%add3A_91] : memref<172032xi32, #tpu.memory_space<hbm>> -> memref<64xi32, #tpu.memory_space<hbm>>
        tpu.enqueue_dma source(%dma_start3A_121 : memref<64xi32, #tpu.memory_space<hbm>>) target(%arg13 : memref<64xi32, #tpu.memory_space<vmem>>) target_semaphore(%run_scoped3A : memref<!tpu.dma_semaphore, #tpu.memory_space<semaphore_mem>>)
        %dma_wait3A_122 = tpu.memref_slice %arg2[%add3A_91] : memref<172032xi32, #tpu.memory_space<hbm>> -> memref<64xi32, #tpu.memory_space<hbm>>
        %dma_wait3A_123 = tpu.memref_slice %arg2[%add3A_91] : memref<172032xi32, #tpu.memory_space<hbm>> -> memref<64xi32, #tpu.memory_space<hbm>>
        tpu.wait_dma2 semaphore(%run_scoped3A : memref<!tpu.dma_semaphore, #tpu.memory_space<semaphore_mem>>) src(%dma_wait3A_123 : memref<64xi32, #tpu.memory_space<hbm>>) dst(%arg13 : memref<64xi32, #tpu.memory_space<vmem>>)
        tpu.yield
      }) : () -> ()
      "tpu.region"() ({
        %run_scoped3A = tpu.sem_alloc : memref<!tpu.dma_semaphore, #tpu.memory_space<semaphore_mem>>
        %dma_start3A_120 = tpu.memref_slice %arg3[%add3A_91] : memref<172032xi32, #tpu.memory_space<hbm>> -> memref<64xi32, #tpu.memory_space<hbm>>
        %dma_start3A_121 = tpu.memref_slice %arg3[%add3A_91] : memref<172032xi32, #tpu.memory_space<hbm>> -> memref<64xi32, #tpu.memory_space<hbm>>
        tpu.enqueue_dma source(%dma_start3A_121 : memref<64xi32, #tpu.memory_space<hbm>>) target(%arg14 : memref<64xi32, #tpu.memory_space<vmem>>) target_semaphore(%run_scoped3A : memref<!tpu.dma_semaphore, #tpu.memory_space<semaphore_mem>>)
        %dma_wait3A_122 = tpu.memref_slice %arg3[%add3A_91] : memref<172032xi32, #tpu.memory_space<hbm>> -> memref<64xi32, #tpu.memory_space<hbm>>
        %dma_wait3A_123 = tpu.memref_slice %arg3[%add3A_91] : memref<172032xi32, #tpu.memory_space<hbm>> -> memref<64xi32, #tpu.memory_space<hbm>>
        tpu.wait_dma2 semaphore(%run_scoped3A : memref<!tpu.dma_semaphore, #tpu.memory_space<semaphore_mem>>) src(%dma_wait3A_123 : memref<64xi32, #tpu.memory_space<hbm>>) dst(%arg14 : memref<64xi32, #tpu.memory_space<vmem>>)
        tpu.yield
      }) : () -> ()
      "tpu.region"() ({
        %run_scoped3A = tpu.sem_alloc : memref<!tpu.dma_semaphore, #tpu.memory_space<semaphore_mem>>
        %dma_start3A_120 = arith.constant 0 : i32
        %dma_start3A_121 = tpu.memref_slice %arg4[%add3A_91, %dma_start3A_120] : memref<172032x16xf32, #tpu.memory_space<hbm>> -> memref<64x16xf32, #tpu.memory_space<hbm>>
        %dma_start3A_122 = arith.constant 0 : i32
        %dma_start3A_123 = tpu.memref_slice %arg4[%add3A_91, %dma_start3A_122] : memref<172032x16xf32, #tpu.memory_space<hbm>> -> memref<64x16xf32, #tpu.memory_space<hbm>>
        tpu.enqueue_dma source(%dma_start3A_123 : memref<64x16xf32, #tpu.memory_space<hbm>>) target(%arg15 : memref<64x16xf32, #tpu.memory_space<vmem>>) target_semaphore(%run_scoped3A : memref<!tpu.dma_semaphore, #tpu.memory_space<semaphore_mem>>)
        %dma_wait3A_124 = arith.constant 0 : i32
        %dma_wait3A_125 = tpu.memref_slice %arg4[%add3A_91, %dma_wait3A_124] : memref<172032x16xf32, #tpu.memory_space<hbm>> -> memref<64x16xf32, #tpu.memory_space<hbm>>
        %dma_wait3A_126 = arith.constant 0 : i32
        %dma_wait3A_127 = tpu.memref_slice %arg4[%add3A_91, %dma_wait3A_126] : memref<172032x16xf32, #tpu.memory_space<hbm>> -> memref<64x16xf32, #tpu.memory_space<hbm>>
        tpu.wait_dma2 semaphore(%run_scoped3A : memref<!tpu.dma_semaphore, #tpu.memory_space<semaphore_mem>>) src(%dma_wait3A_127 : memref<64x16xf32, #tpu.memory_space<hbm>>) dst(%arg15 : memref<64x16xf32, #tpu.memory_space<vmem>>)
        tpu.yield
      }) : () -> ()
      %dma_start3A = arith.constant 0 : i32
      %dma_start3A_92 = arith.constant 0 : i32
      %dma_start3A_93 = tpu.memref_slice %arg8[%dma_start3A, %dma_start3A_92] : memref<10000x512xf32, #tpu.memory_space<hbm>> -> memref<10000x512xf32, #tpu.memory_space<hbm>>
      tpu.enqueue_indirect_dma source(%dma_start3A_93 : memref<10000x512xf32, #tpu.memory_space<hbm>>) target(%arg19 : memref<64x512xf32, #tpu.memory_space<vmem>>) offsets(%arg13 : memref<64xi32, #tpu.memory_space<vmem>>) semaphore(%arg23 : memref<!tpu.dma_semaphore, #tpu.memory_space<semaphore_mem>>)
      %dma_wait3A = arith.constant 0 : i32
      %dma_wait3A_94 = arith.constant 0 : i32
      %dma_wait3A_95 = tpu.memref_slice %arg8[%dma_wait3A, %dma_wait3A_94] : memref<10000x512xf32, #tpu.memory_space<hbm>> -> memref<10000x512xf32, #tpu.memory_space<hbm>>
      tpu.wait_indirect_dma semaphore(%arg23 : memref<!tpu.dma_semaphore, #tpu.memory_space<semaphore_mem>>) src(%dma_wait3A_95 : memref<10000x512xf32, #tpu.memory_space<hbm>>) dst(%arg19 : memref<64x512xf32, #tpu.memory_space<vmem>>)
      %dma_start3A_96 = arith.constant 0 : i32
      %dma_start3A_97 = arith.constant 0 : i32
      %dma_start3A_98 = tpu.memref_slice %arg5[%dma_start3A_96, %dma_start3A_97] : memref<10240x16xf32, #tpu.memory_space<hbm>> -> memref<10240x16xf32, #tpu.memory_space<hbm>>
      tpu.enqueue_indirect_dma source(%dma_start3A_98 : memref<10240x16xf32, #tpu.memory_space<hbm>>) target(%arg16 : memref<64x16xf32, #tpu.memory_space<vmem>>) offsets(%arg14 : memref<64xi32, #tpu.memory_space<vmem>>) semaphore(%arg23 : memref<!tpu.dma_semaphore, #tpu.memory_space<semaphore_mem>>)
      %dma_wait3A_99 = arith.constant 0 : i32
      %dma_wait3A_100 = arith.constant 0 : i32
      %dma_wait3A_101 = tpu.memref_slice %arg5[%dma_wait3A_99, %dma_wait3A_100] : memref<10240x16xf32, #tpu.memory_space<hbm>> -> memref<10240x16xf32, #tpu.memory_space<hbm>>
      tpu.wait_indirect_dma semaphore(%arg23 : memref<!tpu.dma_semaphore, #tpu.memory_space<semaphore_mem>>) src(%dma_wait3A_101 : memref<10240x16xf32, #tpu.memory_space<hbm>>) dst(%arg16 : memref<64x16xf32, #tpu.memory_space<vmem>>)
      %dma_start3A_102 = arith.constant 0 : i32
      %dma_start3A_103 = arith.constant 0 : i32
      %dma_start3A_104 = tpu.memref_slice %arg6[%dma_start3A_102, %dma_start3A_103] : memref<10240x16xf32, #tpu.memory_space<hbm>> -> memref<10240x16xf32, #tpu.memory_space<hbm>>
      tpu.enqueue_indirect_dma source(%dma_start3A_104 : memref<10240x16xf32, #tpu.memory_space<hbm>>) target(%arg17 : memref<64x16xf32, #tpu.memory_space<vmem>>) offsets(%arg14 : memref<64xi32, #tpu.memory_space<vmem>>) semaphore(%arg23 : memref<!tpu.dma_semaphore, #tpu.memory_space<semaphore_mem>>)
      %dma_wait3A_105 = arith.constant 0 : i32
      %dma_wait3A_106 = arith.constant 0 : i32
      %dma_wait3A_107 = tpu.memref_slice %arg6[%dma_wait3A_105, %dma_wait3A_106] : memref<10240x16xf32, #tpu.memory_space<hbm>> -> memref<10240x16xf32, #tpu.memory_space<hbm>>
      tpu.wait_indirect_dma semaphore(%arg23 : memref<!tpu.dma_semaphore, #tpu.memory_space<semaphore_mem>>) src(%dma_wait3A_107 : memref<10240x16xf32, #tpu.memory_space<hbm>>) dst(%arg17 : memref<64x16xf32, #tpu.memory_space<vmem>>)
      %scan3A_108 = arith.constant 0 : i32
      %scan3A_109 = arith.constant 0 : i32
      %scan3A_110 = arith.constant 64 : i32
      %scan3A_111 = arith.addi %scan3A_109, %scan3A_110 : i32
      %scan3A_112 = arith.constant 1 : i32
      scf.for %scan3A_120 = %scan3A_109 to %scan3A_111 step %scan3A_112  : i32 {
        %get3A = arith.index_cast %scan3A_120 : i32 to index
        %get3A_121 = arith.constant 0 : index
        %get3A_122 = tpu.vector_load %arg15[%get3A, %get3A_121] {strides = array<i32>} : memref<64x16xf32, #tpu.memory_space<vmem>>, vector<1x16xf32>,
        %get3A_123 = vector.shape_cast %get3A_122 : vector<1x16xf32> to vector<16xf32>
        %get3A_124 = arith.index_cast %scan3A_120 : i32 to index
        %get3A_125 = arith.constant 0 : index
        %get3A_126 = tpu.vector_load %arg16[%get3A_124, %get3A_125] {strides = array<i32>} : memref<64x16xf32, #tpu.memory_space<vmem>>, vector<1x16xf32>,
        %get3A_127 = vector.shape_cast %get3A_126 : vector<1x16xf32> to vector<16xf32>
        %get3A_128 = arith.index_cast %scan3A_120 : i32 to index
        %get3A_129 = arith.constant 0 : index
        %get3A_130 = tpu.vector_load %arg17[%get3A_128, %get3A_129] {strides = array<i32>} : memref<64x16xf32, #tpu.memory_space<vmem>>, vector<1x16xf32>,
        %get3A_131 = vector.shape_cast %get3A_130 : vector<1x16xf32> to vector<16xf32>
        %add3A_132 = arith.addf %get3A_127, %get3A_131 : vector<16xf32>
        %add3A_133 = arith.constant 1.000000e-16 : f32
        %add3A_134 = vector.broadcast %add3A_133 : f32 to vector<16xf32>
        %add3A_135 = arith.addf %add3A_132, %add3A_134 : vector<16xf32>
        %div3A = arith.divf %get3A_123, %add3A_135 : vector<16xf32>
        %mul3A_136 = arith.constant 1.250000e-01 : f32
        %mul3A_137 = vector.broadcast %mul3A_136 : f32 to vector<16xf32>
        %mul3A_138 = arith.mulf %div3A, %mul3A_137 : vector<16xf32>
        %swap3A = arith.index_cast %scan3A_120 : i32 to index
        %swap3A_139 = arith.constant 0 : index
        %swap3A_140 = tpu.vector_load %arg18[%swap3A, %swap3A_139] {strides = array<i32>} : memref<64x16xf32, #tpu.memory_space<vmem>>, vector<1x16xf32>,
        %swap3A_141 = vector.shape_cast %swap3A_140 : vector<1x16xf32> to vector<16xf32>
        %swap3A_142 = vector.shape_cast %mul3A_138 : vector<16xf32> to vector<1x16xf32>
        tpu.vector_store %arg18[%swap3A, %swap3A_139], %swap3A_142 {strides = array<i32>} : memref<64x16xf32, #tpu.memory_space<vmem>>, vector<1x16xf32>,
      }
      %scan3A_113 = arith.constant 64 : i32
      %scan3A_114 = arith.constant 0 : i32
      %scan3A_115 = arith.constant 0 : i32
      %scan3A_116 = arith.constant 64 : i32
      %scan3A_117 = arith.addi %scan3A_115, %scan3A_116 : i32
      %scan3A_118 = arith.constant 1 : i32
      scf.for %scan3A_120 = %scan3A_115 to %scan3A_117 step %scan3A_118  : i32 {
        %broadcast_in_dim3A = arith.constant 0.000000e+00 : f32
        %broadcast_in_dim3A_121 = vector.broadcast %broadcast_in_dim3A : f32 to vector<16xf32>
        %broadcast_in_dim3A_122 = arith.constant 0.000000e+00 : f32
        %broadcast_in_dim3A_123 = vector.broadcast %broadcast_in_dim3A_122 : f32 to vector<16xf32>
        %broadcast_in_dim3A_124 = arith.constant 0.000000e+00 : f32
        %broadcast_in_dim3A_125 = vector.broadcast %broadcast_in_dim3A_124 : f32 to vector<16xf32>
        %broadcast_in_dim3A_126 = arith.constant 0.000000e+00 : f32
        %broadcast_in_dim3A_127 = vector.broadcast %broadcast_in_dim3A_126 : f32 to vector<16xf32>
        %get3A = arith.index_cast %scan3A_120 : i32 to index
        %get3A_128 = arith.constant 0 : index
        %get3A_129 = tpu.vector_load %arg18[%get3A, %get3A_128] {strides = array<i32>} : memref<64x16xf32, #tpu.memory_space<vmem>>, vector<1x16xf32>,
        %get3A_130 = vector.shape_cast %get3A_129 : vector<1x16xf32> to vector<16xf32>
        %broadcast_in_dim3A_131 = arith.constant 0 : i32
        %broadcast_in_dim3A_132 = vector.broadcast %broadcast_in_dim3A_131 : i32 to vector<16xi32>
        %broadcast_in_dim3A_133 = vector.shape_cast %broadcast_in_dim3A_132 : vector<16xi32> to vector<16x1xi32>
        %gather3A = vector.shape_cast %broadcast_in_dim3A_133 : vector<16x1xi32> to vector<16xi32>
        %gather3A_134 = tpu.dynamic_gather %get3A_130[%gather3A] in [0] : vector<16xf32>, vector<16xi32> -> vector<16xf32>
        %get3A_135 = arith.index_cast %scan3A_120 : i32 to index
        %get3A_136 = arith.constant 0 : index
        %get3A_137 = tpu.vector_load %arg19[%get3A_135, %get3A_136] {strides = array<i32>} : memref<64x512xf32, #tpu.memory_space<vmem>>, vector<1x16xf32>,
        %get3A_138 = vector.shape_cast %get3A_137 : vector<1x16xf32> to vector<16xf32>
        %mul3A_139 = arith.mulf %gather3A_134, %get3A_138 : vector<16xf32>
        %add3A_140 = arith.addf %broadcast_in_dim3A_121, %mul3A_139 : vector<16xf32>
        %get3A_141 = arith.index_cast %scan3A_120 : i32 to index
        %get3A_142 = arith.constant 16 : index
        %get3A_143 = tpu.vector_load %arg19[%get3A_141, %get3A_142] {strides = array<i32>} : memref<64x512xf32, #tpu.memory_space<vmem>>, vector<1x16xf32>,
        %get3A_144 = vector.shape_cast %get3A_143 : vector<1x16xf32> to vector<16xf32>
        %mul3A_145 = arith.mulf %gather3A_134, %get3A_144 : vector<16xf32>
        %add3A_146 = arith.addf %broadcast_in_dim3A_123, %mul3A_145 : vector<16xf32>
        %get3A_147 = arith.index_cast %scan3A_120 : i32 to index
        %get3A_148 = arith.constant 32 : index
        %get3A_149 = tpu.vector_load %arg19[%get3A_147, %get3A_148] {strides = array<i32>} : memref<64x512xf32, #tpu.memory_space<vmem>>, vector<1x16xf32>,
        %get3A_150 = vector.shape_cast %get3A_149 : vector<1x16xf32> to vector<16xf32>
        %mul3A_151 = arith.mulf %gather3A_134, %get3A_150 : vector<16xf32>
        %add3A_152 = arith.addf %broadcast_in_dim3A_125, %mul3A_151 : vector<16xf32>
        %get3A_153 = arith.index_cast %scan3A_120 : i32 to index
        %get3A_154 = arith.constant 48 : index
        %get3A_155 = tpu.vector_load %arg19[%get3A_153, %get3A_154] {strides = array<i32>} : memref<64x512xf32, #tpu.memory_space<vmem>>, vector<1x16xf32>,
        %get3A_156 = vector.shape_cast %get3A_155 : vector<1x16xf32> to vector<16xf32>
        %mul3A_157 = arith.mulf %gather3A_134, %get3A_156 : vector<16xf32>
        %add3A_158 = arith.addf %broadcast_in_dim3A_127, %mul3A_157 : vector<16xf32>
        %broadcast_in_dim3A_159 = arith.constant 1 : i32
        %broadcast_in_dim3A_160 = vector.broadcast %broadcast_in_dim3A_159 : i32 to vector<16xi32>
        %broadcast_in_dim3A_161 = vector.shape_cast %broadcast_in_dim3A_160 : vector<16xi32> to vector<16x1xi32>
        %gather3A_162 = vector.shape_cast %broadcast_in_dim3A_161 : vector<16x1xi32> to vector<16xi32>
        %gather3A_163 = tpu.dynamic_gather %get3A_130[%gather3A_162] in [0] : vector<16xf32>, vector<16xi32> -> vector<16xf32>
        %get3A_164 = arith.index_cast %scan3A_120 : i32 to index
        %get3A_165 = arith.constant 64 : index
        %get3A_166 = tpu.vector_load %arg19[%get3A_164, %get3A_165] {strides = array<i32>} : memref<64x512xf32, #tpu.memory_space<vmem>>, vector<1x16xf32>,
        %get3A_167 = vector.shape_cast %get3A_166 : vector<1x16xf32> to vector<16xf32>
        %mul3A_168 = arith.mulf %gather3A_163, %get3A_167 : vector<16xf32>
        %add3A_169 = arith.addf %add3A_140, %mul3A_168 : vector<16xf32>
        %get3A_170 = arith.index_cast %scan3A_120 : i32 to index
        %get3A_171 = arith.constant 80 : index
        %get3A_172 = tpu.vector_load %arg19[%get3A_170, %get3A_171] {strides = array<i32>} : memref<64x512xf32, #tpu.memory_space<vmem>>, vector<1x16xf32>,
        %get3A_173 = vector.shape_cast %get3A_172 : vector<1x16xf32> to vector<16xf32>
        %mul3A_174 = arith.mulf %gather3A_163, %get3A_173 : vector<16xf32>
        %add3A_175 = arith.addf %add3A_146, %mul3A_174 : vector<16xf32>
        %get3A_176 = arith.index_cast %scan3A_120 : i32 to index
        %get3A_177 = arith.constant 96 : index
        %get3A_178 = tpu.vector_load %arg19[%get3A_176, %get3A_177] {strides = array<i32>} : memref<64x512xf32, #tpu.memory_space<vmem>>, vector<1x16xf32>,
        %get3A_179 = vector.shape_cast %get3A_178 : vector<1x16xf32> to vector<16xf32>
        %mul3A_180 = arith.mulf %gather3A_163, %get3A_179 : vector<16xf32>
        %add3A_181 = arith.addf %add3A_152, %mul3A_180 : vector<16xf32>
        %get3A_182 = arith.index_cast %scan3A_120 : i32 to index
        %get3A_183 = arith.constant 112 : index
        %get3A_184 = tpu.vector_load %arg19[%get3A_182, %get3A_183] {strides = array<i32>} : memref<64x512xf32, #tpu.memory_space<vmem>>, vector<1x16xf32>,
        %get3A_185 = vector.shape_cast %get3A_184 : vector<1x16xf32> to vector<16xf32>
        %mul3A_186 = arith.mulf %gather3A_163, %get3A_185 : vector<16xf32>
        %add3A_187 = arith.addf %add3A_158, %mul3A_186 : vector<16xf32>
        %broadcast_in_dim3A_188 = arith.constant 2 : i32
        %broadcast_in_dim3A_189 = vector.broadcast %broadcast_in_dim3A_188 : i32 to vector<16xi32>
        %broadcast_in_dim3A_190 = vector.shape_cast %broadcast_in_dim3A_189 : vector<16xi32> to vector<16x1xi32>
        %gather3A_191 = vector.shape_cast %broadcast_in_dim3A_190 : vector<16x1xi32> to vector<16xi32>
        %gather3A_192 = tpu.dynamic_gather %get3A_130[%gather3A_191] in [0] : vector<16xf32>, vector<16xi32> -> vector<16xf32>
        %get3A_193 = arith.index_cast %scan3A_120 : i32 to index
        %get3A_194 = arith.constant 128 : index
        %get3A_195 = tpu.vector_load %arg19[%get3A_193, %get3A_194] {strides = array<i32>} : memref<64x512xf32, #tpu.memory_space<vmem>>, vector<1x16xf32>,
        %get3A_196 = vector.shape_cast %get3A_195 : vector<1x16xf32> to vector<16xf32>
        %mul3A_197 = arith.mulf %gather3A_192, %get3A_196 : vector<16xf32>
        %add3A_198 = arith.addf %add3A_169, %mul3A_197 : vector<16xf32>
        %get3A_199 = arith.index_cast %scan3A_120 : i32 to index
        %get3A_200 = arith.constant 144 : index
        %get3A_201 = tpu.vector_load %arg19[%get3A_199, %get3A_200] {strides = array<i32>} : memref<64x512xf32, #tpu.memory_space<vmem>>, vector<1x16xf32>,
        %get3A_202 = vector.shape_cast %get3A_201 : vector<1x16xf32> to vector<16xf32>
        %mul3A_203 = arith.mulf %gather3A_192, %get3A_202 : vector<16xf32>
        %add3A_204 = arith.addf %add3A_175, %mul3A_203 : vector<16xf32>
        %get3A_205 = arith.index_cast %scan3A_120 : i32 to index
        %get3A_206 = arith.constant 160 : index
        %get3A_207 = tpu.vector_load %arg19[%get3A_205, %get3A_206] {strides = array<i32>} : memref<64x512xf32, #tpu.memory_space<vmem>>, vector<1x16xf32>,
        %get3A_208 = vector.shape_cast %get3A_207 : vector<1x16xf32> to vector<16xf32>
        %mul3A_209 = arith.mulf %gather3A_192, %get3A_208 : vector<16xf32>
        %add3A_210 = arith.addf %add3A_181, %mul3A_209 : vector<16xf32>
        %get3A_211 = arith.index_cast %scan3A_120 : i32 to index
        %get3A_212 = arith.constant 176 : index
        %get3A_213 = tpu.vector_load %arg19[%get3A_211, %get3A_212] {strides = array<i32>} : memref<64x512xf32, #tpu.memory_space<vmem>>, vector<1x16xf32>,
        %get3A_214 = vector.shape_cast %get3A_213 : vector<1x16xf32> to vector<16xf32>
        %mul3A_215 = arith.mulf %gather3A_192, %get3A_214 : vector<16xf32>
        %add3A_216 = arith.addf %add3A_187, %mul3A_215 : vector<16xf32>
        %broadcast_in_dim3A_217 = arith.constant 3 : i32
        %broadcast_in_dim3A_218 = vector.broadcast %broadcast_in_dim3A_217 : i32 to vector<16xi32>
        %broadcast_in_dim3A_219 = vector.shape_cast %broadcast_in_dim3A_218 : vector<16xi32> to vector<16x1xi32>
        %gather3A_220 = vector.shape_cast %broadcast_in_dim3A_219 : vector<16x1xi32> to vector<16xi32>
        %gather3A_221 = tpu.dynamic_gather %get3A_130[%gather3A_220] in [0] : vector<16xf32>, vector<16xi32> -> vector<16xf32>
        %get3A_222 = arith.index_cast %scan3A_120 : i32 to index
        %get3A_223 = arith.constant 192 : index
        %get3A_224 = tpu.vector_load %arg19[%get3A_222, %get3A_223] {strides = array<i32>} : memref<64x512xf32, #tpu.memory_space<vmem>>, vector<1x16xf32>,
        %get3A_225 = vector.shape_cast %get3A_224 : vector<1x16xf32> to vector<16xf32>
        %mul3A_226 = arith.mulf %gather3A_221, %get3A_225 : vector<16xf32>
        %add3A_227 = arith.addf %add3A_198, %mul3A_226 : vector<16xf32>
        %get3A_228 = arith.index_cast %scan3A_120 : i32 to index
        %get3A_229 = arith.constant 208 : index
        %get3A_230 = tpu.vector_load %arg19[%get3A_228, %get3A_229] {strides = array<i32>} : memref<64x512xf32, #tpu.memory_space<vmem>>, vector<1x16xf32>,
        %get3A_231 = vector.shape_cast %get3A_230 : vector<1x16xf32> to vector<16xf32>
        %mul3A_232 = arith.mulf %gather3A_221, %get3A_231 : vector<16xf32>
        %add3A_233 = arith.addf %add3A_204, %mul3A_232 : vector<16xf32>
        %get3A_234 = arith.index_cast %scan3A_120 : i32 to index
        %get3A_235 = arith.constant 224 : index
        %get3A_236 = tpu.vector_load %arg19[%get3A_234, %get3A_235] {strides = array<i32>} : memref<64x512xf32, #tpu.memory_space<vmem>>, vector<1x16xf32>,
        %get3A_237 = vector.shape_cast %get3A_236 : vector<1x16xf32> to vector<16xf32>
        %mul3A_238 = arith.mulf %gather3A_221, %get3A_237 : vector<16xf32>
        %add3A_239 = arith.addf %add3A_210, %mul3A_238 : vector<16xf32>
        %get3A_240 = arith.index_cast %scan3A_120 : i32 to index
        %get3A_241 = arith.constant 240 : index
        %get3A_242 = tpu.vector_load %arg19[%get3A_240, %get3A_241] {strides = array<i32>} : memref<64x512xf32, #tpu.memory_space<vmem>>, vector<1x16xf32>,
        %get3A_243 = vector.shape_cast %get3A_242 : vector<1x16xf32> to vector<16xf32>
        %mul3A_244 = arith.mulf %gather3A_221, %get3A_243 : vector<16xf32>
        %add3A_245 = arith.addf %add3A_216, %mul3A_244 : vector<16xf32>
        %broadcast_in_dim3A_246 = arith.constant 4 : i32
        %broadcast_in_dim3A_247 = vector.broadcast %broadcast_in_dim3A_246 : i32 to vector<16xi32>
        %broadcast_in_dim3A_248 = vector.shape_cast %broadcast_in_dim3A_247 : vector<16xi32> to vector<16x1xi32>
        %gather3A_249 = vector.shape_cast %broadcast_in_dim3A_248 : vector<16x1xi32> to vector<16xi32>
        %gather3A_250 = tpu.dynamic_gather %get3A_130[%gather3A_249] in [0] : vector<16xf32>, vector<16xi32> -> vector<16xf32>
        %get3A_251 = arith.index_cast %scan3A_120 : i32 to index
        %get3A_252 = arith.constant 256 : index
        %get3A_253 = tpu.vector_load %arg19[%get3A_251, %get3A_252] {strides = array<i32>} : memref<64x512xf32, #tpu.memory_space<vmem>>, vector<1x16xf32>,
        %get3A_254 = vector.shape_cast %get3A_253 : vector<1x16xf32> to vector<16xf32>
        %mul3A_255 = arith.mulf %gather3A_250, %get3A_254 : vector<16xf32>
        %add3A_256 = arith.addf %add3A_227, %mul3A_255 : vector<16xf32>
        %get3A_257 = arith.index_cast %scan3A_120 : i32 to index
        %get3A_258 = arith.constant 272 : index
        %get3A_259 = tpu.vector_load %arg19[%get3A_257, %get3A_258] {strides = array<i32>} : memref<64x512xf32, #tpu.memory_space<vmem>>, vector<1x16xf32>,
        %get3A_260 = vector.shape_cast %get3A_259 : vector<1x16xf32> to vector<16xf32>
        %mul3A_261 = arith.mulf %gather3A_250, %get3A_260 : vector<16xf32>
        %add3A_262 = arith.addf %add3A_233, %mul3A_261 : vector<16xf32>
        %get3A_263 = arith.index_cast %scan3A_120 : i32 to index
        %get3A_264 = arith.constant 288 : index
        %get3A_265 = tpu.vector_load %arg19[%get3A_263, %get3A_264] {strides = array<i32>} : memref<64x512xf32, #tpu.memory_space<vmem>>, vector<1x16xf32>,
        %get3A_266 = vector.shape_cast %get3A_265 : vector<1x16xf32> to vector<16xf32>
        %mul3A_267 = arith.mulf %gather3A_250, %get3A_266 : vector<16xf32>
        %add3A_268 = arith.addf %add3A_239, %mul3A_267 : vector<16xf32>
        %get3A_269 = arith.index_cast %scan3A_120 : i32 to index
        %get3A_270 = arith.constant 304 : index
        %get3A_271 = tpu.vector_load %arg19[%get3A_269, %get3A_270] {strides = array<i32>} : memref<64x512xf32, #tpu.memory_space<vmem>>, vector<1x16xf32>,
        %get3A_272 = vector.shape_cast %get3A_271 : vector<1x16xf32> to vector<16xf32>
        %mul3A_273 = arith.mulf %gather3A_250, %get3A_272 : vector<16xf32>
        %add3A_274 = arith.addf %add3A_245, %mul3A_273 : vector<16xf32>
        %broadcast_in_dim3A_275 = arith.constant 5 : i32
        %broadcast_in_dim3A_276 = vector.broadcast %broadcast_in_dim3A_275 : i32 to vector<16xi32>
        %broadcast_in_dim3A_277 = vector.shape_cast %broadcast_in_dim3A_276 : vector<16xi32> to vector<16x1xi32>
        %gather3A_278 = vector.shape_cast %broadcast_in_dim3A_277 : vector<16x1xi32> to vector<16xi32>
        %gather3A_279 = tpu.dynamic_gather %get3A_130[%gather3A_278] in [0] : vector<16xf32>, vector<16xi32> -> vector<16xf32>
        %get3A_280 = arith.index_cast %scan3A_120 : i32 to index
        %get3A_281 = arith.constant 320 : index
        %get3A_282 = tpu.vector_load %arg19[%get3A_280, %get3A_281] {strides = array<i32>} : memref<64x512xf32, #tpu.memory_space<vmem>>, vector<1x16xf32>,
        %get3A_283 = vector.shape_cast %get3A_282 : vector<1x16xf32> to vector<16xf32>
        %mul3A_284 = arith.mulf %gather3A_279, %get3A_283 : vector<16xf32>
        %add3A_285 = arith.addf %add3A_256, %mul3A_284 : vector<16xf32>
        %get3A_286 = arith.index_cast %scan3A_120 : i32 to index
        %get3A_287 = arith.constant 336 : index
        %get3A_288 = tpu.vector_load %arg19[%get3A_286, %get3A_287] {strides = array<i32>} : memref<64x512xf32, #tpu.memory_space<vmem>>, vector<1x16xf32>,
        %get3A_289 = vector.shape_cast %get3A_288 : vector<1x16xf32> to vector<16xf32>
        %mul3A_290 = arith.mulf %gather3A_279, %get3A_289 : vector<16xf32>
        %add3A_291 = arith.addf %add3A_262, %mul3A_290 : vector<16xf32>
        %get3A_292 = arith.index_cast %scan3A_120 : i32 to index
        %get3A_293 = arith.constant 352 : index
        %get3A_294 = tpu.vector_load %arg19[%get3A_292, %get3A_293] {strides = array<i32>} : memref<64x512xf32, #tpu.memory_space<vmem>>, vector<1x16xf32>,
        %get3A_295 = vector.shape_cast %get3A_294 : vector<1x16xf32> to vector<16xf32>
        %mul3A_296 = arith.mulf %gather3A_279, %get3A_295 : vector<16xf32>
        %add3A_297 = arith.addf %add3A_268, %mul3A_296 : vector<16xf32>
        %get3A_298 = arith.index_cast %scan3A_120 : i32 to index
        %get3A_299 = arith.constant 368 : index
        %get3A_300 = tpu.vector_load %arg19[%get3A_298, %get3A_299] {strides = array<i32>} : memref<64x512xf32, #tpu.memory_space<vmem>>, vector<1x16xf32>,
        %get3A_301 = vector.shape_cast %get3A_300 : vector<1x16xf32> to vector<16xf32>
        %mul3A_302 = arith.mulf %gather3A_279, %get3A_301 : vector<16xf32>
        %add3A_303 = arith.addf %add3A_274, %mul3A_302 : vector<16xf32>
        %broadcast_in_dim3A_304 = arith.constant 6 : i32
        %broadcast_in_dim3A_305 = vector.broadcast %broadcast_in_dim3A_304 : i32 to vector<16xi32>
        %broadcast_in_dim3A_306 = vector.shape_cast %broadcast_in_dim3A_305 : vector<16xi32> to vector<16x1xi32>
        %gather3A_307 = vector.shape_cast %broadcast_in_dim3A_306 : vector<16x1xi32> to vector<16xi32>
        %gather3A_308 = tpu.dynamic_gather %get3A_130[%gather3A_307] in [0] : vector<16xf32>, vector<16xi32> -> vector<16xf32>
        %get3A_309 = arith.index_cast %scan3A_120 : i32 to index
        %get3A_310 = arith.constant 384 : index
        %get3A_311 = tpu.vector_load %arg19[%get3A_309, %get3A_310] {strides = array<i32>} : memref<64x512xf32, #tpu.memory_space<vmem>>, vector<1x16xf32>,
        %get3A_312 = vector.shape_cast %get3A_311 : vector<1x16xf32> to vector<16xf32>
        %mul3A_313 = arith.mulf %gather3A_308, %get3A_312 : vector<16xf32>
        %add3A_314 = arith.addf %add3A_285, %mul3A_313 : vector<16xf32>
        %get3A_315 = arith.index_cast %scan3A_120 : i32 to index
        %get3A_316 = arith.constant 400 : index
        %get3A_317 = tpu.vector_load %arg19[%get3A_315, %get3A_316] {strides = array<i32>} : memref<64x512xf32, #tpu.memory_space<vmem>>, vector<1x16xf32>,
        %get3A_318 = vector.shape_cast %get3A_317 : vector<1x16xf32> to vector<16xf32>
        %mul3A_319 = arith.mulf %gather3A_308, %get3A_318 : vector<16xf32>
        %add3A_320 = arith.addf %add3A_291, %mul3A_319 : vector<16xf32>
        %get3A_321 = arith.index_cast %scan3A_120 : i32 to index
        %get3A_322 = arith.constant 416 : index
        %get3A_323 = tpu.vector_load %arg19[%get3A_321, %get3A_322] {strides = array<i32>} : memref<64x512xf32, #tpu.memory_space<vmem>>, vector<1x16xf32>,
        %get3A_324 = vector.shape_cast %get3A_323 : vector<1x16xf32> to vector<16xf32>
        %mul3A_325 = arith.mulf %gather3A_308, %get3A_324 : vector<16xf32>
        %add3A_326 = arith.addf %add3A_297, %mul3A_325 : vector<16xf32>
        %get3A_327 = arith.index_cast %scan3A_120 : i32 to index
        %get3A_328 = arith.constant 432 : index
        %get3A_329 = tpu.vector_load %arg19[%get3A_327, %get3A_328] {strides = array<i32>} : memref<64x512xf32, #tpu.memory_space<vmem>>, vector<1x16xf32>,
        %get3A_330 = vector.shape_cast %get3A_329 : vector<1x16xf32> to vector<16xf32>
        %mul3A_331 = arith.mulf %gather3A_308, %get3A_330 : vector<16xf32>
        %add3A_332 = arith.addf %add3A_303, %mul3A_331 : vector<16xf32>
        %broadcast_in_dim3A_333 = arith.constant 7 : i32
        %broadcast_in_dim3A_334 = vector.broadcast %broadcast_in_dim3A_333 : i32 to vector<16xi32>
        %broadcast_in_dim3A_335 = vector.shape_cast %broadcast_in_dim3A_334 : vector<16xi32> to vector<16x1xi32>
        %gather3A_336 = vector.shape_cast %broadcast_in_dim3A_335 : vector<16x1xi32> to vector<16xi32>
        %gather3A_337 = tpu.dynamic_gather %get3A_130[%gather3A_336] in [0] : vector<16xf32>, vector<16xi32> -> vector<16xf32>
        %get3A_338 = arith.index_cast %scan3A_120 : i32 to index
        %get3A_339 = arith.constant 448 : index
        %get3A_340 = tpu.vector_load %arg19[%get3A_338, %get3A_339] {strides = array<i32>} : memref<64x512xf32, #tpu.memory_space<vmem>>, vector<1x16xf32>,
        %get3A_341 = vector.shape_cast %get3A_340 : vector<1x16xf32> to vector<16xf32>
        %mul3A_342 = arith.mulf %gather3A_337, %get3A_341 : vector<16xf32>
        %add3A_343 = arith.addf %add3A_314, %mul3A_342 : vector<16xf32>
        %get3A_344 = arith.index_cast %scan3A_120 : i32 to index
        %get3A_345 = arith.constant 464 : index
        %get3A_346 = tpu.vector_load %arg19[%get3A_344, %get3A_345] {strides = array<i32>} : memref<64x512xf32, #tpu.memory_space<vmem>>, vector<1x16xf32>,
        %get3A_347 = vector.shape_cast %get3A_346 : vector<1x16xf32> to vector<16xf32>
        %mul3A_348 = arith.mulf %gather3A_337, %get3A_347 : vector<16xf32>
        %add3A_349 = arith.addf %add3A_320, %mul3A_348 : vector<16xf32>
        %get3A_350 = arith.index_cast %scan3A_120 : i32 to index
        %get3A_351 = arith.constant 480 : index
        %get3A_352 = tpu.vector_load %arg19[%get3A_350, %get3A_351] {strides = array<i32>} : memref<64x512xf32, #tpu.memory_space<vmem>>, vector<1x16xf32>,
        %get3A_353 = vector.shape_cast %get3A_352 : vector<1x16xf32> to vector<16xf32>
        %mul3A_354 = arith.mulf %gather3A_337, %get3A_353 : vector<16xf32>
        %add3A_355 = arith.addf %add3A_326, %mul3A_354 : vector<16xf32>
        %get3A_356 = arith.index_cast %scan3A_120 : i32 to index
        %get3A_357 = arith.constant 496 : index
        %get3A_358 = tpu.vector_load %arg19[%get3A_356, %get3A_357] {strides = array<i32>} : memref<64x512xf32, #tpu.memory_space<vmem>>, vector<1x16xf32>,
        %get3A_359 = vector.shape_cast %get3A_358 : vector<1x16xf32> to vector<16xf32>
        %mul3A_360 = arith.mulf %gather3A_337, %get3A_359 : vector<16xf32>
        %add3A_361 = arith.addf %add3A_332, %mul3A_360 : vector<16xf32>
        %swap3A = arith.index_cast %scan3A_120 : i32 to index
        %swap3A_362 = arith.constant 0 : index
        %swap3A_363 = tpu.vector_load %arg20[%swap3A, %swap3A_362] {strides = array<i32>} : memref<64x64xf32, #tpu.memory_space<vmem>>, vector<1x16xf32>,
        %swap3A_364 = vector.shape_cast %swap3A_363 : vector<1x16xf32> to vector<16xf32>
        %swap3A_365 = vector.shape_cast %add3A_343 : vector<16xf32> to vector<1x16xf32>
        tpu.vector_store %arg20[%swap3A, %swap3A_362], %swap3A_365 {strides = array<i32>} : memref<64x64xf32, #tpu.memory_space<vmem>>, vector<1x16xf32>,
        %swap3A_366 = arith.index_cast %scan3A_120 : i32 to index
        %swap3A_367 = arith.constant 16 : index
        %swap3A_368 = tpu.vector_load %arg20[%swap3A_366, %swap3A_367] {strides = array<i32>} : memref<64x64xf32, #tpu.memory_space<vmem>>, vector<1x16xf32>,
        %swap3A_369 = vector.shape_cast %swap3A_368 : vector<1x16xf32> to vector<16xf32>
        %swap3A_370 = vector.shape_cast %add3A_349 : vector<16xf32> to vector<1x16xf32>
        tpu.vector_store %arg20[%swap3A_366, %swap3A_367], %swap3A_370 {strides = array<i32>} : memref<64x64xf32, #tpu.memory_space<vmem>>, vector<1x16xf32>,
        %swap3A_371 = arith.index_cast %scan3A_120 : i32 to index
        %swap3A_372 = arith.constant 32 : index
        %swap3A_373 = tpu.vector_load %arg20[%swap3A_371, %swap3A_372] {strides = array<i32>} : memref<64x64xf32, #tpu.memory_space<vmem>>, vector<1x16xf32>,
        %swap3A_374 = vector.shape_cast %swap3A_373 : vector<1x16xf32> to vector<16xf32>
        %swap3A_375 = vector.shape_cast %add3A_355 : vector<16xf32> to vector<1x16xf32>
        tpu.vector_store %arg20[%swap3A_371, %swap3A_372], %swap3A_375 {strides = array<i32>} : memref<64x64xf32, #tpu.memory_space<vmem>>, vector<1x16xf32>,
        %swap3A_376 = arith.index_cast %scan3A_120 : i32 to index
        %swap3A_377 = arith.constant 48 : index
        %swap3A_378 = tpu.vector_load %arg20[%swap3A_376, %swap3A_377] {strides = array<i32>} : memref<64x64xf32, #tpu.memory_space<vmem>>, vector<1x16xf32>,
        %swap3A_379 = vector.shape_cast %swap3A_378 : vector<1x16xf32> to vector<16xf32>
        %swap3A_380 = vector.shape_cast %add3A_361 : vector<16xf32> to vector<1x16xf32>
        tpu.vector_store %arg20[%swap3A_376, %swap3A_377], %swap3A_380 {strides = array<i32>} : memref<64x64xf32, #tpu.memory_space<vmem>>, vector<1x16xf32>,
      }
      %scan3A_119 = arith.constant 64 : i32
      "tpu.region"() ({
        %run_scoped3A = tpu.sem_alloc : memref<!tpu.dma_semaphore, #tpu.memory_space<semaphore_mem>>
        %dma_start3A_120 = arith.constant 0 : i32
        %dma_start3A_121 = arith.constant 0 : i32
        %dma_start3A_122 = tpu.memref_slice %arg22[%dma_start3A_120, %dma_start3A_121] : memref<10240x64xf32, #tpu.memory_space<vmem_shared>> -> memref<10240x64xf32, #tpu.memory_space<vmem_shared>>
        tpu.enqueue_indirect_dma source(%arg20 : memref<64x64xf32, #tpu.memory_space<vmem>>) target(%dma_start3A_122 : memref<10240x64xf32, #tpu.memory_space<vmem_shared>>) offsets(%arg14 : memref<64xi32, #tpu.memory_space<vmem>>) semaphore(%run_scoped3A : memref<!tpu.dma_semaphore, #tpu.memory_space<semaphore_mem>>) {add = true}
        %dma_wait3A_123 = arith.constant 0 : i32
        %dma_wait3A_124 = arith.constant 0 : i32
        %dma_wait3A_125 = tpu.memref_slice %arg22[%dma_wait3A_123, %dma_wait3A_124] : memref<10240x64xf32, #tpu.memory_space<vmem_shared>> -> memref<10240x64xf32, #tpu.memory_space<vmem_shared>>
        tpu.wait_indirect_dma semaphore(%run_scoped3A : memref<!tpu.dma_semaphore, #tpu.memory_space<semaphore_mem>>) src(%arg20 : memref<64x64xf32, #tpu.memory_space<vmem>>) dst(%dma_wait3A_125 : memref<10240x64xf32, #tpu.memory_space<vmem_shared>>)
        tpu.yield
      }) : () -> ()
    }
    %scan3A_73 = arith.constant 84 : i32
    %barrier3A_74 = arith.constant 0 : index
    tpu.barrier barrier_id(%barrier3A_74)
    %eq3A_75 = arith.constant 0 : i32
    %eq3A_76 = arith.cmpi eq, %arg0, %eq3A_75 : i32
    %convert_element_type3A_77 = arith.extui %eq3A_76 : i1 to i32
    %cond3A_78 = arith.constant 0 : i32
    %cond3A_79 = arith.cmpi ne, %convert_element_type3A_77, %cond3A_78 : i32
    scf.if %cond3A_79 {
      %mul3A_86 = arith.constant 640 : i32
      %mul3A_87 = arith.muli %arg1, %mul3A_86 : i32
      %mul3A_88 = arith.constant 640 : i32
      %mul3A_89 = arith.muli %arg1, %mul3A_88 : i32
      "tpu.region"() ({
        %run_scoped3A = tpu.sem_alloc : memref<!tpu.dma_semaphore, #tpu.memory_space<semaphore_mem>>
        %dma_start3A = arith.constant 0 : i32
        %dma_start3A_90 = tpu.memref_slice %arg11[%mul3A_89, %dma_start3A] : memref<10240x64xf32, #tpu.memory_space<hbm>> -> memref<640x64xf32, #tpu.memory_space<hbm>>
        %dma_start3A_91 = arith.constant 0 : i32
        %dma_start3A_92 = tpu.memref_slice %arg22[%mul3A_87, %dma_start3A_91] : memref<10240x64xf32, #tpu.memory_space<vmem_shared>> -> memref<640x64xf32, #tpu.memory_space<vmem_shared>>
        tpu.enqueue_dma source(%dma_start3A_92 : memref<640x64xf32, #tpu.memory_space<vmem_shared>>) target(%dma_start3A_90 : memref<640x64xf32, #tpu.memory_space<hbm>>) target_semaphore(%run_scoped3A : memref<!tpu.dma_semaphore, #tpu.memory_space<semaphore_mem>>)
        %dma_wait3A = arith.constant 0 : i32
        %dma_wait3A_93 = tpu.memref_slice %arg11[%mul3A_89, %dma_wait3A] : memref<10240x64xf32, #tpu.memory_space<hbm>> -> memref<640x64xf32, #tpu.memory_space<hbm>>
        %dma_wait3A_94 = arith.constant 0 : i32
        %dma_wait3A_95 = tpu.memref_slice %arg22[%mul3A_87, %dma_wait3A_94] : memref<10240x64xf32, #tpu.memory_space<vmem_shared>> -> memref<640x64xf32, #tpu.memory_space<vmem_shared>>
        tpu.wait_dma2 semaphore(%run_scoped3A : memref<!tpu.dma_semaphore, #tpu.memory_space<semaphore_mem>>) src(%dma_wait3A_95 : memref<640x64xf32, #tpu.memory_space<vmem_shared>>) dst(%dma_wait3A_93 : memref<640x64xf32, #tpu.memory_space<hbm>>)
        tpu.yield
      }) : () -> ()
    } else {
    }
    %eq3A_80 = arith.constant 1 : i32
    %eq3A_81 = arith.cmpi eq, %arg0, %eq3A_80 : i32
    %convert_element_type3A_82 = arith.extui %eq3A_81 : i1 to i32
    %cond3A_83 = arith.constant 0 : i32
    %cond3A_84 = arith.cmpi ne, %convert_element_type3A_82, %cond3A_83 : i32
    scf.if %cond3A_84 {
      %mul3A_86 = arith.constant 640 : i32
      %mul3A_87 = arith.muli %arg1, %mul3A_86 : i32
      %mul3A_88 = arith.constant 640 : i32
      %mul3A_89 = arith.muli %arg1, %mul3A_88 : i32
      "tpu.region"() ({
        %run_scoped3A = tpu.sem_alloc : memref<!tpu.dma_semaphore, #tpu.memory_space<semaphore_mem>>
        %dma_start3A = arith.constant 0 : i32
        %dma_start3A_90 = tpu.memref_slice %arg12[%mul3A_89, %dma_start3A] : memref<10240x64xf32, #tpu.memory_space<hbm>> -> memref<640x64xf32, #tpu.memory_space<hbm>>
        %dma_start3A_91 = arith.constant 0 : i32
        %dma_start3A_92 = tpu.memref_slice %arg22[%mul3A_87, %dma_start3A_91] : memref<10240x64xf32, #tpu.memory_space<vmem_shared>> -> memref<640x64xf32, #tpu.memory_space<vmem_shared>>
        tpu.enqueue_dma source(%dma_start3A_92 : memref<640x64xf32, #tpu.memory_space<vmem_shared>>) target(%dma_start3A_90 : memref<640x64xf32, #tpu.memory_space<hbm>>) target_semaphore(%run_scoped3A : memref<!tpu.dma_semaphore, #tpu.memory_space<semaphore_mem>>)
        %dma_wait3A = arith.constant 0 : i32
        %dma_wait3A_93 = tpu.memref_slice %arg12[%mul3A_89, %dma_wait3A] : memref<10240x64xf32, #tpu.memory_space<hbm>> -> memref<640x64xf32, #tpu.memory_space<hbm>>
        %dma_wait3A_94 = arith.constant 0 : i32
        %dma_wait3A_95 = tpu.memref_slice %arg22[%mul3A_87, %dma_wait3A_94] : memref<10240x64xf32, #tpu.memory_space<vmem_shared>> -> memref<640x64xf32, #tpu.memory_space<vmem_shared>>
        tpu.wait_dma2 semaphore(%run_scoped3A : memref<!tpu.dma_semaphore, #tpu.memory_space<semaphore_mem>>) src(%dma_wait3A_95 : memref<640x64xf32, #tpu.memory_space<vmem_shared>>) dst(%dma_wait3A_93 : memref<640x64xf32, #tpu.memory_space<hbm>>)
        tpu.yield
      }) : () -> ()
    } else {
    }
    %barrier3A_85 = arith.constant 0 : index
    tpu.barrier barrier_id(%barrier3A_85)
    return
  }
}

module attributes {stable_mosaic.version = 14 : i64} {
  func.func @_tc_in_body(%arg0: memref<10000x128xf32, #tpu.memory_space<vmem>>, %arg1: memref<128x128xf32, #tpu.memory_space<vmem>>, %arg2: memref<1x128xf32, #tpu.memory_space<vmem>>, %arg3: memref<10000x128xf32, #tpu.memory_space<vmem>>) attributes {dimension_semantics = [], scalar_prefetch = 0 : i64, scratch_operands = 0 : i64, tpu.core_type = #tpu.core_type<tc>} {
    %get3A = arith.constant 0 : index
    %get3A_0 = arith.constant 0 : index
    %get3A_1 = vector.load %arg0[%get3A, %get3A_0] : memref<10000x128xf32, #tpu.memory_space<vmem>>, vector<10000x128xf32>
    %get3A_2 = arith.constant 0 : index
    %get3A_3 = arith.constant 0 : index
    %get3A_4 = vector.load %arg1[%get3A_2, %get3A_3] : memref<128x128xf32, #tpu.memory_space<vmem>>, vector<128x128xf32>
    %dot_general3A = arith.constant dense<0.000000e+00> : vector<10000x128xf32>
    %dot_general3A_5 = tpu.matmul %get3A_1, %get3A_4, %dot_general3A {dimension_numbers = #tpu.dot_dimension_numbers<[1], [0], [0], [1], [0, 0, 1, 1], [], []>, transpose_lhs_hint = false} : vector<10000x128xf32>, vector<128x128xf32>, vector<10000x128xf32> -> vector<10000x128xf32>
    %get3A_6 = arith.constant 0 : index
    %get3A_7 = arith.constant 0 : index
    %get3A_8 = vector.load %arg2[%get3A_6, %get3A_7] : memref<1x128xf32, #tpu.memory_space<vmem>>, vector<1x128xf32>
    %add3A = vector.broadcast %get3A_8 : vector<1x128xf32> to vector<10000x128xf32>
    %add3A_9 = arith.addf %dot_general3A_5, %add3A : vector<10000x128xf32>
    %gt3A = arith.constant 0.000000e+00 : f32
    %gt3A_10 = vector.broadcast %gt3A : f32 to vector<10000x128xf32>
    %gt3A_11 = arith.cmpf ogt, %add3A_9, %gt3A_10 : vector<10000x128xf32>
    %min3A = arith.constant 0.000000e+00 : f32
    %min3A_12 = vector.broadcast %min3A : f32 to vector<10000x128xf32>
    %min3A_13 = arith.minimumf %add3A_9, %min3A_12 : vector<10000x128xf32>
    %exp3A = math.exp %min3A_13 : vector<10000x128xf32>
    %sub3A = arith.constant 1.000000e+00 : f32
    %sub3A_14 = vector.broadcast %sub3A : f32 to vector<10000x128xf32>
    %sub3A_15 = arith.subf %exp3A, %sub3A_14 : vector<10000x128xf32>
    %select_n3A = arith.select %gt3A_11, %add3A_9, %sub3A_15 : vector<10000x128xi1>, vector<10000x128xf32>
    %swap3A = arith.constant 0 : index
    %swap3A_16 = arith.constant 0 : index
    %swap3A_17 = vector.load %arg3[%swap3A, %swap3A_16] : memref<10000x128xf32, #tpu.memory_space<vmem>>, vector<10000x128xf32>
    tpu.vector_store %arg3[%swap3A, %swap3A_16], %select_n3A {strides = array<i32>} : memref<10000x128xf32, #tpu.memory_space<vmem>>, vector<10000x128xf32>,
    return
  }
}

module attributes {stable_mosaic.version = 14 : i64} {
  func.func @_tc_pre_body(%arg0: i32, %arg1: memref<1000x128xf32, #tpu.memory_space<vmem>>, %arg2: memref<128x512xf32, #tpu.memory_space<vmem>>, %arg3: memref<128x512xf32, #tpu.memory_space<vmem>>, %arg4: memref<128x16xf32, #tpu.memory_space<vmem>>, %arg5: memref<1000x512xf32, #tpu.memory_space<vmem>>, %arg6: memref<1000x512xf32, #tpu.memory_space<vmem>>, %arg7: memref<1000x16xf32, #tpu.memory_space<vmem>>) attributes {dimension_semantics = [#tpu.dimension_semantics<arbitrary>], iteration_bounds = array<i64: 10>, scalar_prefetch = 0 : i64, scratch_operands = 0 : i64, tpu.core_type = #tpu.core_type<tc>, window_params = [{transform_indices = @transform_0, window_bounds = array<i64: 1000, 128>}, {pipeline_mode = #tpu.pipeline_mode<synchronous>, transform_indices = @transform_1, window_bounds = array<i64: 128, 512>}, {pipeline_mode = #tpu.pipeline_mode<synchronous>, transform_indices = @transform_2, window_bounds = array<i64: 128, 512>}, {pipeline_mode = #tpu.pipeline_mode<synchronous>, transform_indices = @transform_3, window_bounds = array<i64: 128, 16>}, {transform_indices = @transform_4, window_bounds = array<i64: 1000, 512>}, {transform_indices = @transform_5, window_bounds = array<i64: 1000, 512>}, {transform_indices = @transform_6, window_bounds = array<i64: 1000, 16>}]} {
    %get3A = arith.constant 0 : index
    %get3A_0 = arith.constant 0 : index
    %get3A_1 = vector.load %arg1[%get3A, %get3A_0] : memref<1000x128xf32, #tpu.memory_space<vmem>>, vector<1000x128xf32>
    %get3A_2 = arith.constant 0 : index
    %get3A_3 = arith.constant 0 : index
    %get3A_4 = vector.load %arg2[%get3A_2, %get3A_3] : memref<128x512xf32, #tpu.memory_space<vmem>>, vector<128x512xf32>
    %dot_general3A = arith.constant dense<0.000000e+00> : vector<1000x512xf32>
    %dot_general3A_5 = tpu.matmul %get3A_1, %get3A_4, %dot_general3A {dimension_numbers = #tpu.dot_dimension_numbers<[1], [0], [0], [1], [0, 0, 1, 1], [], []>, transpose_lhs_hint = false} : vector<1000x128xf32>, vector<128x512xf32>, vector<1000x512xf32> -> vector<1000x512xf32>
    %swap3A = arith.constant 0 : index
    %swap3A_6 = arith.constant 0 : index
    %swap3A_7 = vector.load %arg5[%swap3A, %swap3A_6] : memref<1000x512xf32, #tpu.memory_space<vmem>>, vector<1000x512xf32>
    tpu.vector_store %arg5[%swap3A, %swap3A_6], %dot_general3A_5 {strides = array<i32>} : memref<1000x512xf32, #tpu.memory_space<vmem>>, vector<1000x512xf32>,
    %get3A_8 = arith.constant 0 : index
    %get3A_9 = arith.constant 0 : index
    %get3A_10 = vector.load %arg3[%get3A_8, %get3A_9] : memref<128x512xf32, #tpu.memory_space<vmem>>, vector<128x512xf32>
    %dot_general3A_11 = arith.constant dense<0.000000e+00> : vector<1000x512xf32>
    %dot_general3A_12 = tpu.matmul %get3A_1, %get3A_10, %dot_general3A_11 {dimension_numbers = #tpu.dot_dimension_numbers<[1], [0], [0], [1], [0, 0, 1, 1], [], []>, transpose_lhs_hint = false} : vector<1000x128xf32>, vector<128x512xf32>, vector<1000x512xf32> -> vector<1000x512xf32>
    %swap3A_13 = arith.constant 0 : index
    %swap3A_14 = arith.constant 0 : index
    %swap3A_15 = vector.load %arg6[%swap3A_13, %swap3A_14] : memref<1000x512xf32, #tpu.memory_space<vmem>>, vector<1000x512xf32>
    tpu.vector_store %arg6[%swap3A_13, %swap3A_14], %dot_general3A_12 {strides = array<i32>} : memref<1000x512xf32, #tpu.memory_space<vmem>>, vector<1000x512xf32>,
    %get3A_16 = arith.constant 0 : index
    %get3A_17 = arith.constant 0 : index
    %get3A_18 = vector.load %arg4[%get3A_16, %get3A_17] : memref<128x16xf32, #tpu.memory_space<vmem>>, vector<128x16xf32>
    %dot_general3A_19 = arith.constant dense<0.000000e+00> : vector<1000x16xf32>
    %dot_general3A_20 = tpu.matmul %get3A_1, %get3A_18, %dot_general3A_19 {dimension_numbers = #tpu.dot_dimension_numbers<[1], [0], [0], [1], [0, 0, 1, 1], [], []>, transpose_lhs_hint = false} : vector<1000x128xf32>, vector<128x16xf32>, vector<1000x16xf32> -> vector<1000x16xf32>
    %swap3A_21 = arith.constant 0 : index
    %swap3A_22 = arith.constant 0 : index
    %swap3A_23 = vector.load %arg7[%swap3A_21, %swap3A_22] : memref<1000x16xf32, #tpu.memory_space<vmem>>, vector<1000x16xf32>
    tpu.vector_store %arg7[%swap3A_21, %swap3A_22], %dot_general3A_20 {strides = array<i32>} : memref<1000x16xf32, #tpu.memory_space<vmem>>, vector<1000x16xf32>,
    return
  }
  func.func @transform_0(%arg0: i32) -> (i32, i32) {
    %c0_i32 = arith.constant 0 : i32
    %c0_i32_0 = arith.constant 0 : i32
    return %arg0, %c0_i32 : i32, i32
  }
  func.func @transform_1(%arg0: i32) -> (i32, i32) {
    %c0_i32 = arith.constant 0 : i32
    %c0_i32_0 = arith.constant 0 : i32
    %c0_i32_1 = arith.constant 0 : i32
    return %c0_i32, %c0_i32_0 : i32, i32
  }
  func.func @transform_2(%arg0: i32) -> (i32, i32) {
    %c0_i32 = arith.constant 0 : i32
    %c0_i32_0 = arith.constant 0 : i32
    %c0_i32_1 = arith.constant 0 : i32
    return %c0_i32, %c0_i32_0 : i32, i32
  }
  func.func @transform_3(%arg0: i32) -> (i32, i32) {
    %c0_i32 = arith.constant 0 : i32
    %c0_i32_0 = arith.constant 0 : i32
    %c0_i32_1 = arith.constant 0 : i32
    return %c0_i32, %c0_i32_0 : i32, i32
  }
  func.func @transform_4(%arg0: i32) -> (i32, i32) {
    %c0_i32 = arith.constant 0 : i32
    %c0_i32_0 = arith.constant 0 : i32
    return %arg0, %c0_i32 : i32, i32
  }
  func.func @transform_5(%arg0: i32) -> (i32, i32) {
    %c0_i32 = arith.constant 0 : i32
    %c0_i32_0 = arith.constant 0 : i32
    return %arg0, %c0_i32 : i32, i32
  }
  func.func @transform_6(%arg0: i32) -> (i32, i32) {
    %c0_i32 = arith.constant 0 : i32
    %c0_i32_0 = arith.constant 0 : i32
    return %arg0, %c0_i32 : i32, i32
  }
}

module attributes {stable_mosaic.version = 14 : i64} {
  func.func @_tc_post_body(%arg0: memref<10240x64xf32, #tpu.memory_space<vmem>>, %arg1: memref<10240x64xf32, #tpu.memory_space<vmem>>, %arg2: memref<10240x64xf32, #tpu.memory_space<vmem>>, %arg3: memref<10240x64xf32, #tpu.memory_space<vmem>>, %arg4: memref<10000x128xf32, #tpu.memory_space<vmem>>, %arg5: memref<1x128xf32, #tpu.memory_space<vmem>>, %arg6: memref<1x128xf32, #tpu.memory_space<vmem>>, %arg7: memref<1x128xf32, #tpu.memory_space<vmem>>, %arg8: memref<10000x128xf32, #tpu.memory_space<vmem>>) attributes {dimension_semantics = [], scalar_prefetch = 0 : i64, scratch_operands = 0 : i64, tpu.core_type = #tpu.core_type<tc>} {
    %get3A = arith.constant 0 : index
    %get3A_0 = arith.constant 0 : index
    %get3A_1 = vector.load %arg0[%get3A, %get3A_0] : memref<10240x64xf32, #tpu.memory_space<vmem>>, vector<10000x64xf32>
    %get3A_2 = arith.constant 0 : index
    %get3A_3 = arith.constant 0 : index
    %get3A_4 = vector.load %arg1[%get3A_2, %get3A_3] : memref<10240x64xf32, #tpu.memory_space<vmem>>, vector<10000x64xf32>
    %add3A = arith.addf %get3A_1, %get3A_4 : vector<10000x64xf32>
    %get3A_5 = arith.constant 0 : index
    %get3A_6 = arith.constant 0 : index
    %get3A_7 = vector.load %arg5[%get3A_5, %get3A_6] : memref<1x128xf32, #tpu.memory_space<vmem>>, vector<1x64xf32>
    %add3A_8 = vector.broadcast %get3A_7 : vector<1x64xf32> to vector<10000x64xf32>
    %add3A_9 = arith.addf %add3A, %add3A_8 : vector<10000x64xf32>
    %reduce_sum3A = arith.constant dense<0.000000e+00> : vector<64xf32>
    %reduce_sum3A_10 = vector.multi_reduction <add>, %add3A_9, %reduce_sum3A [0] : vector<10000x64xf32> to vector<64xf32>
    %broadcast_in_dim3A = vector.shape_cast %reduce_sum3A_10 : vector<64xf32> to vector<1x64xf32>
    %div3A = arith.constant 1.000000e+04 : f32
    %div3A_11 = vector.broadcast %div3A : f32 to vector<1x64xf32>
    %div3A_12 = arith.divf %broadcast_in_dim3A, %div3A_11 : vector<1x64xf32>
    %sub3A = vector.broadcast %div3A_12 : vector<1x64xf32> to vector<10000x64xf32>
    %sub3A_13 = arith.subf %add3A_9, %sub3A : vector<10000x64xf32>
    %mul3A = arith.mulf %sub3A_13, %sub3A_13 : vector<10000x64xf32>
    %reduce_sum3A_14 = arith.constant dense<0.000000e+00> : vector<64xf32>
    %reduce_sum3A_15 = vector.multi_reduction <add>, %mul3A, %reduce_sum3A_14 [0] : vector<10000x64xf32> to vector<64xf32>
    %broadcast_in_dim3A_16 = vector.shape_cast %reduce_sum3A_15 : vector<64xf32> to vector<1x64xf32>
    %div3A_17 = arith.constant 1.000000e+04 : f32
    %div3A_18 = vector.broadcast %div3A_17 : f32 to vector<1x64xf32>
    %div3A_19 = arith.divf %broadcast_in_dim3A_16, %div3A_18 : vector<1x64xf32>
    %add3A_20 = arith.constant 9.99999974E-6 : f32
    %add3A_21 = vector.broadcast %add3A_20 : f32 to vector<1x64xf32>
    %add3A_22 = arith.addf %div3A_19, %add3A_21 : vector<1x64xf32>
    %rsqrt3A = math.rsqrt %add3A_22 : vector<1x64xf32>
    %mul3A_23 = vector.broadcast %rsqrt3A : vector<1x64xf32> to vector<10000x64xf32>
    %mul3A_24 = arith.mulf %sub3A_13, %mul3A_23 : vector<10000x64xf32>
    %get3A_25 = arith.constant 0 : index
    %get3A_26 = arith.constant 0 : index
    %get3A_27 = vector.load %arg6[%get3A_25, %get3A_26] : memref<1x128xf32, #tpu.memory_space<vmem>>, vector<1x64xf32>
    %mul3A_28 = vector.broadcast %get3A_27 : vector<1x64xf32> to vector<10000x64xf32>
    %mul3A_29 = arith.mulf %mul3A_24, %mul3A_28 : vector<10000x64xf32>
    %get3A_30 = arith.constant 0 : index
    %get3A_31 = arith.constant 0 : index
    %get3A_32 = vector.load %arg7[%get3A_30, %get3A_31] : memref<1x128xf32, #tpu.memory_space<vmem>>, vector<1x64xf32>
    %add3A_33 = vector.broadcast %get3A_32 : vector<1x64xf32> to vector<10000x64xf32>
    %add3A_34 = arith.addf %mul3A_29, %add3A_33 : vector<10000x64xf32>
    %mul3A_35 = arith.constant 0.899999976 : f32
    %mul3A_36 = vector.broadcast %mul3A_35 : f32 to vector<10000x64xf32>
    %mul3A_37 = arith.mulf %mul3A_36, %add3A_34 : vector<10000x64xf32>
    %get3A_38 = arith.constant 0 : index
    %get3A_39 = arith.constant 0 : index
    %get3A_40 = vector.load %arg4[%get3A_38, %get3A_39] : memref<10000x128xf32, #tpu.memory_space<vmem>>, vector<10000x64xf32>
    %mul3A_41 = arith.constant 1.000000e-01 : f32
    %mul3A_42 = vector.broadcast %mul3A_41 : f32 to vector<10000x64xf32>
    %mul3A_43 = arith.mulf %mul3A_42, %get3A_40 : vector<10000x64xf32>
    %add3A_44 = arith.addf %mul3A_37, %mul3A_43 : vector<10000x64xf32>
    %gt3A = arith.constant 0.000000e+00 : f32
    %gt3A_45 = vector.broadcast %gt3A : f32 to vector<10000x64xf32>
    %gt3A_46 = arith.cmpf ogt, %add3A_44, %gt3A_45 : vector<10000x64xf32>
    %min3A = arith.constant 0.000000e+00 : f32
    %min3A_47 = vector.broadcast %min3A : f32 to vector<10000x64xf32>
    %min3A_48 = arith.minimumf %add3A_44, %min3A_47 : vector<10000x64xf32>
    %exp3A = math.exp %min3A_48 : vector<10000x64xf32>
    %sub3A_49 = arith.constant 1.000000e+00 : f32
    %sub3A_50 = vector.broadcast %sub3A_49 : f32 to vector<10000x64xf32>
    %sub3A_51 = arith.subf %exp3A, %sub3A_50 : vector<10000x64xf32>
    %select_n3A = arith.select %gt3A_46, %add3A_44, %sub3A_51 : vector<10000x64xi1>, vector<10000x64xf32>
    %swap3A = arith.constant 0 : index
    %swap3A_52 = arith.constant 0 : index
    %swap3A_53 = vector.load %arg8[%swap3A, %swap3A_52] : memref<10000x128xf32, #tpu.memory_space<vmem>>, vector<10000x64xf32>
    tpu.vector_store %arg8[%swap3A, %swap3A_52], %select_n3A {strides = array<i32>} : memref<10000x128xf32, #tpu.memory_space<vmem>>, vector<10000x64xf32>,
    %get3A_54 = arith.constant 0 : index
    %get3A_55 = arith.constant 0 : index
    %get3A_56 = vector.load %arg2[%get3A_54, %get3A_55] : memref<10240x64xf32, #tpu.memory_space<vmem>>, vector<10000x64xf32>
    %get3A_57 = arith.constant 0 : index
    %get3A_58 = arith.constant 0 : index
    %get3A_59 = vector.load %arg3[%get3A_57, %get3A_58] : memref<10240x64xf32, #tpu.memory_space<vmem>>, vector<10000x64xf32>
    %add3A_60 = arith.addf %get3A_56, %get3A_59 : vector<10000x64xf32>
    %get3A_61 = arith.constant 0 : index
    %get3A_62 = arith.constant 64 : index
    %get3A_63 = vector.load %arg5[%get3A_61, %get3A_62] : memref<1x128xf32, #tpu.memory_space<vmem>>, vector<1x64xf32>
    %add3A_64 = vector.broadcast %get3A_63 : vector<1x64xf32> to vector<10000x64xf32>
    %add3A_65 = arith.addf %add3A_60, %add3A_64 : vector<10000x64xf32>
    %reduce_sum3A_66 = arith.constant dense<0.000000e+00> : vector<64xf32>
    %reduce_sum3A_67 = vector.multi_reduction <add>, %add3A_65, %reduce_sum3A_66 [0] : vector<10000x64xf32> to vector<64xf32>
    %broadcast_in_dim3A_68 = vector.shape_cast %reduce_sum3A_67 : vector<64xf32> to vector<1x64xf32>
    %div3A_69 = arith.constant 1.000000e+04 : f32
    %div3A_70 = vector.broadcast %div3A_69 : f32 to vector<1x64xf32>
    %div3A_71 = arith.divf %broadcast_in_dim3A_68, %div3A_70 : vector<1x64xf32>
    %sub3A_72 = vector.broadcast %div3A_71 : vector<1x64xf32> to vector<10000x64xf32>
    %sub3A_73 = arith.subf %add3A_65, %sub3A_72 : vector<10000x64xf32>
    %mul3A_74 = arith.mulf %sub3A_73, %sub3A_73 : vector<10000x64xf32>
    %reduce_sum3A_75 = arith.constant dense<0.000000e+00> : vector<64xf32>
    %reduce_sum3A_76 = vector.multi_reduction <add>, %mul3A_74, %reduce_sum3A_75 [0] : vector<10000x64xf32> to vector<64xf32>
    %broadcast_in_dim3A_77 = vector.shape_cast %reduce_sum3A_76 : vector<64xf32> to vector<1x64xf32>
    %div3A_78 = arith.constant 1.000000e+04 : f32
    %div3A_79 = vector.broadcast %div3A_78 : f32 to vector<1x64xf32>
    %div3A_80 = arith.divf %broadcast_in_dim3A_77, %div3A_79 : vector<1x64xf32>
    %add3A_81 = arith.constant 9.99999974E-6 : f32
    %add3A_82 = vector.broadcast %add3A_81 : f32 to vector<1x64xf32>
    %add3A_83 = arith.addf %div3A_80, %add3A_82 : vector<1x64xf32>
    %rsqrt3A_84 = math.rsqrt %add3A_83 : vector<1x64xf32>
    %mul3A_85 = vector.broadcast %rsqrt3A_84 : vector<1x64xf32> to vector<10000x64xf32>
    %mul3A_86 = arith.mulf %sub3A_73, %mul3A_85 : vector<10000x64xf32>
    %get3A_87 = arith.constant 0 : index
    %get3A_88 = arith.constant 64 : index
    %get3A_89 = vector.load %arg6[%get3A_87, %get3A_88] : memref<1x128xf32, #tpu.memory_space<vmem>>, vector<1x64xf32>
    %mul3A_90 = vector.broadcast %get3A_89 : vector<1x64xf32> to vector<10000x64xf32>
    %mul3A_91 = arith.mulf %mul3A_86, %mul3A_90 : vector<10000x64xf32>
    %get3A_92 = arith.constant 0 : index
    %get3A_93 = arith.constant 64 : index
    %get3A_94 = vector.load %arg7[%get3A_92, %get3A_93] : memref<1x128xf32, #tpu.memory_space<vmem>>, vector<1x64xf32>
    %add3A_95 = vector.broadcast %get3A_94 : vector<1x64xf32> to vector<10000x64xf32>
    %add3A_96 = arith.addf %mul3A_91, %add3A_95 : vector<10000x64xf32>
    %mul3A_97 = arith.constant 0.899999976 : f32
    %mul3A_98 = vector.broadcast %mul3A_97 : f32 to vector<10000x64xf32>
    %mul3A_99 = arith.mulf %mul3A_98, %add3A_96 : vector<10000x64xf32>
    %get3A_100 = arith.constant 0 : index
    %get3A_101 = arith.constant 64 : index
    %get3A_102 = vector.load %arg4[%get3A_100, %get3A_101] : memref<10000x128xf32, #tpu.memory_space<vmem>>, vector<10000x64xf32>
    %mul3A_103 = arith.constant 1.000000e-01 : f32
    %mul3A_104 = vector.broadcast %mul3A_103 : f32 to vector<10000x64xf32>
    %mul3A_105 = arith.mulf %mul3A_104, %get3A_102 : vector<10000x64xf32>
    %add3A_106 = arith.addf %mul3A_99, %mul3A_105 : vector<10000x64xf32>
    %gt3A_107 = arith.constant 0.000000e+00 : f32
    %gt3A_108 = vector.broadcast %gt3A_107 : f32 to vector<10000x64xf32>
    %gt3A_109 = arith.cmpf ogt, %add3A_106, %gt3A_108 : vector<10000x64xf32>
    %min3A_110 = arith.constant 0.000000e+00 : f32
    %min3A_111 = vector.broadcast %min3A_110 : f32 to vector<10000x64xf32>
    %min3A_112 = arith.minimumf %add3A_106, %min3A_111 : vector<10000x64xf32>
    %exp3A_113 = math.exp %min3A_112 : vector<10000x64xf32>
    %sub3A_114 = arith.constant 1.000000e+00 : f32
    %sub3A_115 = vector.broadcast %sub3A_114 : f32 to vector<10000x64xf32>
    %sub3A_116 = arith.subf %exp3A_113, %sub3A_115 : vector<10000x64xf32>
    %select_n3A_117 = arith.select %gt3A_109, %add3A_106, %sub3A_116 : vector<10000x64xi1>, vector<10000x64xf32>
    %swap3A_118 = arith.constant 0 : index
    %swap3A_119 = arith.constant 64 : index
    %swap3A_120 = vector.load %arg8[%swap3A_118, %swap3A_119] : memref<10000x128xf32, #tpu.memory_space<vmem>>, vector<10000x64xf32>
    tpu.vector_store %arg8[%swap3A_118, %swap3A_119], %select_n3A_117 {strides = array<i32>} : memref<10000x128xf32, #tpu.memory_space<vmem>>, vector<10000x64xf32>,
    return
  }
}

module attributes {stable_mosaic.version = 14 : i64} {
  func.func @_tc_head_body(%arg0: memref<10000x128xf32, #tpu.memory_space<vmem>>, %arg1: memref<128x64xf32, #tpu.memory_space<vmem>>, %arg2: memref<1x64xf32, #tpu.memory_space<vmem>>, %arg3: memref<64x128xf32, #tpu.memory_space<vmem>>, %arg4: memref<1x128xf32, #tpu.memory_space<vmem>>, %arg5: memref<10000x128xf32, #tpu.memory_space<vmem>>) attributes {dimension_semantics = [], scalar_prefetch = 0 : i64, scratch_operands = 0 : i64, tpu.core_type = #tpu.core_type<tc>} {
    %get3A = arith.constant 0 : index
    %get3A_0 = arith.constant 0 : index
    %get3A_1 = vector.load %arg0[%get3A, %get3A_0] : memref<10000x128xf32, #tpu.memory_space<vmem>>, vector<10000x128xf32>
    %get3A_2 = arith.constant 0 : index
    %get3A_3 = arith.constant 0 : index
    %get3A_4 = vector.load %arg1[%get3A_2, %get3A_3] : memref<128x64xf32, #tpu.memory_space<vmem>>, vector<128x64xf32>
    %dot_general3A = arith.constant dense<0.000000e+00> : vector<10000x64xf32>
    %dot_general3A_5 = tpu.matmul %get3A_1, %get3A_4, %dot_general3A {dimension_numbers = #tpu.dot_dimension_numbers<[1], [0], [0], [1], [0, 0, 1, 1], [], []>, transpose_lhs_hint = false} : vector<10000x128xf32>, vector<128x64xf32>, vector<10000x64xf32> -> vector<10000x64xf32>
    %get3A_6 = arith.constant 0 : index
    %get3A_7 = arith.constant 0 : index
    %get3A_8 = vector.load %arg2[%get3A_6, %get3A_7] : memref<1x64xf32, #tpu.memory_space<vmem>>, vector<1x64xf32>
    %add3A = vector.broadcast %get3A_8 : vector<1x64xf32> to vector<10000x64xf32>
    %add3A_9 = arith.addf %dot_general3A_5, %add3A : vector<10000x64xf32>
    %gt3A = arith.constant 0.000000e+00 : f32
    %gt3A_10 = vector.broadcast %gt3A : f32 to vector<10000x64xf32>
    %gt3A_11 = arith.cmpf ogt, %add3A_9, %gt3A_10 : vector<10000x64xf32>
    %min3A = arith.constant 0.000000e+00 : f32
    %min3A_12 = vector.broadcast %min3A : f32 to vector<10000x64xf32>
    %min3A_13 = arith.minimumf %add3A_9, %min3A_12 : vector<10000x64xf32>
    %exp3A = math.exp %min3A_13 : vector<10000x64xf32>
    %sub3A = arith.constant 1.000000e+00 : f32
    %sub3A_14 = vector.broadcast %sub3A : f32 to vector<10000x64xf32>
    %sub3A_15 = arith.subf %exp3A, %sub3A_14 : vector<10000x64xf32>
    %select_n3A = arith.select %gt3A_11, %add3A_9, %sub3A_15 : vector<10000x64xi1>, vector<10000x64xf32>
    %get3A_16 = arith.constant 0 : index
    %get3A_17 = arith.constant 0 : index
    %get3A_18 = vector.load %arg3[%get3A_16, %get3A_17] : memref<64x128xf32, #tpu.memory_space<vmem>>, vector<64x128xf32>
    %dot_general3A_19 = arith.constant dense<0.000000e+00> : vector<10000x128xf32>
    %dot_general3A_20 = tpu.matmul %select_n3A, %get3A_18, %dot_general3A_19 {dimension_numbers = #tpu.dot_dimension_numbers<[1], [0], [0], [1], [0, 0, 1, 1], [], []>, transpose_lhs_hint = false} : vector<10000x64xf32>, vector<64x128xf32>, vector<10000x128xf32> -> vector<10000x128xf32>
    %get3A_21 = arith.constant 0 : index
    %get3A_22 = arith.constant 0 : index
    %get3A_23 = vector.load %arg4[%get3A_21, %get3A_22] : memref<1x128xf32, #tpu.memory_space<vmem>>, vector<1x128xf32>
    %add3A_24 = vector.broadcast %get3A_23 : vector<1x128xf32> to vector<10000x128xf32>
    %add3A_25 = arith.addf %dot_general3A_20, %add3A_24 : vector<10000x128xf32>
    %swap3A = arith.constant 0 : index
    %swap3A_26 = arith.constant 0 : index
    %swap3A_27 = vector.load %arg5[%swap3A, %swap3A_26] : memref<10000x128xf32, #tpu.memory_space<vmem>>, vector<10000x128xf32>
    tpu.vector_store %arg5[%swap3A, %swap3A_26], %add3A_25 {strides = array<i32>} : memref<10000x128xf32, #tpu.memory_space<vmem>>, vector<10000x128xf32>,
    return
  }
}

</mosaic_0001>

<sc_bundles>
// kernel: closed_call.15.cloned.1.call-start
scs
__scs_entry_jumppad:
0x0: {  	(pc) =	sbr.rel $0x88, $3  }
0x1: {  	(tag) =	ssettag $0x0;
	lr =	simm.s32 $0x1  }
0x2: {  	[smem:$0x3F93] =	sst lr;
	_ =	strace $0xD0000000  }
0x3: {  	_ = 	snop  }
0x4: {  	_ = 	snop  }
0x5: {  	_ = 	snop  }
0x6: {  	_ = 	snop  }
0x7: {  	_ = 	snop  }
__scs_overlays_trampoline_lowered:
0x8: {  	[smem:$0x3FA2] =	sst s0  }
0x9: {  	[smem:$0x3FA3] =	sst s1  }
0xa: {  	[smem:$0x3FA4] =	sst s2  }
0xb: {  	[smem:$0x3FA5] =	sst s3  }
0xc: {  	[smem:$0x3FA6] =	sst s4  }
0xd: {  	[smem:$0x3FA7] =	sst s5  }
0xe: {  	[smem:$0x3FA8] =	sst s6  }
0xf: {  	[smem:$0x3FA9] =	sst s7  }
0x10: {  	[smem:$0x3FAA] =	sst s8  }
0x11: {  	[smem:$0x3FAB] =	sst s9;
	s0 =	simm.s32 @!p0 $0x0  }
0x12: {  	s1 =	sld [smem:$0x3F91];
	s0 =	simm.s32 @p0 $0x1  }
0x13: {  	[smem:$0x3FAC] =	sst s0;
	s0 =	simm.s32 @!p1 $0x0  }
0x14: {  	s2 =	sld [smem:$0x3F90];
	s0 =	simm.s32 @p1 $0x1  }
0x15: {  	[smem:$0x3FAD] =	sst s0;
	s0 =	simm.s32 @!p2 $0x0  }
0x16: {  	s3 =	sld [smem:$0x3FDB];
	s0 =	simm.s32 @p2 $0x1  }
0x17: {  	s4 =	simm.s32 $0x1BF5;
	[smem:$0x3FAF] =	sst s0  }
0x18: {  	s0 =	sld [smem:$0x3F92];
	_ =	swait.ge [sflag:s4], $0x0  }
0x19: {  	s7 =	sld [smem:$0x3F93]  }
0x1a: {  	s8 =	sadd.s32 $0xFFFFE003, lr  }
0x1b: {  	s9 =	sadd.s32 $0xFFFFFEF7, lr;
	s5 =	simm.s32 $0xFFFFFFFF;
	p2 =	slt.u32 s8, $0xFFFFF086  }
0x1c: {  	p1 =	slt.u32 s9, $0xF7A;
	s5 =	simm.s32 @!p2 $0x0  }
0x1d: {  	s5 =	simm.s32 @p1 $0x1;
	p0 =	seq.s32 s7, s2  }
0x1e: {  	s7 =	smul.u32 @!p0 $0xF7A, s2;
	p2 =	seq.s32 @!p0 s5, $0x0  }
0x1f: {  	s9 =	smul.u32 $0xF7A, s1;
	s8 =	simm.s32 @!p0 $0x1BF5;
	p2 =	por !p2, p0  }
0x20: {  	[sflag:s8] =	ssyncset.s32 @!p0 $0xFFFFF086;
	s6 =	sadd.s32 @!p0 s3, s7;
	s7 =	simm.s32 @!p0 $0x108  }
0x21: {  	s3 =	sadd.s32 s3, s9;
	s6 =	sadd.s32 @!p0 $0x88, s6;
	s7 =	simm.s32 @p2 $0x1082  }
0x22: {  	[simem:s7], [sflag:s8] =	dma.local @!p0 [hbm:s6], $0xF7A  }
0x23: {  	s9 =	sor.u32 $0xD0000000, s2;
	s6 =	simm.s32 $0x108;
	_ =	swait.ge @!p0 [sflag:s8], $0x0  }
0x24: {  	s3 =	sadd.s32 $0x88, s3;
	s6 =	simm.s32 @!p1 $0x1082;
	[sflag:s4] =	ssyncset.s32 $0xFFFFF086  }
0x25: {  	[simem:s6], [sflag:s4] =	dma.local [hbm:s3], $0xF7A  }
0x26: {  	[smem:$0x3F93] =	sst s1;
	(tag) =	ssettag s2;
	_ =	strace s9  }
0x27: {  	s1 =	sld [smem:$0x3FA3]  }
0x28: {  	s2 =	sld [smem:$0x3FA4]  }
0x29: {  	s4 =	sld [smem:$0x3FA6]  }
0x2a: {  	p0 =	seq.s32 s5, $0x0;
	s5 =	sld [smem:$0x3FA7]  }
0x2b: {  	s6 =	sld [smem:$0x3FA8]  }
0x2c: {  	s7 =	sld [smem:$0x3FA9]  }
0x2d: {  	s3 =	simm.s32 $0x108;
	s8 =	sld [smem:$0x3FAA]  }
0x2e: {  	s3 =	simm.s32 @!p0 $0x1082;
	s9 =	sld [smem:$0x3FAB]  }
0x2f: {  	lr =	sadd.s32 s0, s3;
	s0 =	sld [smem:$0x3FA2]  }
0x30: {  	s3 =	sld [smem:$0x3FA5]  }
0x31: {  	[smem:$0x3FAE] =	sst s10  }
0x32: {  	s10 =	sld [smem:$0x3FAC];
	_ =	sdelay $0x3  }
0x33: {  	p0 =	seq.s32 s10, $0x1;
	s10 =	sld [smem:$0x3FAE];
	_ =	sdelay $0x3  }
0x34: {  	[smem:$0x3FAE] =	sst s10  }
0x35: {  	s10 =	sld [smem:$0x3FAD];
	_ =	sdelay $0x3  }
0x36: {  	p1 =	seq.s32 s10, $0x1;
	s10 =	sld [smem:$0x3FAE];
	_ =	sdelay $0x3  }
0x37: {  	[smem:$0x3FAE] =	sst s10  }
0x38: {  	s10 =	sld [smem:$0x3FAF]  }
0x39: {  	_ = 	snop;
	(pc) =	sbr.ind lr, $3  }
0x3a: {  	_ = 	snop  }
0x3b: {  	_ = 	snop  }
0x3c: {  	p2 =	seq.s32 s10, $0x1;
	s10 =	sld [smem:$0x3FAE]  }
0x3d: {  	_ =	shalt  }
0x3e: {  	_ =	shalt  }
0x3f: {  	_ =	shalt  }
0x40: {  	_ =	shalt  }
0x41: {  	_ =	shalt  }
0x42: {  	_ =	shalt  }
0x43: {  	_ =	shalt  }
0x44: {  	_ =	shalt  }
0x45: {  	_ =	shalt  }
0x46: {  	_ =	shalt  }
0x47: {  	_ =	shalt  }
0x48: {  	_ =	shalt  }
0x49: {  	_ =	shalt  }
0x4a: {  	_ =	shalt  }
0x4b: {  	_ =	shalt  }
0x4c: {  	_ =	shalt  }
0x4d: {  	_ =	shalt  }
0x4e: {  	_ =	shalt  }
0x4f: {  	_ =	shalt  }
0x50: {  	_ =	shalt  }
0x51: {  	_ =	shalt  }
0x52: {  	_ =	shalt  }
0x53: {  	_ =	shalt  }
0x54: {  	_ =	shalt  }
0x55: {  	_ =	shalt  }
0x56: {  	_ =	shalt  }
0x57: {  	_ =	shalt  }
0x58: {  	_ =	shalt  }
0x59: {  	_ =	shalt  }
0x5a: {  	_ =	shalt  }
0x5b: {  	_ =	shalt  }
0x5c: {  	_ =	shalt  }
0x5d: {  	_ =	shalt  }
0x5e: {  	_ =	shalt  }
0x5f: {  	_ =	shalt  }
0x60: {  	_ =	shalt  }
0x61: {  	_ =	shalt  }
0x62: {  	_ =	shalt  }
0x63: {  	_ =	shalt  }
0x64: {  	_ =	shalt  }
0x65: {  	_ =	shalt  }
0x66: {  	_ =	shalt  }
0x67: {  	_ =	shalt  }
0x68: {  	_ =	shalt  }
0x69: {  	_ =	shalt  }
0x6a: {  	_ =	shalt  }
0x6b: {  	_ =	shalt  }
0x6c: {  	_ =	shalt  }
0x6d: {  	_ =	shalt  }
0x6e: {  	_ =	shalt  }
0x6f: {  	_ =	shalt  }
0x70: {  	_ =	shalt  }
0x71: {  	_ =	shalt  }
0x72: {  	_ =	shalt  }
0x73: {  	_ =	shalt  }
0x74: {  	_ =	shalt  }
0x75: {  	_ =	shalt  }
0x76: {  	_ =	shalt  }
0x77: {  	_ =	shalt  }
0x78: {  	_ =	shalt  }
0x79: {  	_ =	shalt  }
0x7a: {  	_ =	shalt  }
0x7b: {  	_ =	shalt  }
0x7c: {  	_ =	shalt  }
0x7d: {  	_ =	shalt  }
0x7e: {  	_ =	shalt  }
0x7f: {  	_ =	shalt  }
0x80: {  	_ =	shalt  }
0x81: {  	_ =	shalt  }
0x82: {  	_ =	shalt  }
0x83: {  	_ =	shalt  }
0x84: {  	_ =	shalt  }
0x85: {  	_ =	shalt  }
0x86: {  	_ =	shalt  }
0x87: {  	_ =	shalt  }
.Lfunc_end0:
.L_simem_size_0:
called_computation_lowered:
.L_overlay_start_0:
0x88: {  	s2 =	sld [smem:$0x3FD9]  }
0x89: {  	s3 =	sld [smem:$0x3FFE];
	_ =	sdelay $0x1  }
0x8a: {  	s1 =	srdreg.scid  }
0x8b: {  	s0 =	sand.u32 $0x1, s1  }
0x8c: {  	s16 =	sshll.u32 s0, $0xA;
	s2 =	sadd.s32 s3, s2  }
0x8d: {  	s2 =	sadd.s32 s2, s16  }
0x8e: {  	[smem:$0x3FBA] =	sst s2  }
0x8f: {  	_ = 	snop  }
0x90: {  	(tm) =	ssettm $0x1  }
0x91: {  	s17 =	sld [smem:$0x3FFB];
	_ =	sdelay $0x3  }
0x92: {  	_ =	strace s17  }
0x93: {  	s2 =	sld [smem:$0x3FFC];
	_ =	sdelay $0x3  }
0x94: {  	_ =	strace s2  }
0x95: {  	s2 =	sld [smem:$0x3FFD];
	_ =	sdelay $0x3  }
0x96: {  	_ =	strace s2  }
0x97: {  	_ =	strace $0x8FFFFFFF  }
0x98: {  	s18 =	sld [smem:$0x3FDB];
	_ =	sdelay $0x1  }
0x99: {  	s19 =	simm.s32 $_scs_section_size  }
0x9a: {  	s4 =	simm.s32 $_size__tile_overlayer_lowered;
	s5 =	simm.s32 $_tile_overlayer_lowered  }
0x9b: {  	s22 =	simm.s32 $0x1BFF;
	s21 =	sshll.u32 s5, $0x1;
	s2 =	sadd.s32 s19, s18  }
0x9c: {  	s6 =	simm.s32 $0x0;
	s20 =	sshll.u32 s4, $0x1;
	s4 =	sadd.s32 s21, s2  }
0x9d: {  	[timem:s6], [sflag:s22] =	dma.local [hbm:s4], s20  }
0x9e: {  	_ =	swait.ge [sflag:s22], s20  }
0x9f: {  	s3 =	ssub.s32 $0x0, s20;
	[sflag:s22] =	ssyncset.done $0x0  }
0xa0: {  	[sflag:s22] =	ssyncadd.s32 s3;
	_ =	sdelay $0x1  }
0xa1: {  	s23 =	simm.s32 $0x1B8B  }
0xa2: {  	_ =	swait.ge [sflag:s23], $0x1  }
0xa3: {  	[sflag:s23] =	ssyncset.done $0x0  }
0xa4: {  	s25 =	simm.s32 $0x1B8E;
	s24 =	sld [smem:$0x3FFE];
	[sflag:s23] =	ssyncadd.s32 $0xFFFFFFFF  }
0xa5: {  	s26 =	simm.s32 $execute0_lowered;
	[smem:$0x3FD2] =	sst s25  }
0xa6: {  	s4 =	sshll.u32 s26, $0x1;
	_ =	strace $0x80000046;
	[dreg:$0x1] =	wrdreg $0xFFFFFFFF  }
0xa7: {  	s28 =	simm.s32 $_size_execute0_lowered;
	s2 =	sadd.s32 s2, s4;
	[dreg:$0x0] =	wrdreg $0x0  }
0xa8: {  	s4 =	sshll.u32 s28, $0x1;
	[dreg:$0x2] =	wrdreg s2  }
0xa9: {  	[dreg:$0x3] =	wrdreg s4  }
0xaa: {  	[dreg:$0x4] =	wrdreg $0xC0  }
0xab: {  	_ =	task [dreg:s6], $0x5FFFF  }
0xac: {  	[dreg:$0x1] =	wrdreg $0xFFFFFFFF  }
0xad: {  	[dreg:$0x0] =	wrdreg $0x60  }
0xae: {  	[dreg:$0x2] =	wrdreg s24  }
0xaf: {  	[dreg:$0x3] =	wrdreg $0x34800  }
0xb0: {  	[dreg:$0x4] =	wrdreg $0x9  }
0xb1: {  	_ =	task.clear_ibuf [dreg:s6], $0x5FFFF;
	_ =	strace $0x90000046  }
0xb2: {  	s29 =	simm.s32 $0x9;
	_ =	strace $0x80000048  }
0xb3: {  	_ =	swait.ge [sflag:s29], $0x1  }
0xb4: {  	[sflag:s29] =	ssyncadd.s32 $0xFFFFFFFF  }
0xb5: {  	_ =	strace $0x90000048  }
0xb6: {  	_ =	sfence  }
0xb7: {  	s30 =	sld [smem:$0x0];
	_ =	sdelay $0x2  }
0xb8: {  	s31 =	sshll.u32 s1, $0xD;
	s1 =	sshrl.u32 s1, $0x2  }
0xb9: {  	s3 =	sand.u32 $0x4000, s31;
	s1 =	sadd.s32 s1, s30  }
0xba: {  	s0 =	sor.u32 s3, s0;
	s1 =	sshll.u32 s1, $0x11  }
0xbb: {  	s0 =	sor.u32 s1, s0  }
0xbc: {  	s0 =	sadd.s32 $0x8F2B, s0  }
0xbd: {  	[sflag:s0] =	ssyncadd.remote.s32 $0x1  }
0xbe: {  	_ =	sfence.sel $0xFFFF  }
0xbf: {  	[dreg:$0x0] =	wrdreg $0xFFFFFFFF;
	(pc) =	sbr.abs _section_cstart, $3  }
0xc0: {  	[dreg:$0x1] =	wrdreg $0xFFFFFFFF  }
0xc1: {  	_ =	task.clear_ibuf [dreg:s6], $0x2FFFF;
	_ =	strace $0x9FFFFFFF  }
0xc2: {  	(tm) =	ssettm $0x7FFFFFFF  }
0xc3: {  	_ =	shalt  }
tec
execute0_lowered:
.L_overlay_start_1:
0x0: {  	(tag) =	ssettag $0x1  }
0x1: {  	s9 =	rddreg [dreg:$0x0]  }
0x2: {  	s1 =	rddreg [dreg:$0x1]  }
0x3: {  	s2 =	simm.s32 $0x0;
	s4 =	srdreg.scid;
	s14 =	simm.s32 $0x1A5800  }
0x4: {  	s17 =	simm.s32 $0x1;
	s18 =	simm.s32 $0x480;
	s19 =	simm.s32 $0x880  }
0x5: {  	s20 =	simm.s32 $0x0;
	[smem:$0x7FF] =	sst s2;
	s3 =	sadd.s32 $0x147800, s9  }
0x6: {  	s10 =	sand.u32 $0x1, s4;
	s5 =	sadd.s32 $0x4800, s9;
	s4 =	stileid.u32  }
0x7: {  	s6 =	sadd.s32 $0x9C00, s9;
	s7 =	sadd.s32 $0x14C800, s9;
	s12 =	smul.u32 $0x2800, s4  }
0x8: {  	_ =	strace $0x80000047;
	s8 =	ssub.s32 $0x2, s10;
	s15 =	smul.u32 $0x15000, s10  }
0x9: {  	v0 =	vimm.s32 $0xFEDCBA98;
	s31 =	sshll.u32 s10, $0x4;
	p0 =	seq.s32 s10, $0x1;
	s16 =	smul.u32 $0x1500, s4  }
0xa: {  	v0 =	vunpack.c.l.s4.s8 v0;
	s11 =	sshrl.u32 s8, $0x1;
	s13 =	sor.u32 s4, s31;
	s14 =	simm.s32 @!p0 $0x1A0800  }
0xb: {  	s11 =	ssub.s32 s8, s11;
	s8 =	sadd.s32 s12, s1;
	s12 =	sshrl.u32 s12, $0x3  }
0xc: {  	v1 =	vunpack.c.0.s8.s32 v0;
	s14 =	sadd.s32 s14, s9;
	s9 =	smul.u32 $0x1500, s13;
	s13 =	simm.s32 $0xC80  }
0xd: {  	vm0 =	vcmask $0x1F00;
	s10 =	smax.u32 s11, $0x1;
	s11 =	sadd.s32 s14, s12;
	s12 =	sadd.s32 s16, s15  }
0xe: {  	v2 =	vlaneseq.u32;
	v0 =	vimm.f32 $0.0e+00;
	s14 =	simm.s32 $0x2;
	s15 =	simm.s32 $0x40;
	s16 =	simm.s32 $0x80;
	v1 =	vnsel vm0, $0xF, v1  }
.LBB2_1:
0xf: {  	s21 =	simm.s32 $0x40;
	s22 =	simm.s32 $0x0  }
.LBB2_2:
0x10: {  	p0 =	sne.s32 s21, $0x9FC0;
	[tilespmem:s22+$0xC80] =	vst v0;
	s22 =	smov.u32 s21;
	s21 =	sadd.s32 $0x40, s21  }
.Ltmp0:
0x11: {  	(pc) =	sbr.rel @p0 .LBB2_2-.Ltmp0, $2  }
0x12: {  	_ =	sdelay $0x2  }
0x13: {  	s22 =	sshra.s32 s22, $0x2  }
0x14: {  	[tilespmem:s22+$0xC80] =	vst v0  }
0x15: {  	[spmem:s8] =	stream.linear.scatter [tilespmem:s13], [sflag:$0x2], $0x2800, $0x38;
	[tilespmem:$0x5C80] =	vst v63  }
0x16: {  	_ =	swait.ge [sflag:s14], $0x2800  }
0x17: {  	[sflag:s14] =	ssyncset.done $0x0  }
0x18: {  	s21 =	simm.s32 $0x0;
	[sflag:s14] =	ssyncadd.s32 $0xFFFFD800  }
0x19: {  	s22 =	smov.u32 s12;
	s23 =	simm.s32 $0x0;
	[bflag:$0x0] =	sbarrier.arrive $0xFFFF  }
.LBB2_4:
0x1a: {  	s24 =	sshll.u32 s23, $0x6  }
0x1b: {  	s24 =	sadd.s32 s9, s24  }
0x1c: {  	s25 =	sshrl.u32 s24, $0x3  }
0x1d: {  	s26 =	sadd.s32 s5, s25  }
0x1e: {  	[tilespmem:s21], [sflag:$0x2] =	stream.linear.gather [hbm4b:s26+s21], $0x40, $0x38;
	[tilespmem:$0x5C80] =	vst v63  }
0x1f: {  	_ =	swait.ge [sflag:s14], $0x40  }
0x20: {  	[sflag:s14] =	ssyncset.done $0x0  }
0x21: {  	s25 =	sadd.s32 s6, s25;
	[sflag:s14] =	ssyncadd.s32 $0xFFFFFFC0  }
0x22: {  	[tilespmem:s15], [sflag:$0x2] =	stream.linear.gather [hbm4b:s25+s21], $0x40, $0x38;
	[tilespmem:$0x5C80] =	vst v63  }
0x23: {  	_ =	swait.ge [sflag:s14], $0x40  }
0x24: {  	[sflag:s14] =	ssyncset.done $0x0  }
0x25: {  	[sflag:s14] =	ssyncadd.s32 $0xFFFFFFC0  }
0x26: {  	[tilespmem:s16], [sflag:$0x1] =	stream.indirect.gather [hbm4b:s3+s15], $0x10, s21, s15, $0xb8;
	[tilespmem:$0x5C80] =	vst v63  }
0x27: {  	_ =	swait.ge [sflag:s17], $0x400  }
0x28: {  	[sflag:s17] =	ssyncset.done $0x0  }
0x29: {  	[sflag:s17] =	ssyncadd.s32 $0xFFFFFC00  }
0x2a: {  	[tilespmem:s18], [sflag:$0x1] =	stream.indirect.gather [hbm4b:s3+s15], $0x10, s15, s15, $0xb8;
	[tilespmem:$0x5C80] =	vst v63  }
0x2b: {  	_ =	swait.ge [sflag:s17], $0x400  }
0x2c: {  	[sflag:s17] =	ssyncset.done $0x0  }
0x2d: {  	s26 =	simm.s32 $0x0;
	[sflag:s17] =	ssyncadd.s32 $0xFFFFFC00  }
0x2e: {  	s25 =	simm.s32 $0x10;
	v3 =	vld [tilespmem:s26+$0x480]  }
0x2f: {  	v4 =	vld [tilespmem:s25+$0x480]  }
0x30: {  	v5 =	vld [tilespmem:s26+$0x80];
	_ =	sdelay $0x1  }
0x31: {  	v6 =	vld [tilespmem:s25+$0x80]  }
0x32: {  	v3 =	vperm.xlane v3, v1;
	_ =	sdelay $0x1  }
0x33: {  	v4 =	vperm.xlane v4, v1;
	v3 =	vadd.f32 v3, v5;
	_ =	sdelay $0x1  }
0x34: {  	v4 =	vadd.f32 v4, v6;
	v6 =	vmul.f32 $2.000000030e-01, v3  }
0x35: {  	vm0 =	vge.f32 v3, $0.0e+00  }
0x36: {  	s28 =	simm.s32 $0x20;
	v3 =	vsel vm0, v3, v6  }
0x37: {  	v5 =	vld [tilespmem:s28+$0x480];
	v3 =	vmul.f32 $1.442695020e+00, v3;
	_ =	sdelay $0x1  }
0x38: {  	v7 =	vld [tilespmem:s28+$0x80];
	v8 =	vmul.f32 $2.000000030e-01, v4;
	(erf) = vpow2.f32 v3  }
0x39: {  	vm0 =	vge.f32 v4, $0.0e+00  }
0x3a: {  	v4 =	vsel vm0, v4, v8  }
0x3b: {  	s29 =	simm.s32 $0x30;
	v5 =	vperm.xlane v5, v1;
	v6 =	vmul.f32 $1.442695020e+00, v4  }
0x3c: {  	v4 =	vld [tilespmem:s29+$0x480]  }
0x3d: {  	v3 =	vadd.f32 v5, v7;
	(erf) = vpow2.f32 v6  }
0x3e: {  	p0 =	slt.u32 s22, $0x29810;
	s30 =	simm.s32 $0x8;
	v5 =	vld [tilespmem:s29+$0x80]  }
0x3f: {  	s30 =	simm.s32 @!p0 $0x0;
	v7 =	vmul.f32 $2.000000030e-01, v3  }
0x40: {  	s31 =	simm.s32 $0x100;
	v6 =	vmov s30;
	s30 =	smov.u32 s22;
	vm0 =	vge.f32 v3, $0.0e+00  }
.LBB2_5:
0x41: {  	s0 =	sshra.s32 s31, $0x2;
	p0 =	sne.s32 s31, $0xFC0;
	s31 =	sadd.s32 $0x40, s31;
	v8 =	vperm.xlane v4, v1;
	v3 =	vsel vm0, v3, v7;
	vm0 =	vgt.u32 v6, v2;
	v6 =	vpop (erf)  }
.Ltmp1:
0x42: {  	s30 =	sadd.s32 $0x1, s30;
	v4 =	vld [tilespmem:s0+$0x480];
	v7 =	vmul.f32 $1.442695020e+00, v3;
	v6 =	vnsel vm0, $0x0, v6;
	(pc) =	sbr.rel @p0 .LBB2_5-.Ltmp1, $4  }
0x43: {  	p1 =	slt.u32 s30, $0x29810;
	v3 =	vadd.f32 v8, v5;
	[tilespmem:s26+$0x880] =	vst v6;
	s26 =	smov.u32 s25;
	s25 =	smov.u32 s28  }
0x44: {  	s28 =	smov.u32 s29;
	s29 =	smov.u32 s0;
	v5 =	vld [tilespmem:s0+$0x80];
	(erf) = vpow2.f32 v7;
	s0 =	simm.s32 $0x8  }
0x45: {  	v7 =	vmul.f32 $2.000000030e-01, v3;
	s0 =	simm.s32 @!p1 $0x0  }
0x46: {  	vm0 =	vge.f32 v3, $0.0e+00;
	v6 =	vmov s0  }
0x47: {  	v4 =	vperm.xlane v4, v1;
	_ =	sdelay $0x1  }
0x48: {  	v4 =	vadd.f32 v4, v5;
	_ =	sdelay $0x1  }
0x49: {  	v5 =	vmul.f32 $2.000000030e-01, v4  }
0x4a: {  	v3 =	vsel vm0, v3, v7;
	vm11 =	vge.f32 v4, $0.0e+00  }
0x4b: {  	v3 =	vmul.f32 $1.442695020e+00, v3;
	v4 =	vsel vm11, v4, v5  }
0x4c: {  	v4 =	vmul.f32 $1.442695020e+00, v4  }
0x4d: {  	(erf) = vpow2.f32 v3  }
0x4e: {  	(erf) = vpow2.f32 v4;
	_ =	sdelay $0x2  }
0x4f: {  	s0 =	sadd.s32 $0x1, s30;
	s30 =	simm.s32 $0x8  }
0x50: {  	s31 =	simm.s32 $0x8;
	p0 =	slt.u32 s0, $0x29810;
	s0 =	sadd.s32 $0x1, s0  }
0x51: {  	s30 =	simm.s32 @!p0 $0x0;
	p0 =	slt.u32 s0, $0x29810;
	s0 =	sadd.s32 $0x1, s0  }
0x52: {  	v58 =	vpop (erf);
	vm12 =	vgt.u32 v6, v2;
	v3 =	vmov s30;
	s31 =	simm.s32 @!p0 $0x0;
	p0 =	slt.u32 s0, $0x29810;
	s0 =	simm.s32 $0x8  }
0x53: {  	v59 =	vmov s31;
	vm13 =	vgt.u32 v3, v2;
	s0 =	simm.s32 @!p0 $0x0;
	v60 =	vpop (erf);
	v4 =	vnsel vm12, $0x0, v58  }
0x54: {  	vm14 =	vgt.u32 v59, v2;
	v62 =	vmov s0;
	v3 =	vnsel vm13, $0x0, v60;
	[tilespmem:s26+$0x880] =	vst v4;
	v61 =	vpop (erf)  }
0x55: {  	vm15 =	vgt.u32 v62, v2;
	[tilespmem:s25+$0x880] =	vst v3;
	v3 =	vnsel vm14, $0x0, v61;
	v63 =	vpop (erf)  }
0x56: {  	s31 =	sshll.u32 s24, $0x1;
	[tilespmem:s28+$0x880] =	vst v3;
	v3 =	vnsel vm15, $0x0, v63  }
0x57: {  	s0 =	sadd.s32 s7, s31;
	[tilespmem:s29+$0x880] =	vst v3  }
0x58: {  	[hbm4b:s0+s2] =	stream.linear.scatter [tilespmem:s19], [sflag:$0x2], $0x400, $0x38;
	[tilespmem:$0x5C80] =	vst v63  }
0x59: {  	s23 =	sadd.s32 $0x1, s23;
	_ =	swait.ge [sflag:s14], $0x400  }
0x5a: {  	p0 =	sne.s32 s23, $0x54;
	[sflag:s14] =	ssyncset.done $0x0  }
.Ltmp2:
0x5b: {  	[sflag:s14] =	ssyncadd.s32 $0xFFFFFC00;
	(pc) =	sbr.rel @p0 .LBB2_4-.Ltmp2, $4  }
0x5c: {  	[spmem:s1] =	stream.indirect.scatter.add.f32 [tilespmem:s19], [sflag:$0x2], $0x10, s15, s15, $0xb8;
	[tilespmem:$0x5C80] =	vst v63  }
0x5d: {  	_ =	swait.ge [sflag:s14], $0x400  }
0x5e: {  	[sflag:s14] =	ssyncset.done $0x0  }
0x5f: {  	s22 =	sadd.s32 $0x40, s22;
	[sflag:s14] =	ssyncadd.s32 $0xFFFFFC00  }
0x60: {  	s20 =	sadd.s32 $0x1, s20  }
0x61: {  	s0 =	sshll.u32 s4, $0x6;
	[bflag:$0x0] =	sbarrier.arrive $0xFFFF;
	p0 =	sne.s32 s20, s10  }
.Ltmp3:
0x62: {  	s21 =	sshrl.u32 s8, $0x3;
	s0 =	sor.u32 $0x1C02, s0;
	(pc) =	sbr.rel @p0 .LBB2_1-.Ltmp3, $4  }
0x63: {  	[hbm:s11], [sflag:s0] =	dma.local [spmem:s21], $0x500  }
0x64: {  	_ =	swait.ge [sflag:s14], $0x500  }
0x65: {  	[sflag:s14] =	ssyncset.done $0x0  }
0x66: {  	[sflag:s14] =	ssyncadd.s32 $0xFFFFFB00  }
0x67: {  	_ =	sfence.sel $0x180000  }
0x68: {  	[bflag:$0x0] =	sbarrier.arrive $0xFFFF  }
0x69: {  	_ =	strace $0x90000047  }
0x6a: {  	[bflag:$0x2] =	sbarrier.arrive $0xFFFF  }
0x6b: {  	p0 =	sne.s32 s4, $0x0;
	s0 =	rddreg [dreg:$0x2]  }
0x6c: {  	s0 =	sadd.s32 @!p0 $0x100000, s0  }
0x6d: {  	[sflag:s0] =	ssyncadd.tile.s32 @!p0 $0x1;
	_ =	shalt  }
.Lfunc_end2:
_tile_overlayer_lowered:
.L_overlay_start_2:
0x6e: {  	(tag) =	ssettag $0x2  }
0x6f: {  	s0 =	rddreg [dreg:$0x0];
	s2 =	stileid.u32  }
0x70: {  	s1 =	rddreg [dreg:$0x1];
	p0 =	sne.s32 s2, $0x0  }
0x71: {  	s3 =	rddreg [dreg:$0x2];
	[bflag:$0x3] =	sbarrier.arrive $0xFFFF;
	s2 =	simm.s32 @!p0 $0x1C02  }
0x72: {  	[timem:s3], [sflag:s2] =	dma.local @!p0 [hbm:s0], s1  }
0x73: {  	s0 =	simm.s32 @!p0 $0x2  }
0x74: {  	_ =	swait.ge @!p0 [sflag:s0], s1  }
0x75: {  	s1 =	ssub.s32 @!p0 $0x0, s1;
	[sflag:s0] =	ssyncset.done @!p0 $0x0  }
0x76: {  	[sflag:s0] =	ssyncadd.s32 @!p0 s1  }
0x77: {  	[bflag:$0x3] =	sbarrier.arrive $0xFFFF  }
0x78: {  	_ =	shalt  }

// kernel: closed_call.18.cloned.1.call-start
scs
__scs_entry_jumppad:
0x0: {  	(pc) =	sbr.rel $0x88, $3  }
0x1: {  	(tag) =	ssettag $0x0;
	lr =	simm.s32 $0x1  }
0x2: {  	[smem:$0x3F93] =	sst lr;
	_ =	strace $0xD0000000  }
0x3: {  	_ = 	snop  }
0x4: {  	_ = 	snop  }
0x5: {  	_ = 	snop  }
0x6: {  	_ = 	snop  }
0x7: {  	_ = 	snop  }
__scs_overlays_trampoline_lowered:
0x8: {  	[smem:$0x3FA2] =	sst s0  }
0x9: {  	[smem:$0x3FA3] =	sst s1  }
0xa: {  	[smem:$0x3FA4] =	sst s2  }
0xb: {  	[smem:$0x3FA5] =	sst s3  }
0xc: {  	[smem:$0x3FA6] =	sst s4  }
0xd: {  	[smem:$0x3FA7] =	sst s5  }
0xe: {  	[smem:$0x3FA8] =	sst s6  }
0xf: {  	[smem:$0x3FA9] =	sst s7  }
0x10: {  	[smem:$0x3FAA] =	sst s8  }
0x11: {  	[smem:$0x3FAB] =	sst s9;
	s0 =	simm.s32 @!p0 $0x0  }
0x12: {  	s1 =	sld [smem:$0x3F91];
	s0 =	simm.s32 @p0 $0x1  }
0x13: {  	[smem:$0x3FAC] =	sst s0;
	s0 =	simm.s32 @!p1 $0x0  }
0x14: {  	s2 =	sld [smem:$0x3F90];
	s0 =	simm.s32 @p1 $0x1  }
0x15: {  	[smem:$0x3FAD] =	sst s0;
	s0 =	simm.s32 @!p2 $0x0  }
0x16: {  	s3 =	sld [smem:$0x3FDB];
	s0 =	simm.s32 @p2 $0x1  }
0x17: {  	s4 =	simm.s32 $0x1BF5;
	[smem:$0x3FAF] =	sst s0  }
0x18: {  	s0 =	sld [smem:$0x3F92];
	_ =	swait.ge [sflag:s4], $0x0  }
0x19: {  	s7 =	sld [smem:$0x3F93]  }
0x1a: {  	s8 =	sadd.s32 $0xFFFFE003, lr  }
0x1b: {  	s9 =	sadd.s32 $0xFFFFFEF7, lr;
	s5 =	simm.s32 $0xFFFFFFFF;
	p2 =	slt.u32 s8, $0xFFFFF086  }
0x1c: {  	p1 =	slt.u32 s9, $0xF7A;
	s5 =	simm.s32 @!p2 $0x0  }
0x1d: {  	s5 =	simm.s32 @p1 $0x1;
	p0 =	seq.s32 s7, s2  }
0x1e: {  	s7 =	smul.u32 @!p0 $0xF7A, s2;
	p2 =	seq.s32 @!p0 s5, $0x0  }
0x1f: {  	s9 =	smul.u32 $0xF7A, s1;
	s8 =	simm.s32 @!p0 $0x1BF5;
	p2 =	por !p2, p0  }
0x20: {  	[sflag:s8] =	ssyncset.s32 @!p0 $0xFFFFF086;
	s6 =	sadd.s32 @!p0 s3, s7;
	s7 =	simm.s32 @!p0 $0x108  }
0x21: {  	s3 =	sadd.s32 s3, s9;
	s6 =	sadd.s32 @!p0 $0x88, s6;
	s7 =	simm.s32 @p2 $0x1082  }
0x22: {  	[simem:s7], [sflag:s8] =	dma.local @!p0 [hbm:s6], $0xF7A  }
0x23: {  	s9 =	sor.u32 $0xD0000000, s2;
	s6 =	simm.s32 $0x108;
	_ =	swait.ge @!p0 [sflag:s8], $0x0  }
0x24: {  	s3 =	sadd.s32 $0x88, s3;
	s6 =	simm.s32 @!p1 $0x1082;
	[sflag:s4] =	ssyncset.s32 $0xFFFFF086  }
0x25: {  	[simem:s6], [sflag:s4] =	dma.local [hbm:s3], $0xF7A  }
0x26: {  	[smem:$0x3F93] =	sst s1;
	(tag) =	ssettag s2;
	_ =	strace s9  }
0x27: {  	s1 =	sld [smem:$0x3FA3]  }
0x28: {  	s2 =	sld [smem:$0x3FA4]  }
0x29: {  	s4 =	sld [smem:$0x3FA6]  }
0x2a: {  	p0 =	seq.s32 s5, $0x0;
	s5 =	sld [smem:$0x3FA7]  }
0x2b: {  	s6 =	sld [smem:$0x3FA8]  }
0x2c: {  	s7 =	sld [smem:$0x3FA9]  }
0x2d: {  	s3 =	simm.s32 $0x108;
	s8 =	sld [smem:$0x3FAA]  }
0x2e: {  	s3 =	simm.s32 @!p0 $0x1082;
	s9 =	sld [smem:$0x3FAB]  }
0x2f: {  	lr =	sadd.s32 s0, s3;
	s0 =	sld [smem:$0x3FA2]  }
0x30: {  	s3 =	sld [smem:$0x3FA5]  }
0x31: {  	[smem:$0x3FAE] =	sst s10  }
0x32: {  	s10 =	sld [smem:$0x3FAC];
	_ =	sdelay $0x3  }
0x33: {  	p0 =	seq.s32 s10, $0x1;
	s10 =	sld [smem:$0x3FAE];
	_ =	sdelay $0x3  }
0x34: {  	[smem:$0x3FAE] =	sst s10  }
0x35: {  	s10 =	sld [smem:$0x3FAD];
	_ =	sdelay $0x3  }
0x36: {  	p1 =	seq.s32 s10, $0x1;
	s10 =	sld [smem:$0x3FAE];
	_ =	sdelay $0x3  }
0x37: {  	[smem:$0x3FAE] =	sst s10  }
0x38: {  	s10 =	sld [smem:$0x3FAF]  }
0x39: {  	_ = 	snop;
	(pc) =	sbr.ind lr, $3  }
0x3a: {  	_ = 	snop  }
0x3b: {  	_ = 	snop  }
0x3c: {  	p2 =	seq.s32 s10, $0x1;
	s10 =	sld [smem:$0x3FAE]  }
0x3d: {  	_ =	shalt  }
0x3e: {  	_ =	shalt  }
0x3f: {  	_ =	shalt  }
0x40: {  	_ =	shalt  }
0x41: {  	_ =	shalt  }
0x42: {  	_ =	shalt  }
0x43: {  	_ =	shalt  }
0x44: {  	_ =	shalt  }
0x45: {  	_ =	shalt  }
0x46: {  	_ =	shalt  }
0x47: {  	_ =	shalt  }
0x48: {  	_ =	shalt  }
0x49: {  	_ =	shalt  }
0x4a: {  	_ =	shalt  }
0x4b: {  	_ =	shalt  }
0x4c: {  	_ =	shalt  }
0x4d: {  	_ =	shalt  }
0x4e: {  	_ =	shalt  }
0x4f: {  	_ =	shalt  }
0x50: {  	_ =	shalt  }
0x51: {  	_ =	shalt  }
0x52: {  	_ =	shalt  }
0x53: {  	_ =	shalt  }
0x54: {  	_ =	shalt  }
0x55: {  	_ =	shalt  }
0x56: {  	_ =	shalt  }
0x57: {  	_ =	shalt  }
0x58: {  	_ =	shalt  }
0x59: {  	_ =	shalt  }
0x5a: {  	_ =	shalt  }
0x5b: {  	_ =	shalt  }
0x5c: {  	_ =	shalt  }
0x5d: {  	_ =	shalt  }
0x5e: {  	_ =	shalt  }
0x5f: {  	_ =	shalt  }
0x60: {  	_ =	shalt  }
0x61: {  	_ =	shalt  }
0x62: {  	_ =	shalt  }
0x63: {  	_ =	shalt  }
0x64: {  	_ =	shalt  }
0x65: {  	_ =	shalt  }
0x66: {  	_ =	shalt  }
0x67: {  	_ =	shalt  }
0x68: {  	_ =	shalt  }
0x69: {  	_ =	shalt  }
0x6a: {  	_ =	shalt  }
0x6b: {  	_ =	shalt  }
0x6c: {  	_ =	shalt  }
0x6d: {  	_ =	shalt  }
0x6e: {  	_ =	shalt  }
0x6f: {  	_ =	shalt  }
0x70: {  	_ =	shalt  }
0x71: {  	_ =	shalt  }
0x72: {  	_ =	shalt  }
0x73: {  	_ =	shalt  }
0x74: {  	_ =	shalt  }
0x75: {  	_ =	shalt  }
0x76: {  	_ =	shalt  }
0x77: {  	_ =	shalt  }
0x78: {  	_ =	shalt  }
0x79: {  	_ =	shalt  }
0x7a: {  	_ =	shalt  }
0x7b: {  	_ =	shalt  }
0x7c: {  	_ =	shalt  }
0x7d: {  	_ =	shalt  }
0x7e: {  	_ =	shalt  }
0x7f: {  	_ =	shalt  }
0x80: {  	_ =	shalt  }
0x81: {  	_ =	shalt  }
0x82: {  	_ =	shalt  }
0x83: {  	_ =	shalt  }
0x84: {  	_ =	shalt  }
0x85: {  	_ =	shalt  }
0x86: {  	_ =	shalt  }
0x87: {  	_ =	shalt  }
.Lfunc_end0:
.L_simem_size_0:
called_computation.1_lowered:
.L_overlay_start_0:
0x88: {  	s2 =	sld [smem:$0x3FD9]  }
0x89: {  	s3 =	sld [smem:$0x3FFE];
	_ =	sdelay $0x1  }
0x8a: {  	s1 =	srdreg.scid  }
0x8b: {  	s0 =	sand.u32 $0x1, s1  }
0x8c: {  	s16 =	sshll.u32 s0, $0xA;
	s2 =	sadd.s32 s3, s2  }
0x8d: {  	s2 =	sadd.s32 s2, s16  }
0x8e: {  	[smem:$0x3FBA] =	sst s2  }
0x8f: {  	_ = 	snop  }
0x90: {  	(tm) =	ssettm $0x1  }
0x91: {  	s17 =	sld [smem:$0x3FFB];
	_ =	sdelay $0x3  }
0x92: {  	_ =	strace s17  }
0x93: {  	s2 =	sld [smem:$0x3FFC];
	_ =	sdelay $0x3  }
0x94: {  	_ =	strace s2  }
0x95: {  	s2 =	sld [smem:$0x3FFD];
	_ =	sdelay $0x3  }
0x96: {  	_ =	strace s2  }
0x97: {  	_ =	strace $0x8FFFFFFF  }
0x98: {  	s18 =	sld [smem:$0x3FDB];
	_ =	sdelay $0x1  }
0x99: {  	s19 =	simm.s32 $_scs_section_size  }
0x9a: {  	s4 =	simm.s32 $_size__tile_overlayer_lowered;
	s5 =	simm.s32 $_tile_overlayer_lowered  }
0x9b: {  	s22 =	simm.s32 $0x1BFF;
	s21 =	sshll.u32 s5, $0x1;
	s2 =	sadd.s32 s19, s18  }
0x9c: {  	s6 =	simm.s32 $0x0;
	s20 =	sshll.u32 s4, $0x1;
	s4 =	sadd.s32 s21, s2  }
0x9d: {  	[timem:s6], [sflag:s22] =	dma.local [hbm:s4], s20  }
0x9e: {  	_ =	swait.ge [sflag:s22], s20  }
0x9f: {  	s3 =	ssub.s32 $0x0, s20;
	[sflag:s22] =	ssyncset.done $0x0  }
0xa0: {  	[sflag:s22] =	ssyncadd.s32 s3;
	_ =	sdelay $0x1  }
0xa1: {  	s23 =	simm.s32 $0x1B8B  }
0xa2: {  	_ =	swait.ge [sflag:s23], $0x1  }
0xa3: {  	[sflag:s23] =	ssyncset.done $0x0  }
0xa4: {  	s25 =	simm.s32 $0x1B8E;
	s24 =	sld [smem:$0x3FFE];
	[sflag:s23] =	ssyncadd.s32 $0xFFFFFFFF  }
0xa5: {  	s26 =	simm.s32 $execute0_lowered;
	[smem:$0x3FD2] =	sst s25  }
0xa6: {  	s4 =	sshll.u32 s26, $0x1;
	_ =	strace $0x80000049;
	[dreg:$0x1] =	wrdreg $0xFFFFFFFF  }
0xa7: {  	s28 =	simm.s32 $_size_execute0_lowered;
	s2 =	sadd.s32 s2, s4;
	[dreg:$0x0] =	wrdreg $0x0  }
0xa8: {  	s4 =	sshll.u32 s28, $0x1;
	[dreg:$0x2] =	wrdreg s2  }
0xa9: {  	[dreg:$0x3] =	wrdreg s4  }
0xaa: {  	[dreg:$0x4] =	wrdreg $0xC0  }
0xab: {  	_ =	task [dreg:s6], $0x5FFFF  }
0xac: {  	[dreg:$0x1] =	wrdreg $0xFFFFFFFF  }
0xad: {  	[dreg:$0x0] =	wrdreg $0x60  }
0xae: {  	[dreg:$0x2] =	wrdreg s24  }
0xaf: {  	[dreg:$0x3] =	wrdreg $0xC0800  }
0xb0: {  	[dreg:$0x4] =	wrdreg $0x9  }
0xb1: {  	_ =	task.clear_ibuf [dreg:s6], $0x5FFFF;
	_ =	strace $0x90000049  }
0xb2: {  	s29 =	simm.s32 $0x9;
	_ =	strace $0x8000004B  }
0xb3: {  	_ =	swait.ge [sflag:s29], $0x1  }
0xb4: {  	[sflag:s29] =	ssyncadd.s32 $0xFFFFFFFF  }
0xb5: {  	_ =	strace $0x9000004B  }
0xb6: {  	_ =	sfence  }
0xb7: {  	s30 =	sld [smem:$0x0];
	_ =	sdelay $0x2  }
0xb8: {  	s31 =	sshll.u32 s1, $0xD;
	s1 =	sshrl.u32 s1, $0x2  }
0xb9: {  	s3 =	sand.u32 $0x4000, s31;
	s1 =	sadd.s32 s1, s30  }
0xba: {  	s0 =	sor.u32 s3, s0;
	s1 =	sshll.u32 s1, $0x11  }
0xbb: {  	s0 =	sor.u32 s1, s0  }
0xbc: {  	s0 =	sadd.s32 $0x8F2B, s0  }
0xbd: {  	[sflag:s0] =	ssyncadd.remote.s32 $0x1  }
0xbe: {  	_ =	sfence.sel $0xFFFF  }
0xbf: {  	[dreg:$0x0] =	wrdreg $0xFFFFFFFF;
	(pc) =	sbr.abs _section_cstart, $3  }
0xc0: {  	[dreg:$0x1] =	wrdreg $0xFFFFFFFF  }
0xc1: {  	_ =	task.clear_ibuf [dreg:s6], $0x2FFFF;
	_ =	strace $0x9FFFFFFF  }
0xc2: {  	(tm) =	ssettm $0x7FFFFFFF  }
0xc3: {  	_ =	shalt  }
tec
execute0_lowered:
.L_overlay_start_1:
0x0: {  	(tag) =	ssettag $0x1  }
0x1: {  	s0 =	rddreg [dreg:$0x0]  }
0x2: {  	s1 =	rddreg [dreg:$0x1]  }
0x3: {  	s2 =	simm.s32 $0x0;
	s11 =	srdreg.scid;
	s16 =	stileid.u32  }
0x4: {  	s21 =	simm.s32 $0x2;
	s28 =	simm.s32 $0x880;
	s29 =	simm.s32 $0x9080  }
0x5: {  	[smem:$0x7FF] =	sst s2;
	s3 =	sadd.s32 $0x4800, s0;
	s5 =	sadd.s32 $0x14C800, s0  }
0x6: {  	s22 =	simm.s32 $0x40;
	s6 =	sadd.s32 $0x1A0800, s0;
	s7 =	sadd.s32 $0x1A5800, s0  }
0x7: {  	s4 =	sadd.s32 $0x9C00, s0;
	s8 =	sadd.s32 $0x1AA800, s0;
	s10 =	sadd.s32 $0xF000, s0  }
0x8: {  	s9 =	sadd.s32 $0xAB400, s0;
	s12 =	sadd.s32 $0xBF400, s0;
	s13 =	sand.u32 $0x1, s11  }
0x9: {  	s17 =	sadd.s32 $0xD3400, s0;
	s14 =	smul.u32 $0x28000, s16;
	s0 =	sadd.s32 $0xE7400, s0  }
0xa: {  	s18 =	smul.u32 $0xA000, s16;
	_ =	strace $0x8000004A;
	s11 =	ssub.s32 $0x2, s13  }
0xb: {  	s23 =	sshll.u32 s13, $0x4;
	p0 =	seq.s32 s13, $0x0;
	s15 =	sshrl.u32 s11, $0x1  }
0xc: {  	s14 =	sshrl.u32 s14, $0x2;
	s16 =	sor.u32 s16, s23;
	s26 =	sshrl.u32 s18, $0x3  }
0xd: {  	s12 =	smov.u32 @p0 s9;
	s0 =	smov.u32 @p0 s17;
	s23 =	simm.s32 $0x80  }
0xe: {  	s19 =	ssub.s32 s11, s15;
	s11 =	sadd.s32 s18, s1;
	s31 =	sadd.s32 s12, s26  }
0xf: {  	s24 =	sadd.s32 s14, s1;
	s0 =	sadd.s32 s0, s26;
	[dreg:$0x7] =	wrdreg s31  }
0x10: {  	s16 =	smul.u32 $0x1500, s16;
	s20 =	sadd.s32 $0x4000, s24;
	[dreg:$0x8] =	wrdreg s0  }
0x11: {  	s26 =	simm.s32 $0x480;
	s25 =	sadd.s32 $0x6000, s24;
	[dreg:$0x3] =	wrdreg s20  }
0x12: {  	v0 =	vimm.f32 $0.0e+00;
	v1 =	vimm.s32 $0x0;
	v2 =	vimm.s32 $0x1;
	s14 =	sadd.s32 $0x2000, s24;
	s15 =	sadd.s32 $0x8000, s24;
	[dreg:$0x4] =	wrdreg s25  }
0x13: {  	v3 =	vimm.s32 $0x2;
	v4 =	vimm.s32 $0x3;
	v5 =	vimm.s32 $0x4;
	s30 =	smax.u32 s19, $0x1;
	s24 =	simm.s32 $0x1080;
	[dreg:$0x5] =	wrdreg s15  }
0x14: {  	v6 =	vimm.s32 $0x5;
	v7 =	vimm.s32 $0x6;
	v8 =	vimm.s32 $0x7;
	[dreg:$0x6] =	wrdreg s30;
	s20 =	simm.s32 $0xA080;
	s25 =	simm.s32 $0x1  }
.LBB2_1:
0x15: {  	s9 =	simm.s32 $0x100;
	s0 =	simm.s32 $0x0  }
.LBB2_2:
0x16: {  	p0 =	sne.s32 s9, $0x7F00;
	[tilespmem:s0+$0xA0B0] =	vst v0;
	s12 =	smov.u32 s9;
	s9 =	sadd.s32 $0x100, s9  }
.Ltmp0:
0x17: {  	[tilespmem:s0+$0xA0A0] =	vst v0;
	(pc) =	sbr.rel @p0 .LBB2_2-.Ltmp0, $3  }
0x18: {  	[tilespmem:s0+$0xA080] =	vst v0  }
0x19: {  	[tilespmem:s0+$0xA090] =	vst v0;
	_ =	sdelay $0x1  }
0x1a: {  	s0 =	sshra.s32 s12, $0x2  }
0x1b: {  	[tilespmem:s0+$0xA0B0] =	vst v0  }
0x1c: {  	[tilespmem:s0+$0xA0A0] =	vst v0  }
0x1d: {  	[tilespmem:s0+$0xA080] =	vst v0  }
0x1e: {  	[tilespmem:s0+$0xA090] =	vst v0  }
0x1f: {  	[spmem:s11] =	stream.linear.scatter [tilespmem:s20], [sflag:$0x2], $0x2000, $0x38;
	[tilespmem:$0x16080] =	vst v63  }
0x20: {  	_ =	swait.ge [sflag:s21], $0x2000  }
0x21: {  	[sflag:s21] =	ssyncset.done $0x0  }
0x22: {  	[sflag:s21] =	ssyncadd.s32 $0xFFFFE000  }
0x23: {  	[spmem:s14] =	stream.linear.scatter [tilespmem:s20], [sflag:$0x2], $0x2000, $0x38;
	[tilespmem:$0x16080] =	vst v63  }
0x24: {  	_ =	swait.ge [sflag:s21], $0x2000  }
0x25: {  	[sflag:s21] =	ssyncset.done $0x0  }
0x26: {  	s18 =	rddreg [dreg:$0x3];
	[sflag:s21] =	ssyncadd.s32 $0xFFFFE000  }
0x27: {  	[spmem:s18] =	stream.linear.scatter [tilespmem:s20], [sflag:$0x2], $0x2000, $0x38;
	[tilespmem:$0x16080] =	vst v63  }
0x28: {  	_ =	swait.ge [sflag:s21], $0x2000  }
0x29: {  	[sflag:s21] =	ssyncset.done $0x0  }
0x2a: {  	s19 =	rddreg [dreg:$0x4];
	[sflag:s21] =	ssyncadd.s32 $0xFFFFE000  }
0x2b: {  	[spmem:s19] =	stream.linear.scatter [tilespmem:s20], [sflag:$0x2], $0x2000, $0x38;
	[tilespmem:$0x16080] =	vst v63  }
0x2c: {  	_ =	swait.ge [sflag:s21], $0x2000  }
0x2d: {  	[sflag:s21] =	ssyncset.done $0x0  }
0x2e: {  	s31 =	rddreg [dreg:$0x5];
	[sflag:s21] =	ssyncadd.s32 $0xFFFFE000  }
0x2f: {  	[spmem:s31] =	stream.linear.scatter [tilespmem:s20], [sflag:$0x2], $0x2000, $0x38;
	[tilespmem:$0x16080] =	vst v63  }
0x30: {  	_ =	swait.ge [sflag:s21], $0x2000  }
0x31: {  	[sflag:s21] =	ssyncset.done $0x0  }
0x32: {  	[sflag:s21] =	ssyncadd.s32 $0xFFFFE000  }
0x33: {  	s30 =	simm.s32 $0x0;
	s0 =	simm.s32 $0x0;
	[bflag:$0x0] =	sbarrier.arrive $0xFFFF  }
.LBB2_4:
0x34: {  	s9 =	sshll.u32 s0, $0x6  }
0x35: {  	s9 =	sadd.s32 s16, s9  }
0x36: {  	s12 =	sshrl.u32 s9, $0x3  }
0x37: {  	s13 =	sadd.s32 s3, s12  }
0x38: {  	[tilespmem:s30], [sflag:$0x2] =	stream.linear.gather [hbm4b:s13+s30], $0x40, $0x38;
	[tilespmem:$0x16080] =	vst v63  }
0x39: {  	_ =	swait.ge [sflag:s21], $0x40  }
0x3a: {  	[sflag:s21] =	ssyncset.done $0x0  }
0x3b: {  	s12 =	sadd.s32 s4, s12;
	[sflag:s21] =	ssyncadd.s32 $0xFFFFFFC0  }
0x3c: {  	[tilespmem:s22], [sflag:$0x2] =	stream.linear.gather [hbm4b:s12+s30], $0x40, $0x38;
	[tilespmem:$0x16080] =	vst v63  }
0x3d: {  	_ =	swait.ge [sflag:s21], $0x40  }
0x3e: {  	s9 =	sshll.u32 s9, $0x1;
	[sflag:s21] =	ssyncset.done $0x0  }
0x3f: {  	s9 =	sadd.s32 s5, s9;
	[sflag:s21] =	ssyncadd.s32 $0xFFFFFFC0  }
0x40: {  	[tilespmem:s23], [sflag:$0x2] =	stream.linear.gather [hbm4b:s9+s30], $0x400, $0x38;
	[tilespmem:$0x16080] =	vst v63  }
0x41: {  	_ =	swait.ge [sflag:s21], $0x400  }
0x42: {  	[sflag:s21] =	ssyncset.done $0x0  }
0x43: {  	[sflag:s21] =	ssyncadd.s32 $0xFFFFFC00  }
0x44: {  	[tilespmem:s24], [sflag:$0x1] =	stream.indirect.gather [hbm4b:s8+s22], $0x200, s30, s22, $0xb8;
	[tilespmem:$0x16080] =	vst v63  }
0x45: {  	_ =	swait.ge [sflag:s25], $0x8000  }
0x46: {  	[sflag:s25] =	ssyncset.done $0x0  }
0x47: {  	[sflag:s25] =	ssyncadd.s32 $0xFFFF8000  }
0x48: {  	[tilespmem:s26], [sflag:$0x1] =	stream.indirect.gather [hbm4b:s6+s22], $0x10, s22, s22, $0xb8;
	[tilespmem:$0x16080] =	vst v63  }
0x49: {  	_ =	swait.ge [sflag:s25], $0x400  }
0x4a: {  	[sflag:s25] =	ssyncset.done $0x0  }
0x4b: {  	[sflag:s25] =	ssyncadd.s32 $0xFFFFFC00  }
0x4c: {  	[tilespmem:s28], [sflag:$0x1] =	stream.indirect.gather [hbm4b:s7+s22], $0x10, s22, s22, $0xb8;
	[tilespmem:$0x16080] =	vst v63  }
0x4d: {  	_ =	swait.ge [sflag:s25], $0x400  }
0x4e: {  	[sflag:s25] =	ssyncset.done $0x0  }
0x4f: {  	s17 =	simm.s32 $0x0;
	[sflag:s25] =	ssyncadd.s32 $0xFFFFFC00  }
0x50: {  	v9 =	vld [tilespmem:s17+$0x480]  }
0x51: {  	v10 =	vld [tilespmem:s17+$0x880];
	_ =	sdelay $0x4  }
0x52: {  	v9 =	vadd.f32 v10, v9;
	_ =	sdelay $0x1  }
0x53: {  	s12 =	simm.s32 $0x10;
	v9 =	vadd.f32 $1.000000020e-16, v9  }
0x54: {  	v10 =	vld [tilespmem:s12+$0x480]  }
0x55: {  	s9 =	simm.s32 $0x20;
	(erf) = vrcp.f32 v9;
	v9 =	vld [tilespmem:s12+$0x880]  }
0x56: {  	v11 =	vld [tilespmem:s9+$0x480]  }
0x57: {  	v12 =	vld [tilespmem:s9+$0x880];
	_ =	sdelay $0x2  }
0x58: {  	v9 =	vadd.f32 v9, v10;
	_ =	sdelay $0x1  }
0x59: {  	v10 =	vadd.f32 v12, v11;
	v11 =	vadd.f32 $1.000000020e-16, v9  }
0x5a: {  	v13 =	vld [tilespmem:s17+$0x80]  }
0x5b: {  	v12 =	vpop (erf);
	(erf) = vrcp.f32 v11  }
0x5c: {  	s18 =	simm.s32 $0x30;
	v14 =	vadd.f32 $1.000000020e-16, v10  }
0x5d: {  	v9 =	vld [tilespmem:s18+$0x480]  }
0x5e: {  	v11 =	vld [tilespmem:s18+$0x880];
	(erf) = vrcp.f32 v14  }
0x5f: {  	v12 =	vmul.f32 v12, v13  }
0x60: {  	v10 =	vld [tilespmem:s12+$0x80]  }
0x61: {  	s19 =	simm.s32 $0x100;
	v12 =	vmul.f32 $1.250000000e-01, v12  }
.LBB2_5:
0x62: {  	s13 =	sshra.s32 s19, $0x2;
	p0 =	sne.s32 s19, $0xFC0  }
.Ltmp1:
0x63: {  	s19 =	sadd.s32 $0x40, s19;
	v13 =	vadd.f32 v11, v9;
	v9 =	vld [tilespmem:s13+$0x480];
	[tilespmem:s17+$0xC80] =	vst v12;
	(pc) =	sbr.rel @p0 .LBB2_5-.Ltmp1, $4  }
0x64: {  	s17 =	smov.u32 s12;
	s12 =	smov.u32 s9;
	s9 =	smov.u32 s18;
	v11 =	vld [tilespmem:s13+$0x880];
	v12 =	vpop (erf)  }
0x65: {  	s18 =	smov.u32 s13;
	v13 =	vadd.f32 $1.000000020e-16, v13;
	v12 =	vmul.f32 v12, v10  }
0x66: {  	v10 =	vld [tilespmem:s12+$0x80]  }
0x67: {  	(erf) = vrcp.f32 v13;
	v12 =	vmul.f32 $1.250000000e-01, v12  }
0x68: {  	_ = 	snop  }
0x69: {  	v9 =	vadd.f32 v11, v9;
	_ =	sdelay $0x1  }
0x6a: {  	v9 =	vadd.f32 $1.000000020e-16, v9  }
0x6b: {  	v11 =	vpop (erf)  }
0x6c: {  	v10 =	vmul.f32 v11, v10;
	(erf) = vrcp.f32 v9;
	_ =	sdelay $0x1  }
0x6d: {  	v9 =	vmul.f32 $1.250000000e-01, v10  }
0x6e: {  	[tilespmem:s17+$0xC80] =	vst v12  }
0x6f: {  	v10 =	vld [tilespmem:s9+$0x80];
	[tilespmem:s12+$0xC80] =	vst v9  }
0x70: {  	v9 =	vld [tilespmem:s18+$0x80];
	_ =	sdelay $0x2  }
0x71: {  	v11 =	vpop (erf)  }
0x72: {  	v10 =	vmul.f32 v11, v10;
	v11 =	vpop (erf)  }
0x73: {  	v9 =	vmul.f32 v11, v9  }
0x74: {  	v10 =	vmul.f32 $1.250000000e-01, v10  }
0x75: {  	v9 =	vmul.f32 $1.250000000e-01, v9  }
0x76: {  	[tilespmem:s9+$0xC80] =	vst v10  }
0x77: {  	s9 =	simm.s32 $0x1180;
	[tilespmem:s18+$0xC80] =	vst v9  }
0x78: {  	v12 =	vld [tilespmem:s9+$0x0]  }
0x79: {  	v13 =	vld [tilespmem:s9+$0xFFFFFF90]  }
0x7a: {  	v11 =	vld [tilespmem:s9+$0xFFFFFFC0]  }
0x7b: {  	v14 =	vld [tilespmem:s9+$0x40]  }
0x7c: {  	v15 =	vld [tilespmem:s9+$0xFFFFFFA0]  }
0x7d: {  	s31 =	simm.s32 $0x0;
	v16 =	vld [tilespmem:s9+$0xFFFFFFE0]  }
0x7e: {  	v18 =	vld [tilespmem:s31+$0xC80]  }
0x7f: {  	v17 =	vld [tilespmem:s9+$0xFFFFFFF0]  }
0x80: {  	v20 =	vld [tilespmem:s9+$0xFFFFFF00]  }
0x81: {  	v21 =	vld [tilespmem:s9+$0xFFFFFF20]  }
0x82: {  	v22 =	vld [tilespmem:s9+$0xFFFFFF30]  }
0x83: {  	v26 =	vld [tilespmem:s9+$0xFFFFFF80];
	v23 =	vperm.xlane v18, v1;
	v9 =	vperm.xlane v18, v7  }
0x84: {  	v27 =	vld [tilespmem:s9+$0xFFFFFF40];
	v25 =	vperm.xlane v18, v3;
	v10 =	vperm.xlane v18, v6  }
0x85: {  	v24 =	vld [tilespmem:s9+$0xFFFFFF10];
	v28 =	vperm.xlane v18, v4;
	v29 =	vperm.xlane v18, v2  }
0x86: {  	v30 =	vld [tilespmem:s9+$0xFFFFFF60];
	v34 =	vperm.xlane v18, v5;
	v20 =	vmul.f32 v20, v23  }
0x87: {  	v31 =	vld [tilespmem:s9+$0xFFFFFFB0];
	v21 =	vmul.f32 v21, v23;
	v22 =	vmul.f32 v22, v23  }
0x88: {  	v33 =	vld [tilespmem:s9+$0x20];
	v32 =	vmul.f32 v11, v28;
	v26 =	vmul.f32 v26, v25  }
0x89: {  	v19 =	vld [tilespmem:s9+$0xFFFFFFD0];
	v16 =	vmul.f32 v16, v28;
	v27 =	vmul.f32 v27, v29  }
0x8a: {  	v17 =	vmul.f32 v17, v28;
	v11 =	vadd.f32 $0.0e+00, v20;
	v20 =	vmul.f32 v24, v23;
	v23 =	vld [tilespmem:s9+$0xFFFFFF70]  }
0x8b: {  	v30 =	vmul.f32 v30, v29;
	v24 =	vmul.f32 v14, v10;
	v14 =	vadd.f32 $0.0e+00, v21;
	v21 =	vld [tilespmem:s9+$0xFFFFFF50]  }
0x8c: {  	v35 =	vld [tilespmem:s9+$0x30];
	v15 =	vmul.f32 v15, v25;
	v31 =	vmul.f32 v31, v25  }
0x8d: {  	v61 =	vld [tilespmem:s9+$0x80];
	v25 =	vmul.f32 v13, v25;
	v60 =	vmul.f32 v33, v34;
	v27 =	vadd.f32 v27, v11  }
0x8e: {  	v13 =	vld [tilespmem:s9+$0x10];
	v19 =	vmul.f32 v19, v28;
	v22 =	vadd.f32 $0.0e+00, v22;
	v14 =	vadd.f32 v30, v14  }
0x8f: {  	v59 =	vld [tilespmem:s9+$0x60];
	v20 =	vadd.f32 $0.0e+00, v20;
	v26 =	vadd.f32 v26, v27;
	v23 =	vmul.f32 v23, v29  }
0x90: {  	v11 =	vld [tilespmem:s9+$0xB0];
	v27 =	vmul.f32 v12, v34;
	v14 =	vadd.f32 v15, v14;
	v21 =	vmul.f32 v21, v29  }
0x91: {  	v12 =	vperm.xlane v18, v8;
	v18 =	vadd.f32 v32, v26;
	v15 =	vadd.f32 v23, v22;
	v23 =	vld [tilespmem:s9+$0x70]  }
0x92: {  	v63 =	vmul.f32 v61, v9;
	v14 =	vadd.f32 v16, v14;
	v26 =	vld [tilespmem:s9+$0xC0];
	v20 =	vadd.f32 v21, v20  }
0x93: {  	v13 =	vmul.f32 v13, v34;
	v18 =	vadd.f32 v27, v18;
	v16 =	vadd.f32 v31, v15;
	v15 =	vld [tilespmem:s9+$0xA0]  }
0x94: {  	v27 =	vmul.f32 v59, v10;
	v20 =	vadd.f32 v25, v20;
	v25 =	vadd.f32 v60, v14;
	v14 =	vld [tilespmem:s9+$0x50]  }
0x95: {  	v22 =	vmul.f32 v35, v34;
	v24 =	vadd.f32 v24, v18;
	v62 =	vadd.f32 v17, v16;
	v17 =	vld [tilespmem:s9+$0x90]  }
0x96: {  	v18 =	vld [tilespmem:s9+$0xE0];
	v21 =	vadd.f32 v19, v20;
	v16 =	vadd.f32 v27, v25;
	v20 =	vmul.f32 v23, v10  }
0x97: {  	s19 =	simm.s32 $0x40;
	s17 =	simm.s32 $0x90A0;
	s18 =	simm.s32 $0x90A0;
	v19 =	vld [tilespmem:s9+$0xF0];
	v23 =	vadd.f32 v22, v62;
	v22 =	vadd.f32 v63, v24;
	v24 =	vmul.f32 v26, v12  }
.LBB2_7:
0x98: {  	p0 =	sne.s32 s19, $0xFC0;
	v15 =	vmul.f32 v15, v9;
	v25 =	vld [tilespmem:s9+$0xD0];
	s9 =	sadd.s32 $0x200, s9;
	s18 =	sadd.s32 $0x40, s18  }
0x99: {  	v13 =	vadd.f32 v13, v21;
	s12 =	smov.u32 s19;
	s19 =	sadd.s32 $0x40, s19;
	v10 =	vmul.f32 v14, v10;
	v14 =	vadd.f32 v24, v22  }
0x9a: {  	v20 =	vadd.f32 v20, v23;
	v17 =	vmul.f32 v17, v9;
	v9 =	vmul.f32 v11, v9  }
0x9b: {  	v11 =	vadd.f32 v15, v16;
	v10 =	vadd.f32 v10, v13;
	v13 =	vmul.f32 v18, v12;
	[tilespmem:s17+$0xFFFFFFE0] =	vst v14  }
0x9c: {  	v9 =	vadd.f32 v9, v20;
	v14 =	vmul.f32 v19, v12  }
0x9d: {  	v10 =	vadd.f32 v17, v10;
	v12 =	vmul.f32 v25, v12;
	v11 =	vadd.f32 v13, v11  }
0x9e: {  	v9 =	vadd.f32 v14, v9  }
0x9f: {  	v10 =	vadd.f32 v12, v10;
	[tilespmem:s17+$0x0] =	vst v11  }
0xa0: {  	[tilespmem:s17+$0x10] =	vst v9  }
0xa1: {  	[tilespmem:s17+$0xFFFFFFF0] =	vst v10;
	s17 =	smov.u32 s18  }
0xa2: {  	v12 =	vld [tilespmem:s9+$0x0]  }
0xa3: {  	v13 =	vld [tilespmem:s9+$0xFFFFFF90]  }
0xa4: {  	v11 =	vld [tilespmem:s9+$0xFFFFFFC0]  }
0xa5: {  	v14 =	vld [tilespmem:s9+$0x40]  }
0xa6: {  	v15 =	vld [tilespmem:s9+$0xFFFFFFA0]  }
0xa7: {  	v16 =	vld [tilespmem:s9+$0xFFFFFFE0]  }
0xa8: {  	s12 =	sshra.s32 s12, $0x2;
	v17 =	vld [tilespmem:s9+$0xFFFFFFF0]  }
0xa9: {  	v18 =	vld [tilespmem:s12+$0xC80]  }
0xaa: {  	v19 =	vld [tilespmem:s9+$0xFFFFFFD0]  }
0xab: {  	v20 =	vld [tilespmem:s9+$0xFFFFFF00]  }
0xac: {  	v21 =	vld [tilespmem:s9+$0xFFFFFF20]  }
0xad: {  	v22 =	vld [tilespmem:s9+$0xFFFFFF30]  }
0xae: {  	v23 =	vperm.xlane v18, v1;
	v24 =	vld [tilespmem:s9+$0xFFFFFF10];
	v9 =	vperm.xlane v18, v7  }
0xaf: {  	v25 =	vperm.xlane v18, v3;
	v10 =	vperm.xlane v18, v6;
	v26 =	vld [tilespmem:s9+$0xFFFFFF80]  }
0xb0: {  	v28 =	vperm.xlane v18, v4;
	v20 =	vmul.f32 v20, v23;
	v27 =	vld [tilespmem:s9+$0xFFFFFF40]  }
0xb1: {  	v29 =	vperm.xlane v18, v2;
	v21 =	vmul.f32 v21, v23;
	v30 =	vld [tilespmem:s9+$0xFFFFFF60]  }
0xb2: {  	v32 =	vmul.f32 v11, v28;
	v20 =	vadd.f32 $0.0e+00, v20;
	v22 =	vmul.f32 v22, v23;
	v31 =	vld [tilespmem:s9+$0xFFFFFFB0]  }
0xb3: {  	v11 =	vmul.f32 v24, v23;
	v21 =	vadd.f32 $0.0e+00, v21;
	v23 =	vld [tilespmem:s9+$0xFFFFFF70];
	v24 =	vmul.f32 v14, v10  }
0xb4: {  	v16 =	vmul.f32 v16, v28;
	v14 =	vld [tilespmem:s9+$0xFFFFFF50];
	v26 =	vmul.f32 v26, v25  }
0xb5: {  	v17 =	vmul.f32 v17, v28;
	v22 =	vadd.f32 $0.0e+00, v22;
	v27 =	vmul.f32 v27, v29;
	v33 =	vld [tilespmem:s9+$0x20]  }
0xb6: {  	v35 =	vperm.xlane v18, v5;
	v34 =	vadd.f32 $0.0e+00, v11;
	v30 =	vmul.f32 v30, v29;
	v36 =	vld [tilespmem:s9+$0x30]  }
0xb7: {  	v15 =	vmul.f32 v15, v25;
	v20 =	vadd.f32 v27, v20;
	v27 =	vmul.f32 v31, v25;
	v11 =	vld [tilespmem:s9+$0xB0]  }
0xb8: {  	v25 =	vmul.f32 v13, v25;
	v21 =	vadd.f32 v30, v21;
	v23 =	vmul.f32 v23, v29;
	v13 =	vld [tilespmem:s9+$0x10]  }
0xb9: {  	v14 =	vmul.f32 v14, v29;
	v20 =	vadd.f32 v26, v20;
	v26 =	vmul.f32 v12, v35;
	v29 =	vld [tilespmem:s9+$0x60]  }
0xba: {  	v12 =	vperm.xlane v18, v8;
	v15 =	vadd.f32 v15, v21;
	v21 =	vmul.f32 v33, v35;
	v30 =	vld [tilespmem:s9+$0x80]  }
0xbb: {  	v18 =	vadd.f32 v23, v22;
	v20 =	vadd.f32 v32, v20;
	v22 =	vmul.f32 v36, v35;
	v23 =	vld [tilespmem:s9+$0x70]  }
0xbc: {  	v19 =	vmul.f32 v19, v28;
	v14 =	vadd.f32 v14, v34;
	v16 =	vadd.f32 v16, v15;
	v28 =	vld [tilespmem:s9+$0xC0]  }
.Ltmp2:
0xbd: {  	v18 =	vadd.f32 v27, v18;
	v20 =	vadd.f32 v26, v20;
	v13 =	vmul.f32 v13, v35;
	v15 =	vld [tilespmem:s9+$0xA0];
	(pc) =	sbr.rel @p0 .LBB2_7-.Ltmp2, $4  }
0xbe: {  	v25 =	vadd.f32 v25, v14;
	v16 =	vadd.f32 v21, v16;
	v14 =	vld [tilespmem:s9+$0x50];
	v26 =	vmul.f32 v29, v10  }
0xbf: {  	v27 =	vadd.f32 v17, v18;
	v24 =	vadd.f32 v24, v20;
	v29 =	vmul.f32 v30, v9;
	v17 =	vld [tilespmem:s9+$0x90]  }
0xc0: {  	v21 =	vadd.f32 v19, v25;
	v16 =	vadd.f32 v26, v16;
	v20 =	vmul.f32 v23, v10;
	v18 =	vld [tilespmem:s9+$0xE0]  }
0xc1: {  	v23 =	vadd.f32 v22, v27;
	v22 =	vadd.f32 v29, v24;
	v24 =	vmul.f32 v28, v12;
	v19 =	vld [tilespmem:s9+$0xF0]  }
0xc2: {  	v25 =	vld [tilespmem:s9+$0xD0]  }
0xc3: {  	v15 =	vmul.f32 v15, v9;
	v13 =	vadd.f32 v13, v21;
	v10 =	vmul.f32 v14, v10  }
0xc4: {  	v59 =	vadd.f32 v20, v23;
	v17 =	vmul.f32 v17, v9;
	v9 =	vmul.f32 v11, v9  }
0xc5: {  	v11 =	vadd.f32 v15, v16;
	v10 =	vadd.f32 v10, v13;
	v60 =	vmul.f32 v18, v12  }
0xc6: {  	v61 =	vadd.f32 v24, v22;
	v9 =	vadd.f32 v9, v59;
	v62 =	vmul.f32 v19, v12  }
0xc7: {  	v10 =	vadd.f32 v17, v10;
	v63 =	vmul.f32 v25, v12;
	v11 =	vadd.f32 v60, v11  }
0xc8: {  	[tilespmem:s17+$0xFFFFFFE0] =	vst v61;
	v9 =	vadd.f32 v62, v9  }
0xc9: {  	s0 =	sadd.s32 $0x1, s0;
	v10 =	vadd.f32 v63, v10;
	[tilespmem:s17+$0x0] =	vst v11  }
0xca: {  	p0 =	sne.s32 s0, $0x54;
	[tilespmem:s17+$0x10] =	vst v9  }
.Ltmp3:
0xcb: {  	[tilespmem:s17+$0xFFFFFFF0] =	vst v10;
	(pc) =	sbr.rel @p0 .LBB2_4-.Ltmp3, $4  }
0xcc: {  	[spmem:s1] =	stream.indirect.scatter.add.f32 [tilespmem:s29], [sflag:$0x2], $0x40, s22, s22, $0xb8;
	[tilespmem:$0x16080] =	vst v63  }
0xcd: {  	_ =	swait.ge [sflag:s21], $0x1000  }
0xce: {  	[sflag:s21] =	ssyncset.done $0x0  }
0xcf: {  	[sflag:s21] =	ssyncadd.s32 $0xFFFFF000  }
0xd0: {  	s0 =	stileid.u32  }
0xd1: {  	[bflag:$0x0] =	sbarrier.arrive $0xFFFF;
	s0 =	sshll.u32 s0, $0x6  }
0xd2: {  	s31 =	sshrl.u32 s11, $0x3;
	s19 =	rddreg [dreg:$0x7];
	s30 =	sor.u32 $0x1C02, s0  }
0xd3: {  	[hbm:s19], [sflag:s30] =	dma.local [spmem:s31], $0x1400  }
0xd4: {  	_ =	swait.ge [sflag:s21], $0x1400  }
0xd5: {  	[sflag:s21] =	ssyncset.done $0x0  }
0xd6: {  	[sflag:s21] =	ssyncadd.s32 $0xFFFFEC00  }
0xd7: {  	s9 =	simm.s32 $0x100;
	s0 =	simm.s32 $0x0;
	[bflag:$0x0] =	sbarrier.arrive $0xFFFF  }
.LBB2_10:
0xd8: {  	p0 =	sne.s32 s9, $0x7F00;
	[tilespmem:s0+$0xA0B0] =	vst v0;
	s12 =	smov.u32 s9;
	s9 =	sadd.s32 $0x100, s9  }
.Ltmp4:
0xd9: {  	[tilespmem:s0+$0xA0A0] =	vst v0;
	(pc) =	sbr.rel @p0 .LBB2_10-.Ltmp4, $3  }
0xda: {  	[tilespmem:s0+$0xA080] =	vst v0  }
0xdb: {  	[tilespmem:s0+$0xA090] =	vst v0;
	_ =	sdelay $0x1  }
0xdc: {  	s0 =	sshra.s32 s12, $0x2  }
0xdd: {  	[tilespmem:s0+$0xA0B0] =	vst v0  }
0xde: {  	[tilespmem:s0+$0xA0A0] =	vst v0  }
0xdf: {  	[tilespmem:s0+$0xA080] =	vst v0  }
0xe0: {  	[tilespmem:s0+$0xA090] =	vst v0  }
0xe1: {  	[spmem:s11] =	stream.linear.scatter [tilespmem:s20], [sflag:$0x2], $0x2000, $0x38;
	[tilespmem:$0x16080] =	vst v63  }
0xe2: {  	_ =	swait.ge [sflag:s21], $0x2000  }
0xe3: {  	[sflag:s21] =	ssyncset.done $0x0  }
0xe4: {  	[sflag:s21] =	ssyncadd.s32 $0xFFFFE000  }
0xe5: {  	[spmem:s14] =	stream.linear.scatter [tilespmem:s20], [sflag:$0x2], $0x2000, $0x38;
	[tilespmem:$0x16080] =	vst v63  }
0xe6: {  	_ =	swait.ge [sflag:s21], $0x2000  }
0xe7: {  	[sflag:s21] =	ssyncset.done $0x0  }
0xe8: {  	s17 =	rddreg [dreg:$0x3];
	[sflag:s21] =	ssyncadd.s32 $0xFFFFE000  }
0xe9: {  	[spmem:s17] =	stream.linear.scatter [tilespmem:s20], [sflag:$0x2], $0x2000, $0x38;
	[tilespmem:$0x16080] =	vst v63  }
0xea: {  	_ =	swait.ge [sflag:s21], $0x2000  }
0xeb: {  	[sflag:s21] =	ssyncset.done $0x0  }
0xec: {  	s18 =	rddreg [dreg:$0x4];
	[sflag:s21] =	ssyncadd.s32 $0xFFFFE000  }
0xed: {  	[spmem:s18] =	stream.linear.scatter [tilespmem:s20], [sflag:$0x2], $0x2000, $0x38;
	[tilespmem:$0x16080] =	vst v63  }
0xee: {  	_ =	swait.ge [sflag:s21], $0x2000  }
0xef: {  	[sflag:s21] =	ssyncset.done $0x0  }
0xf0: {  	s19 =	rddreg [dreg:$0x5];
	[sflag:s21] =	ssyncadd.s32 $0xFFFFE000  }
0xf1: {  	[spmem:s19] =	stream.linear.scatter [tilespmem:s20], [sflag:$0x2], $0x2000, $0x38;
	[tilespmem:$0x16080] =	vst v63  }
0xf2: {  	_ =	swait.ge [sflag:s21], $0x2000  }
0xf3: {  	[sflag:s21] =	ssyncset.done $0x0  }
0xf4: {  	s15 =	smov.u32 s14;
	[sflag:s21] =	ssyncadd.s32 $0xFFFFE000  }
0xf5: {  	s0 =	simm.s32 $0x0;
	s9 =	simm.s32 $0x0;
	[bflag:$0x0] =	sbarrier.arrive $0xFFFF  }
.LBB2_12:
0xf6: {  	s12 =	sshll.u32 s9, $0x6  }
0xf7: {  	s12 =	sadd.s32 s16, s12  }
0xf8: {  	s13 =	sshrl.u32 s12, $0x3  }
0xf9: {  	s17 =	sadd.s32 s3, s13  }
0xfa: {  	[tilespmem:s0], [sflag:$0x2] =	stream.linear.gather [hbm4b:s17+s0], $0x40, $0x38;
	[tilespmem:$0x16080] =	vst v63  }
0xfb: {  	_ =	swait.ge [sflag:s21], $0x40  }
0xfc: {  	[sflag:s21] =	ssyncset.done $0x0  }
0xfd: {  	s13 =	sadd.s32 s4, s13;
	[sflag:s21] =	ssyncadd.s32 $0xFFFFFFC0  }
0xfe: {  	[tilespmem:s22], [sflag:$0x2] =	stream.linear.gather [hbm4b:s13+s0], $0x40, $0x38;
	[tilespmem:$0x16080] =	vst v63  }
0xff: {  	_ =	swait.ge [sflag:s21], $0x40  }
0x100: {  	s12 =	sshll.u32 s12, $0x1;
	[sflag:s21] =	ssyncset.done $0x0  }
0x101: {  	s12 =	sadd.s32 s5, s12;
	[sflag:s21] =	ssyncadd.s32 $0xFFFFFFC0  }
0x102: {  	[tilespmem:s23], [sflag:$0x2] =	stream.linear.gather [hbm4b:s12+s0], $0x400, $0x38;
	[tilespmem:$0x16080] =	vst v63  }
0x103: {  	_ =	swait.ge [sflag:s21], $0x400  }
0x104: {  	[sflag:s21] =	ssyncset.done $0x0  }
0x105: {  	[sflag:s21] =	ssyncadd.s32 $0xFFFFFC00  }
0x106: {  	[tilespmem:s24], [sflag:$0x1] =	stream.indirect.gather [hbm4b:s10+s22], $0x200, s0, s22, $0xb8;
	[tilespmem:$0x16080] =	vst v63  }
0x107: {  	_ =	swait.ge [sflag:s25], $0x8000  }
0x108: {  	[sflag:s25] =	ssyncset.done $0x0  }
0x109: {  	[sflag:s25] =	ssyncadd.s32 $0xFFFF8000  }
0x10a: {  	[tilespmem:s26], [sflag:$0x1] =	stream.indirect.gather [hbm4b:s6+s22], $0x10, s22, s22, $0xb8;
	[tilespmem:$0x16080] =	vst v63  }
0x10b: {  	_ =	swait.ge [sflag:s25], $0x400  }
0x10c: {  	[sflag:s25] =	ssyncset.done $0x0  }
0x10d: {  	[sflag:s25] =	ssyncadd.s32 $0xFFFFFC00  }
0x10e: {  	[tilespmem:s28], [sflag:$0x1] =	stream.indirect.gather [hbm4b:s7+s22], $0x10, s22, s22, $0xb8;
	[tilespmem:$0x16080] =	vst v63  }
0x10f: {  	_ =	swait.ge [sflag:s25], $0x400  }
0x110: {  	[sflag:s25] =	ssyncset.done $0x0  }
0x111: {  	s18 =	simm.s32 $0x0;
	[sflag:s25] =	ssyncadd.s32 $0xFFFFFC00  }
0x112: {  	v9 =	vld [tilespmem:s18+$0x480]  }
0x113: {  	v10 =	vld [tilespmem:s18+$0x880];
	_ =	sdelay $0x4  }
0x114: {  	v9 =	vadd.f32 v10, v9;
	_ =	sdelay $0x1  }
0x115: {  	s17 =	simm.s32 $0x10;
	v9 =	vadd.f32 $1.000000020e-16, v9  }
0x116: {  	v10 =	vld [tilespmem:s17+$0x480]  }
0x117: {  	s12 =	simm.s32 $0x20;
	(erf) = vrcp.f32 v9;
	v9 =	vld [tilespmem:s17+$0x880]  }
0x118: {  	v11 =	vld [tilespmem:s12+$0x480]  }
0x119: {  	v12 =	vld [tilespmem:s12+$0x880];
	_ =	sdelay $0x2  }
0x11a: {  	v9 =	vadd.f32 v9, v10;
	_ =	sdelay $0x1  }
0x11b: {  	v10 =	vadd.f32 v12, v11;
	v11 =	vadd.f32 $1.000000020e-16, v9  }
0x11c: {  	v13 =	vld [tilespmem:s18+$0x80]  }
0x11d: {  	v12 =	vpop (erf);
	(erf) = vrcp.f32 v11  }
0x11e: {  	s19 =	simm.s32 $0x30;
	v14 =	vadd.f32 $1.000000020e-16, v10  }
0x11f: {  	v9 =	vld [tilespmem:s19+$0x480]  }
0x120: {  	v11 =	vld [tilespmem:s19+$0x880];
	(erf) = vrcp.f32 v14  }
0x121: {  	v12 =	vmul.f32 v12, v13  }
0x122: {  	v10 =	vld [tilespmem:s17+$0x80]  }
0x123: {  	s13 =	simm.s32 $0x100;
	v12 =	vmul.f32 $1.250000000e-01, v12  }
.LBB2_13:
0x124: {  	s14 =	sshra.s32 s13, $0x2;
	p0 =	sne.s32 s13, $0xFC0  }
.Ltmp5:
0x125: {  	s13 =	sadd.s32 $0x40, s13;
	v13 =	vadd.f32 v11, v9;
	v9 =	vld [tilespmem:s14+$0x480];
	[tilespmem:s18+$0xC80] =	vst v12;
	(pc) =	sbr.rel @p0 .LBB2_13-.Ltmp5, $4  }
0x126: {  	s18 =	smov.u32 s17;
	s17 =	smov.u32 s12;
	s12 =	smov.u32 s19;
	v11 =	vld [tilespmem:s14+$0x880];
	v12 =	vpop (erf)  }
0x127: {  	s19 =	smov.u32 s14;
	v13 =	vadd.f32 $1.000000020e-16, v13;
	v12 =	vmul.f32 v12, v10  }
0x128: {  	v10 =	vld [tilespmem:s17+$0x80]  }
0x129: {  	(erf) = vrcp.f32 v13;
	v12 =	vmul.f32 $1.250000000e-01, v12  }
0x12a: {  	_ = 	snop  }
0x12b: {  	v9 =	vadd.f32 v11, v9;
	_ =	sdelay $0x1  }
0x12c: {  	v9 =	vadd.f32 $1.000000020e-16, v9  }
0x12d: {  	v11 =	vpop (erf)  }
0x12e: {  	v10 =	vmul.f32 v11, v10;
	(erf) = vrcp.f32 v9;
	_ =	sdelay $0x1  }
0x12f: {  	v9 =	vmul.f32 $1.250000000e-01, v10  }
0x130: {  	[tilespmem:s18+$0xC80] =	vst v12  }
0x131: {  	v10 =	vld [tilespmem:s12+$0x80];
	[tilespmem:s17+$0xC80] =	vst v9  }
0x132: {  	v9 =	vld [tilespmem:s19+$0x80];
	_ =	sdelay $0x2  }
0x133: {  	v11 =	vpop (erf)  }
0x134: {  	v10 =	vmul.f32 v11, v10;
	v11 =	vpop (erf)  }
0x135: {  	v9 =	vmul.f32 v11, v9  }
0x136: {  	v10 =	vmul.f32 $1.250000000e-01, v10  }
0x137: {  	v9 =	vmul.f32 $1.250000000e-01, v9  }
0x138: {  	[tilespmem:s12+$0xC80] =	vst v10  }
0x139: {  	s17 =	simm.s32 $0x1180;
	[tilespmem:s19+$0xC80] =	vst v9  }
0x13a: {  	v12 =	vld [tilespmem:s17+$0x0]  }
0x13b: {  	v13 =	vld [tilespmem:s17+$0xFFFFFF90]  }
0x13c: {  	v11 =	vld [tilespmem:s17+$0xFFFFFFC0]  }
0x13d: {  	v14 =	vld [tilespmem:s17+$0x40]  }
0x13e: {  	v15 =	vld [tilespmem:s17+$0xFFFFFFA0]  }
0x13f: {  	s19 =	simm.s32 $0x0;
	v16 =	vld [tilespmem:s17+$0xFFFFFFE0]  }
0x140: {  	v18 =	vld [tilespmem:s19+$0xC80]  }
0x141: {  	v17 =	vld [tilespmem:s17+$0xFFFFFFF0]  }
0x142: {  	v20 =	vld [tilespmem:s17+$0xFFFFFF00]  }
0x143: {  	v21 =	vld [tilespmem:s17+$0xFFFFFF20]  }
0x144: {  	v22 =	vld [tilespmem:s17+$0xFFFFFF30]  }
0x145: {  	v26 =	vld [tilespmem:s17+$0xFFFFFF80];
	v23 =	vperm.xlane v18, v1;
	v9 =	vperm.xlane v18, v7  }
0x146: {  	v27 =	vld [tilespmem:s17+$0xFFFFFF40];
	v25 =	vperm.xlane v18, v3;
	v10 =	vperm.xlane v18, v6  }
0x147: {  	v24 =	vld [tilespmem:s17+$0xFFFFFF10];
	v28 =	vperm.xlane v18, v4;
	v29 =	vperm.xlane v18, v2  }
0x148: {  	v30 =	vld [tilespmem:s17+$0xFFFFFF60];
	v34 =	vperm.xlane v18, v5;
	v20 =	vmul.f32 v20, v23  }
0x149: {  	v31 =	vld [tilespmem:s17+$0xFFFFFFB0];
	v21 =	vmul.f32 v21, v23;
	v22 =	vmul.f32 v22, v23  }
0x14a: {  	v33 =	vld [tilespmem:s17+$0x20];
	v32 =	vmul.f32 v11, v28;
	v26 =	vmul.f32 v26, v25  }
0x14b: {  	v19 =	vld [tilespmem:s17+$0xFFFFFFD0];
	v16 =	vmul.f32 v16, v28;
	v27 =	vmul.f32 v27, v29  }
0x14c: {  	v17 =	vmul.f32 v17, v28;
	v11 =	vadd.f32 $0.0e+00, v20;
	v20 =	vmul.f32 v24, v23;
	v23 =	vld [tilespmem:s17+$0xFFFFFF70]  }
0x14d: {  	v30 =	vmul.f32 v30, v29;
	v24 =	vmul.f32 v14, v10;
	v14 =	vadd.f32 $0.0e+00, v21;
	v21 =	vld [tilespmem:s17+$0xFFFFFF50]  }
0x14e: {  	v35 =	vld [tilespmem:s17+$0x30];
	v15 =	vmul.f32 v15, v25;
	v31 =	vmul.f32 v31, v25  }
0x14f: {  	v61 =	vld [tilespmem:s17+$0x80];
	v25 =	vmul.f32 v13, v25;
	v60 =	vmul.f32 v33, v34;
	v27 =	vadd.f32 v27, v11  }
0x150: {  	v13 =	vld [tilespmem:s17+$0x10];
	v19 =	vmul.f32 v19, v28;
	v22 =	vadd.f32 $0.0e+00, v22;
	v14 =	vadd.f32 v30, v14  }
0x151: {  	v59 =	vld [tilespmem:s17+$0x60];
	v20 =	vadd.f32 $0.0e+00, v20;
	v26 =	vadd.f32 v26, v27;
	v23 =	vmul.f32 v23, v29  }
0x152: {  	v11 =	vld [tilespmem:s17+$0xB0];
	v27 =	vmul.f32 v12, v34;
	v14 =	vadd.f32 v15, v14;
	v21 =	vmul.f32 v21, v29  }
0x153: {  	v12 =	vperm.xlane v18, v8;
	v18 =	vadd.f32 v32, v26;
	v15 =	vadd.f32 v23, v22;
	v23 =	vld [tilespmem:s17+$0x70]  }
0x154: {  	v63 =	vmul.f32 v61, v9;
	v14 =	vadd.f32 v16, v14;
	v26 =	vld [tilespmem:s17+$0xC0];
	v20 =	vadd.f32 v21, v20  }
0x155: {  	v13 =	vmul.f32 v13, v34;
	v18 =	vadd.f32 v27, v18;
	v16 =	vadd.f32 v31, v15;
	v15 =	vld [tilespmem:s17+$0xA0]  }
0x156: {  	v27 =	vmul.f32 v59, v10;
	v20 =	vadd.f32 v25, v20;
	v25 =	vadd.f32 v60, v14;
	v14 =	vld [tilespmem:s17+$0x50]  }
0x157: {  	v22 =	vmul.f32 v35, v34;
	v24 =	vadd.f32 v24, v18;
	v62 =	vadd.f32 v17, v16;
	v17 =	vld [tilespmem:s17+$0x90]  }
0x158: {  	v18 =	vld [tilespmem:s17+$0xE0];
	v21 =	vadd.f32 v19, v20;
	v16 =	vadd.f32 v27, v25;
	v20 =	vmul.f32 v23, v10  }
0x159: {  	s18 =	simm.s32 $0x90A0;
	s12 =	simm.s32 $0x40;
	s19 =	simm.s32 $0x90A0;
	v19 =	vld [tilespmem:s17+$0xF0];
	v23 =	vadd.f32 v22, v62;
	v22 =	vadd.f32 v63, v24;
	v24 =	vmul.f32 v26, v12  }
.LBB2_15:
0x15a: {  	p0 =	sne.s32 s12, $0xFC0;
	v15 =	vmul.f32 v15, v9;
	v25 =	vld [tilespmem:s17+$0xD0];
	s17 =	sadd.s32 $0x200, s17;
	s19 =	sadd.s32 $0x40, s19  }
0x15b: {  	v13 =	vadd.f32 v13, v21;
	s13 =	smov.u32 s12;
	s12 =	sadd.s32 $0x40, s12;
	v10 =	vmul.f32 v14, v10;
	v14 =	vadd.f32 v24, v22  }
0x15c: {  	v20 =	vadd.f32 v20, v23;
	v17 =	vmul.f32 v17, v9;
	v9 =	vmul.f32 v11, v9  }
0x15d: {  	v11 =	vadd.f32 v15, v16;
	v10 =	vadd.f32 v10, v13;
	v13 =	vmul.f32 v18, v12;
	[tilespmem:s18+$0xFFFFFFE0] =	vst v14  }
0x15e: {  	v9 =	vadd.f32 v9, v20;
	v14 =	vmul.f32 v19, v12  }
0x15f: {  	v10 =	vadd.f32 v17, v10;
	v12 =	vmul.f32 v25, v12;
	v11 =	vadd.f32 v13, v11  }
0x160: {  	v9 =	vadd.f32 v14, v9  }
0x161: {  	v10 =	vadd.f32 v12, v10;
	[tilespmem:s18+$0x0] =	vst v11  }
0x162: {  	[tilespmem:s18+$0x10] =	vst v9  }
0x163: {  	[tilespmem:s18+$0xFFFFFFF0] =	vst v10;
	s18 =	smov.u32 s19  }
0x164: {  	v12 =	vld [tilespmem:s17+$0x0]  }
0x165: {  	v13 =	vld [tilespmem:s17+$0xFFFFFF90]  }
0x166: {  	v11 =	vld [tilespmem:s17+$0xFFFFFFC0]  }
0x167: {  	v14 =	vld [tilespmem:s17+$0x40]  }
0x168: {  	v15 =	vld [tilespmem:s17+$0xFFFFFFA0]  }
0x169: {  	v16 =	vld [tilespmem:s17+$0xFFFFFFE0]  }
0x16a: {  	s13 =	sshra.s32 s13, $0x2;
	v17 =	vld [tilespmem:s17+$0xFFFFFFF0]  }
0x16b: {  	v18 =	vld [tilespmem:s13+$0xC80]  }
0x16c: {  	v19 =	vld [tilespmem:s17+$0xFFFFFFD0]  }
0x16d: {  	v20 =	vld [tilespmem:s17+$0xFFFFFF00]  }
0x16e: {  	v21 =	vld [tilespmem:s17+$0xFFFFFF20]  }
0x16f: {  	v22 =	vld [tilespmem:s17+$0xFFFFFF30]  }
0x170: {  	v23 =	vperm.xlane v18, v1;
	v24 =	vld [tilespmem:s17+$0xFFFFFF10];
	v9 =	vperm.xlane v18, v7  }
0x171: {  	v25 =	vperm.xlane v18, v3;
	v10 =	vperm.xlane v18, v6;
	v26 =	vld [tilespmem:s17+$0xFFFFFF80]  }
0x172: {  	v28 =	vperm.xlane v18, v4;
	v20 =	vmul.f32 v20, v23;
	v27 =	vld [tilespmem:s17+$0xFFFFFF40]  }
0x173: {  	v29 =	vperm.xlane v18, v2;
	v21 =	vmul.f32 v21, v23;
	v30 =	vld [tilespmem:s17+$0xFFFFFF60]  }
0x174: {  	v32 =	vmul.f32 v11, v28;
	v20 =	vadd.f32 $0.0e+00, v20;
	v22 =	vmul.f32 v22, v23;
	v31 =	vld [tilespmem:s17+$0xFFFFFFB0]  }
0x175: {  	v11 =	vmul.f32 v24, v23;
	v21 =	vadd.f32 $0.0e+00, v21;
	v23 =	vld [tilespmem:s17+$0xFFFFFF70];
	v24 =	vmul.f32 v14, v10  }
0x176: {  	v16 =	vmul.f32 v16, v28;
	v14 =	vld [tilespmem:s17+$0xFFFFFF50];
	v26 =	vmul.f32 v26, v25  }
0x177: {  	v17 =	vmul.f32 v17, v28;
	v22 =	vadd.f32 $0.0e+00, v22;
	v27 =	vmul.f32 v27, v29;
	v33 =	vld [tilespmem:s17+$0x20]  }
0x178: {  	v35 =	vperm.xlane v18, v5;
	v34 =	vadd.f32 $0.0e+00, v11;
	v30 =	vmul.f32 v30, v29;
	v36 =	vld [tilespmem:s17+$0x30]  }
0x179: {  	v15 =	vmul.f32 v15, v25;
	v20 =	vadd.f32 v27, v20;
	v27 =	vmul.f32 v31, v25;
	v11 =	vld [tilespmem:s17+$0xB0]  }
0x17a: {  	v25 =	vmul.f32 v13, v25;
	v21 =	vadd.f32 v30, v21;
	v23 =	vmul.f32 v23, v29;
	v13 =	vld [tilespmem:s17+$0x10]  }
0x17b: {  	v14 =	vmul.f32 v14, v29;
	v20 =	vadd.f32 v26, v20;
	v26 =	vmul.f32 v12, v35;
	v29 =	vld [tilespmem:s17+$0x60]  }
0x17c: {  	v12 =	vperm.xlane v18, v8;
	v15 =	vadd.f32 v15, v21;
	v21 =	vmul.f32 v33, v35;
	v30 =	vld [tilespmem:s17+$0x80]  }
0x17d: {  	v18 =	vadd.f32 v23, v22;
	v20 =	vadd.f32 v32, v20;
	v22 =	vmul.f32 v36, v35;
	v23 =	vld [tilespmem:s17+$0x70]  }
0x17e: {  	v19 =	vmul.f32 v19, v28;
	v14 =	vadd.f32 v14, v34;
	v16 =	vadd.f32 v16, v15;
	v28 =	vld [tilespmem:s17+$0xC0]  }
.Ltmp6:
0x17f: {  	v18 =	vadd.f32 v27, v18;
	v20 =	vadd.f32 v26, v20;
	v13 =	vmul.f32 v13, v35;
	v15 =	vld [tilespmem:s17+$0xA0];
	(pc) =	sbr.rel @p0 .LBB2_15-.Ltmp6, $4  }
0x180: {  	v25 =	vadd.f32 v25, v14;
	v16 =	vadd.f32 v21, v16;
	v14 =	vld [tilespmem:s17+$0x50];
	v26 =	vmul.f32 v29, v10  }
0x181: {  	v27 =	vadd.f32 v17, v18;
	v24 =	vadd.f32 v24, v20;
	v29 =	vmul.f32 v30, v9;
	v17 =	vld [tilespmem:s17+$0x90]  }
0x182: {  	v21 =	vadd.f32 v19, v25;
	v16 =	vadd.f32 v26, v16;
	v20 =	vmul.f32 v23, v10;
	v18 =	vld [tilespmem:s17+$0xE0]  }
0x183: {  	v23 =	vadd.f32 v22, v27;
	v22 =	vadd.f32 v29, v24;
	v24 =	vmul.f32 v28, v12;
	v19 =	vld [tilespmem:s17+$0xF0]  }
0x184: {  	v25 =	vld [tilespmem:s17+$0xD0]  }
0x185: {  	v15 =	vmul.f32 v15, v9;
	v13 =	vadd.f32 v13, v21;
	v10 =	vmul.f32 v14, v10  }
0x186: {  	v59 =	vadd.f32 v20, v23;
	v17 =	vmul.f32 v17, v9;
	v9 =	vmul.f32 v11, v9  }
0x187: {  	v11 =	vadd.f32 v15, v16;
	v10 =	vadd.f32 v10, v13;
	v60 =	vmul.f32 v18, v12  }
0x188: {  	v61 =	vadd.f32 v24, v22;
	v9 =	vadd.f32 v9, v59;
	v62 =	vmul.f32 v19, v12  }
0x189: {  	v10 =	vadd.f32 v17, v10;
	v63 =	vmul.f32 v25, v12;
	v11 =	vadd.f32 v60, v11  }
0x18a: {  	[tilespmem:s18+$0xFFFFFFE0] =	vst v61;
	v9 =	vadd.f32 v62, v9  }
0x18b: {  	s9 =	sadd.s32 $0x1, s9;
	v10 =	vadd.f32 v63, v10;
	[tilespmem:s18+$0x0] =	vst v11  }
0x18c: {  	p0 =	sne.s32 s9, $0x54;
	[tilespmem:s18+$0x10] =	vst v9  }
.Ltmp7:
0x18d: {  	[tilespmem:s18+$0xFFFFFFF0] =	vst v10;
	(pc) =	sbr.rel @p0 .LBB2_12-.Ltmp7, $4  }
0x18e: {  	[spmem:s1] =	stream.indirect.scatter.add.f32 [tilespmem:s29], [sflag:$0x2], $0x40, s22, s22, $0xb8;
	[tilespmem:$0x16080] =	vst v63  }
0x18f: {  	_ =	swait.ge [sflag:s21], $0x1000  }
0x190: {  	[sflag:s21] =	ssyncset.done $0x0  }
0x191: {  	[sflag:s21] =	ssyncadd.s32 $0xFFFFF000  }
0x192: {  	[bflag:$0x0] =	sbarrier.arrive $0xFFFF  }
0x193: {  	s0 =	rddreg [dreg:$0x8]  }
0x194: {  	[hbm:s0], [sflag:s30] =	dma.local [spmem:s31], $0x1400  }
0x195: {  	_ =	swait.ge [sflag:s21], $0x1400  }
0x196: {  	s2 =	sadd.s32 $0x1, s2;
	s31 =	rddreg [dreg:$0x6]  }
0x197: {  	p0 =	sne.s32 s2, s31  }
.Ltmp8:
0x198: {  	_ = 	snop;
	(pc) =	sbr.rel @p0 .LBB2_1-.Ltmp8, $4  }
0x199: {  	[sflag:s21] =	ssyncset.done $0x0  }
0x19a: {  	[sflag:s21] =	ssyncadd.s32 $0xFFFFEC00  }
0x19b: {  	[bflag:$0x0] =	sbarrier.arrive $0xFFFF  }
0x19c: {  	s14 =	smov.u32 s15  }
0x19d: {  	_ =	sfence.sel $0x180000  }
0x19e: {  	[bflag:$0x0] =	sbarrier.arrive $0xFFFF  }
0x19f: {  	_ =	strace $0x9000004A  }
0x1a0: {  	s0 =	stileid.u32;
	[bflag:$0x2] =	sbarrier.arrive $0xFFFF  }
0x1a1: {  	p0 =	sne.s32 s0, $0x0;
	s0 =	rddreg [dreg:$0x2]  }
0x1a2: {  	s0 =	sadd.s32 @!p0 $0x100000, s0  }
0x1a3: {  	[sflag:s0] =	ssyncadd.tile.s32 @!p0 $0x1;
	_ =	shalt  }
.Lfunc_end2:
_tile_overlayer_lowered:
.L_overlay_start_2:
0x1a4: {  	(tag) =	ssettag $0x2  }
0x1a5: {  	s0 =	rddreg [dreg:$0x0];
	s2 =	stileid.u32  }
0x1a6: {  	s1 =	rddreg [dreg:$0x1];
	p0 =	sne.s32 s2, $0x0  }
0x1a7: {  	s3 =	rddreg [dreg:$0x2];
	[bflag:$0x3] =	sbarrier.arrive $0xFFFF;
	s2 =	simm.s32 @!p0 $0x1C02  }
0x1a8: {  	[timem:s3], [sflag:s2] =	dma.local @!p0 [hbm:s0], s1  }
0x1a9: {  	s0 =	simm.s32 @!p0 $0x2  }
0x1aa: {  	_ =	swait.ge @!p0 [sflag:s0], s1  }
0x1ab: {  	s1 =	ssub.s32 @!p0 $0x0, s1;
	[sflag:s0] =	ssyncset.done @!p0 $0x0  }
0x1ac: {  	[sflag:s0] =	ssyncadd.s32 @!p0 s1  }
0x1ad: {  	[bflag:$0x3] =	sbarrier.arrive $0xFFFF  }
0x1ae: {  	_ =	shalt  }

</sc_bundles>
